<compile_context>
chip_gen: v7x
topology: tpu7x:2x2x1
jax: 0.10.2.dev20260603
libtpu: 0.0.44.dev20260713+nightly
codegen_flags: <defaults>
</compile_context>

<pallas_src>
import functools

import jax
import jax.numpy as jnp
from jax import lax
from jax.experimental import pallas as pl
from jax.experimental.pallas import tpu as pltpu
from jax.experimental.pallas import tpu_sc as plsc

_N = 100000
_E = 6400000
_ROWS = 784
_NPAD = _ROWS * 128
_NC = 2
_NS = 16
_NW = _NC * _NS
_EPW = _E // _NW
_K = 1600
_STEPS = _EPW // _K
_NBUF = 3
_SL = _NPAD // _NS
_GAMMA = 0.5

_mesh = plsc.VectorSubcoreMesh(core_axis_name="c", subcore_axis_name="s")


@functools.partial(
    pl.kernel,
    mesh=_mesh,
    compiler_params=pltpu.CompilerParams(
        needs_layout_passes=False, use_tc_tiling_on_sc=False
    ),
    out_type=[
        jax.ShapeDtypeStruct((_NC, _NPAD), jnp.float32),
        jax.ShapeDtypeStruct((_NC, _NPAD), jnp.float32),
    ],
    scratch_types=[
        pltpu.VMEM((_NPAD,), jnp.float32),
        pltpu.VMEM((_NBUF, _K), jnp.int32),
        pltpu.VMEM((_NBUF, _K), jnp.int32),
        pltpu.VMEM((_NBUF, _K), jnp.float32),
        pltpu.VMEM((_K,), jnp.float32),
        pltpu.VMEM_SHARED((_NPAD,), jnp.float32),
        pltpu.VMEM_SHARED((_NPAD,), jnp.float32),
        pltpu.SemaphoreType.DMA,
        pltpu.SemaphoreType.DMA,
        pltpu.SemaphoreType.DMA,
        pltpu.SemaphoreType.DMA,
        pltpu.SemaphoreType.DMA,
        pltpu.SemaphoreType.DMA,
        pltpu.SemaphoreType.DMA,
        pltpu.SemaphoreType.DMA,
        pltpu.SemaphoreType.DMA,
        pltpu.SemaphoreType.DMA,
        pltpu.SemaphoreType.DMA,
        pltpu.SemaphoreType.DMA,
    ],
)
def _edge_pass(ei_hbm, mask_hbm, t_hbm, c_hbm,
               mask_v, i0_v, i1_v, val_v, ones_v, t_sh, c_sh,
               sl0_a, sl0_b, sl0_c, sl1_a, sl1_b, sl1_c,
               st_a, st_b, st_c, sc_a, sc_b, sc_c):
    cid = lax.axis_index("c")
    sid = lax.axis_index("s")
    wid = sid * _NC + cid
    sl0 = (sl0_a, sl0_b, sl0_c)
    sl1 = (sl1_a, sl1_b, sl1_c)
    st = (st_a, st_b, st_c)
    sc = (sc_a, sc_b, sc_c)

    pltpu.sync_copy(mask_hbm, mask_v)

    zeros16 = jnp.zeros((16,), jnp.float32)
    ones16 = jnp.ones((16,), jnp.float32)

    def _fill_z(i, carry):
        o = pl.multiple_of(i * 16, 16)
        val_v[0, pl.ds(o, 16)] = zeros16
        ones_v[pl.ds(o, 16)] = ones16
        return carry

    lax.fori_loop(0, _K // 16, _fill_z, 0)

    off = pl.multiple_of(sid * _SL, 8)
    pos = 0
    while pos < _SL:
        n = min(_K, _SL - pos)
        pltpu.sync_copy(val_v.at[0, pl.ds(0, n)], t_sh.at[pl.ds(off + pos, n)])
        pltpu.sync_copy(val_v.at[0, pl.ds(0, n)], c_sh.at[pl.ds(off + pos, n)])
        pos += n
    plsc.subcore_barrier()

    ebase = wid * _EPW

    def _load(s, p):
        base = pl.multiple_of(ebase + s * _K, 8)
        pltpu.async_copy(ei_hbm.at[pl.ds(base, _K)], i0_v.at[p], sl0[p])
        pltpu.async_copy(ei_hbm.at[pl.ds(base + _E, _K)], i1_v.at[p], sl1[p])

    def _wait_load(s, p):
        base = pl.multiple_of(ebase + s * _K, 8)
        pltpu.make_async_copy(ei_hbm.at[pl.ds(base, _K)], i0_v.at[p], sl0[p]).wait()
        pltpu.make_async_copy(ei_hbm.at[pl.ds(base + _E, _K)], i1_v.at[p], sl1[p]).wait()

    def _gather(p):
        def _g(j, c2):
            base_o = pl.multiple_of(j * 160, 16)
            for u in range(10):
                o = base_o + u * 16
                idx = i1_v[p, pl.ds(o, 16)]
                val_v[p, pl.ds(o, 16)] = plsc.load_gather(mask_v, [idx])
            return c2

        lax.fori_loop(0, _K // 160, _g, 0)

    def _scatter(p):
        pltpu.async_copy(val_v.at[p], t_sh.at[i0_v.at[p]], st[p], add=True)
        pltpu.async_copy(ones_v, c_sh.at[i0_v.at[p]], sc[p], add=True)

    def _wait_scatter(p):
        pltpu.make_async_copy(val_v.at[p], t_sh.at[i0_v.at[p]], st[p]).wait()
        pltpu.make_async_copy(ones_v, c_sh.at[i0_v.at[p]], sc[p]).wait()

    _load(0, 0)
    _load(1, 1)

    def _iter(g, carry):
        for ph in range(_NBUF):
            s = g * _NBUF + ph
            _wait_load(s, ph)
            _gather(ph)
            pprev = (ph + _NBUF - 1) % _NBUF

            if ph == 0:
                @pl.when(g > 0)
                def _():
                    _wait_scatter(pprev)
            else:
                _wait_scatter(pprev)

            _load(s + 2, (ph + 2) % _NBUF)
            _scatter(ph)
        return carry

    lax.fori_loop(0, _STEPS // _NBUF, _iter, 0)

    for s, ph in ((_STEPS - 2, 0), (_STEPS - 1, 1)):
        _wait_load(s, ph)
        _gather(ph)
        _wait_scatter((ph + _NBUF - 1) % _NBUF)
        _scatter(ph)
    _wait_scatter(1)

    plsc.subcore_barrier()
    pltpu.sync_copy(t_sh.at[pl.ds(off, _SL)], t_hbm.at[cid, pl.ds(off, _SL)])
    pltpu.sync_copy(c_sh.at[pl.ds(off, _SL)], c_hbm.at[cid, pl.ds(off, _SL)])


def _fin_body(m_ref, t_ref, c_ref, o_ref):
    m = m_ref[...]
    t = t_ref[...]
    c = c_ref[...]
    ts = t[0] + t[1]
    cs = c[0] + c[1]
    o_ref[...] = (1.0 - _GAMMA) * m + (_GAMMA * 0.5) * (cs * m + ts) / jnp.maximum(cs, 1.0)


_finalize = pl.pallas_call(
    _fin_body,
    out_shape=jax.ShapeDtypeStruct((_ROWS, 128), jnp.float32),
)


def kernel(mask, edge_index, assign_edge):
    del assign_edge
    mask_pad = jnp.pad(mask.reshape(-1), (0, _NPAD - _N))
    t, c = _edge_pass(edge_index.reshape(-1), mask_pad)
    out = _finalize(
        mask_pad.reshape(_ROWS, 128),
        t.reshape(_NC, _ROWS, 128),
        c.reshape(_NC, _ROWS, 128),
    )
    return out.reshape(-1)[:_N].reshape(_N, 1)

# --- scband reference (transcript-rebuilt; emitter-appended) ---
"""Pipeline reference for scband-mask-smooth-layer-34978213659345 (READ-ONLY COPY).

The authoritative reference and input builder live on the scoring server;
editing this copy changes nothing except your own understanding.
"""

import jax, jax.numpy as jnp
import numpy as np

GAMMA = 0.5
N = 100000
E = 6400000


def setup_inputs(seed: int = 0) -> dict:
    key = jax.random.key(seed)
    k1, k2 = jax.random.split(key)
    mask = jax.random.uniform(k1, (N, 1), dtype=jnp.float32)
    edge_index = jax.random.randint(k2, (2, E), 0, N, dtype=jnp.int32)
    return {"mask": mask, "edge_index": edge_index, "assign_edge": 0}


def _segment_mean_1d(data, seg, num_segments):
    s = jax.ops.segment_sum(data, seg, num_segments=num_segments)
    c = jax.ops.segment_sum(jnp.ones_like(data), seg, num_segments=num_segments)
    return s / jnp.clip(c, 1.0)


def reference(mask, edge_index, assign_edge):
    ei0 = edge_index[0]
    ei1 = edge_index[1]
    avg_edge_mask = (mask[ei0] + mask[ei1]) / 2.0
    s = jax.ops.segment_sum(avg_edge_mask, ei0, num_segments=N)
    c = jax.ops.segment_sum(jnp.ones((ei0.shape[0],), dtype=mask.dtype), ei0, num_segments=N)
    smoothed_mask = s / jnp.clip(c, 1.0)[:, None]
    smoothed_mask = smoothed_mask + assign_edge * jnp.zeros_like(smoothed_mask)
    smoothed_mask = smoothed_mask.reshape((-1, 1))
    out = (1.0 - GAMMA) * mask + GAMMA * smoothed_mask
    return out

if __name__ == "__main__":
    import jax
    _d = setup_inputs()
    print(jax.jit(kernel)(*tuple(_d.values())))

</pallas_src>

<mosaic_0001>
#map = affine_map<(d0, d1) -> (0)>
#map1 = affine_map<(d0, d1) -> (0, 0)>
module attributes {stable_mosaic.version = 14 : i64} {
  func.func @_edge_pass(%arg0: i32, %arg1: i32, %arg2: memref<12800000xi32, #tpu.memory_space<hbm>>, %arg3: memref<100352xf32, #tpu.memory_space<hbm>>, %arg4: memref<2x100352xf32, #tpu.memory_space<hbm>>, %arg5: memref<2x100352xf32, #tpu.memory_space<hbm>>, %arg6: memref<100352xf32, #tpu.memory_space<vmem>>, %arg7: memref<3x1600xi32, #tpu.memory_space<vmem>>, %arg8: memref<3x1600xi32, #tpu.memory_space<vmem>>, %arg9: memref<3x1600xf32, #tpu.memory_space<vmem>>, %arg10: memref<1600xf32, #tpu.memory_space<vmem>>, %arg11: memref<100352xf32, #tpu.memory_space<vmem_shared>>, %arg12: memref<100352xf32, #tpu.memory_space<vmem_shared>>, %arg13: memref<!tpu.dma_semaphore, #tpu.memory_space<semaphore_mem>>, %arg14: memref<!tpu.dma_semaphore, #tpu.memory_space<semaphore_mem>>, %arg15: memref<!tpu.dma_semaphore, #tpu.memory_space<semaphore_mem>>, %arg16: memref<!tpu.dma_semaphore, #tpu.memory_space<semaphore_mem>>, %arg17: memref<!tpu.dma_semaphore, #tpu.memory_space<semaphore_mem>>, %arg18: memref<!tpu.dma_semaphore, #tpu.memory_space<semaphore_mem>>, %arg19: memref<!tpu.dma_semaphore, #tpu.memory_space<semaphore_mem>>, %arg20: memref<!tpu.dma_semaphore, #tpu.memory_space<semaphore_mem>>, %arg21: memref<!tpu.dma_semaphore, #tpu.memory_space<semaphore_mem>>, %arg22: memref<!tpu.dma_semaphore, #tpu.memory_space<semaphore_mem>>, %arg23: memref<!tpu.dma_semaphore, #tpu.memory_space<semaphore_mem>>, %arg24: memref<!tpu.dma_semaphore, #tpu.memory_space<semaphore_mem>>) attributes {dimension_semantics = [#tpu.dimension_semantics<core_parallel>, #tpu.dimension_semantics<subcore_parallel>], iteration_bounds = array<i64: 2, 16>, scalar_prefetch = 0 : i64, scratch_operands = 19 : i64, tpu.core_type = #tpu.core_type<sc_vector_subcore>, window_params = [{transform_indices = #map}, {transform_indices = #map}, {transform_indices = #map1}, {transform_indices = #map1}]} {
    %mul3A = arith.constant 2 : i32
    %mul3A_0 = arith.muli %arg1, %mul3A : i32
    %add3A = arith.addi %mul3A_0, %arg0 : i32
    "tpu.region"() ({
      %run_scoped3A_225 = tpu.sem_alloc : memref<!tpu.dma_semaphore, #tpu.memory_space<semaphore_mem>>
      tpu.enqueue_dma source(%arg3 : memref<100352xf32, #tpu.memory_space<hbm>>) target(%arg6 : memref<100352xf32, #tpu.memory_space<vmem>>) target_semaphore(%run_scoped3A_225 : memref<!tpu.dma_semaphore, #tpu.memory_space<semaphore_mem>>)
      tpu.wait_dma2 semaphore(%run_scoped3A_225 : memref<!tpu.dma_semaphore, #tpu.memory_space<semaphore_mem>>) src(%arg3 : memref<100352xf32, #tpu.memory_space<hbm>>) dst(%arg6 : memref<100352xf32, #tpu.memory_space<vmem>>)
      tpu.yield
    }) : () -> ()
    %broadcast_in_dim3A = arith.constant 0.000000e+00 : f32
    %broadcast_in_dim3A_1 = vector.broadcast %broadcast_in_dim3A : f32 to vector<16xf32>
    %broadcast_in_dim3A_2 = arith.constant 1.000000e+00 : f32
    %broadcast_in_dim3A_3 = vector.broadcast %broadcast_in_dim3A_2 : f32 to vector<16xf32>
    %scan3A = arith.constant 0 : i32
    %scan3A_4 = arith.constant 0 : i32
    %scan3A_5 = arith.constant 100 : i32
    %scan3A_6 = arith.addi %scan3A_4, %scan3A_5 : i32
    %scan3A_7 = arith.constant 1 : i32
    scf.for %scan3A_225 = %scan3A_4 to %scan3A_6 step %scan3A_7  : i32 {
      %mul3A_226 = arith.constant 16 : i32
      %mul3A_227 = arith.muli %scan3A_225, %mul3A_226 : i32
      %multiple_of3A_228 = tpu.assume_multiple %mul3A_227, 16 : i32
      %swap3A = arith.constant 0 : i32
      %swap3A_229 = arith.index_cast %swap3A : i32 to index
      %swap3A_230 = arith.index_cast %multiple_of3A_228 : i32 to index
      %swap3A_231 = tpu.vector_load %arg9[%swap3A_229, %swap3A_230] {strides = array<i32>} : memref<3x1600xf32, #tpu.memory_space<vmem>>, vector<16xf32>,
      tpu.vector_store %arg9[%swap3A_229, %swap3A_230], %broadcast_in_dim3A_1 {strides = array<i32>} : memref<3x1600xf32, #tpu.memory_space<vmem>>, vector<16xf32>,
      %swap3A_232 = arith.index_cast %multiple_of3A_228 : i32 to index
      %swap3A_233 = tpu.vector_load %arg10[%swap3A_232] {strides = array<i32>} : memref<1600xf32, #tpu.memory_space<vmem>>, vector<16xf32>,
      tpu.vector_store %arg10[%swap3A_232], %broadcast_in_dim3A_3 {strides = array<i32>} : memref<1600xf32, #tpu.memory_space<vmem>>, vector<16xf32>,
    }
    %scan3A_8 = arith.constant 100 : i32
    %mul3A_9 = arith.constant 6272 : i32
    %mul3A_10 = arith.muli %arg1, %mul3A_9 : i32
    %multiple_of3A = tpu.assume_multiple %mul3A_10, 8 : i32
    %add3A_11 = arith.constant 0 : i32
    %add3A_12 = arith.addi %multiple_of3A, %add3A_11 : i32
    %run_scoped3A = arith.constant 0 : i32
    "tpu.region"() ({
      %run_scoped3A_225 = tpu.sem_alloc : memref<!tpu.dma_semaphore, #tpu.memory_space<semaphore_mem>>
      %dma_start3A_226 = arith.constant 0 : i32
      %dma_start3A_227 = tpu.memref_slice %arg9[%run_scoped3A, %dma_start3A_226] : memref<3x1600xf32, #tpu.memory_space<vmem>> -> memref<1x1600xf32, #tpu.memory_space<vmem>>
      %dma_start3A_228 = tpu.memref_squeeze %dma_start3A_227 : memref<1x1600xf32, #tpu.memory_space<vmem>> -> memref<1600xf32, #tpu.memory_space<vmem>>
      %dma_start3A_229 = tpu.memref_slice %arg11[%add3A_12] : memref<100352xf32, #tpu.memory_space<vmem_shared>> -> memref<1600xf32, #tpu.memory_space<vmem_shared>>
      %dma_start3A_230 = tpu.memref_slice %arg11[%add3A_12] : memref<100352xf32, #tpu.memory_space<vmem_shared>> -> memref<1600xf32, #tpu.memory_space<vmem_shared>>
      %dma_start3A_231 = arith.constant 0 : i32
      %dma_start3A_232 = tpu.memref_slice %arg9[%run_scoped3A, %dma_start3A_231] : memref<3x1600xf32, #tpu.memory_space<vmem>> -> memref<1x1600xf32, #tpu.memory_space<vmem>>
      %dma_start3A_233 = tpu.memref_squeeze %dma_start3A_232 : memref<1x1600xf32, #tpu.memory_space<vmem>> -> memref<1600xf32, #tpu.memory_space<vmem>>
      tpu.enqueue_dma source(%dma_start3A_233 : memref<1600xf32, #tpu.memory_space<vmem>>) target(%dma_start3A_230 : memref<1600xf32, #tpu.memory_space<vmem_shared>>) target_semaphore(%run_scoped3A_225 : memref<!tpu.dma_semaphore, #tpu.memory_space<semaphore_mem>>)
      %dma_wait3A_234 = arith.constant 0 : i32
      %dma_wait3A_235 = tpu.memref_slice %arg9[%run_scoped3A, %dma_wait3A_234] : memref<3x1600xf32, #tpu.memory_space<vmem>> -> memref<1x1600xf32, #tpu.memory_space<vmem>>
      %dma_wait3A_236 = tpu.memref_squeeze %dma_wait3A_235 : memref<1x1600xf32, #tpu.memory_space<vmem>> -> memref<1600xf32, #tpu.memory_space<vmem>>
      %dma_wait3A_237 = tpu.memref_slice %arg11[%add3A_12] : memref<100352xf32, #tpu.memory_space<vmem_shared>> -> memref<1600xf32, #tpu.memory_space<vmem_shared>>
      %dma_wait3A_238 = tpu.memref_slice %arg11[%add3A_12] : memref<100352xf32, #tpu.memory_space<vmem_shared>> -> memref<1600xf32, #tpu.memory_space<vmem_shared>>
      %dma_wait3A_239 = arith.constant 0 : i32
      %dma_wait3A_240 = tpu.memref_slice %arg9[%run_scoped3A, %dma_wait3A_239] : memref<3x1600xf32, #tpu.memory_space<vmem>> -> memref<1x1600xf32, #tpu.memory_space<vmem>>
      %dma_wait3A_241 = tpu.memref_squeeze %dma_wait3A_240 : memref<1x1600xf32, #tpu.memory_space<vmem>> -> memref<1600xf32, #tpu.memory_space<vmem>>
      tpu.wait_dma2 semaphore(%run_scoped3A_225 : memref<!tpu.dma_semaphore, #tpu.memory_space<semaphore_mem>>) src(%dma_wait3A_241 : memref<1600xf32, #tpu.memory_space<vmem>>) dst(%dma_wait3A_238 : memref<1600xf32, #tpu.memory_space<vmem_shared>>)
      tpu.yield
    }) : () -> ()
    %add3A_13 = arith.constant 0 : i32
    %add3A_14 = arith.addi %multiple_of3A, %add3A_13 : i32
    %run_scoped3A_15 = arith.constant 0 : i32
    "tpu.region"() ({
      %run_scoped3A_225 = tpu.sem_alloc : memref<!tpu.dma_semaphore, #tpu.memory_space<semaphore_mem>>
      %dma_start3A_226 = arith.constant 0 : i32
      %dma_start3A_227 = tpu.memref_slice %arg9[%run_scoped3A_15, %dma_start3A_226] : memref<3x1600xf32, #tpu.memory_space<vmem>> -> memref<1x1600xf32, #tpu.memory_space<vmem>>
      %dma_start3A_228 = tpu.memref_squeeze %dma_start3A_227 : memref<1x1600xf32, #tpu.memory_space<vmem>> -> memref<1600xf32, #tpu.memory_space<vmem>>
      %dma_start3A_229 = tpu.memref_slice %arg12[%add3A_14] : memref<100352xf32, #tpu.memory_space<vmem_shared>> -> memref<1600xf32, #tpu.memory_space<vmem_shared>>
      %dma_start3A_230 = tpu.memref_slice %arg12[%add3A_14] : memref<100352xf32, #tpu.memory_space<vmem_shared>> -> memref<1600xf32, #tpu.memory_space<vmem_shared>>
      %dma_start3A_231 = arith.constant 0 : i32
      %dma_start3A_232 = tpu.memref_slice %arg9[%run_scoped3A_15, %dma_start3A_231] : memref<3x1600xf32, #tpu.memory_space<vmem>> -> memref<1x1600xf32, #tpu.memory_space<vmem>>
      %dma_start3A_233 = tpu.memref_squeeze %dma_start3A_232 : memref<1x1600xf32, #tpu.memory_space<vmem>> -> memref<1600xf32, #tpu.memory_space<vmem>>
      tpu.enqueue_dma source(%dma_start3A_233 : memref<1600xf32, #tpu.memory_space<vmem>>) target(%dma_start3A_230 : memref<1600xf32, #tpu.memory_space<vmem_shared>>) target_semaphore(%run_scoped3A_225 : memref<!tpu.dma_semaphore, #tpu.memory_space<semaphore_mem>>)
      %dma_wait3A_234 = arith.constant 0 : i32
      %dma_wait3A_235 = tpu.memref_slice %arg9[%run_scoped3A_15, %dma_wait3A_234] : memref<3x1600xf32, #tpu.memory_space<vmem>> -> memref<1x1600xf32, #tpu.memory_space<vmem>>
      %dma_wait3A_236 = tpu.memref_squeeze %dma_wait3A_235 : memref<1x1600xf32, #tpu.memory_space<vmem>> -> memref<1600xf32, #tpu.memory_space<vmem>>
      %dma_wait3A_237 = tpu.memref_slice %arg12[%add3A_14] : memref<100352xf32, #tpu.memory_space<vmem_shared>> -> memref<1600xf32, #tpu.memory_space<vmem_shared>>
      %dma_wait3A_238 = tpu.memref_slice %arg12[%add3A_14] : memref<100352xf32, #tpu.memory_space<vmem_shared>> -> memref<1600xf32, #tpu.memory_space<vmem_shared>>
      %dma_wait3A_239 = arith.constant 0 : i32
      %dma_wait3A_240 = tpu.memref_slice %arg9[%run_scoped3A_15, %dma_wait3A_239] : memref<3x1600xf32, #tpu.memory_space<vmem>> -> memref<1x1600xf32, #tpu.memory_space<vmem>>
      %dma_wait3A_241 = tpu.memref_squeeze %dma_wait3A_240 : memref<1x1600xf32, #tpu.memory_space<vmem>> -> memref<1600xf32, #tpu.memory_space<vmem>>
      tpu.wait_dma2 semaphore(%run_scoped3A_225 : memref<!tpu.dma_semaphore, #tpu.memory_space<semaphore_mem>>) src(%dma_wait3A_241 : memref<1600xf32, #tpu.memory_space<vmem>>) dst(%dma_wait3A_238 : memref<1600xf32, #tpu.memory_space<vmem_shared>>)
      tpu.yield
    }) : () -> ()
    %add3A_16 = arith.constant 1600 : i32
    %add3A_17 = arith.addi %multiple_of3A, %add3A_16 : i32
    %run_scoped3A_18 = arith.constant 0 : i32
    "tpu.region"() ({
      %run_scoped3A_225 = tpu.sem_alloc : memref<!tpu.dma_semaphore, #tpu.memory_space<semaphore_mem>>
      %dma_start3A_226 = arith.constant 0 : i32
      %dma_start3A_227 = tpu.memref_slice %arg9[%run_scoped3A_18, %dma_start3A_226] : memref<3x1600xf32, #tpu.memory_space<vmem>> -> memref<1x1600xf32, #tpu.memory_space<vmem>>
      %dma_start3A_228 = tpu.memref_squeeze %dma_start3A_227 : memref<1x1600xf32, #tpu.memory_space<vmem>> -> memref<1600xf32, #tpu.memory_space<vmem>>
      %dma_start3A_229 = tpu.memref_slice %arg11[%add3A_17] : memref<100352xf32, #tpu.memory_space<vmem_shared>> -> memref<1600xf32, #tpu.memory_space<vmem_shared>>
      %dma_start3A_230 = tpu.memref_slice %arg11[%add3A_17] : memref<100352xf32, #tpu.memory_space<vmem_shared>> -> memref<1600xf32, #tpu.memory_space<vmem_shared>>
      %dma_start3A_231 = arith.constant 0 : i32
      %dma_start3A_232 = tpu.memref_slice %arg9[%run_scoped3A_18, %dma_start3A_231] : memref<3x1600xf32, #tpu.memory_space<vmem>> -> memref<1x1600xf32, #tpu.memory_space<vmem>>
      %dma_start3A_233 = tpu.memref_squeeze %dma_start3A_232 : memref<1x1600xf32, #tpu.memory_space<vmem>> -> memref<1600xf32, #tpu.memory_space<vmem>>
      tpu.enqueue_dma source(%dma_start3A_233 : memref<1600xf32, #tpu.memory_space<vmem>>) target(%dma_start3A_230 : memref<1600xf32, #tpu.memory_space<vmem_shared>>) target_semaphore(%run_scoped3A_225 : memref<!tpu.dma_semaphore, #tpu.memory_space<semaphore_mem>>)
      %dma_wait3A_234 = arith.constant 0 : i32
      %dma_wait3A_235 = tpu.memref_slice %arg9[%run_scoped3A_18, %dma_wait3A_234] : memref<3x1600xf32, #tpu.memory_space<vmem>> -> memref<1x1600xf32, #tpu.memory_space<vmem>>
      %dma_wait3A_236 = tpu.memref_squeeze %dma_wait3A_235 : memref<1x1600xf32, #tpu.memory_space<vmem>> -> memref<1600xf32, #tpu.memory_space<vmem>>
      %dma_wait3A_237 = tpu.memref_slice %arg11[%add3A_17] : memref<100352xf32, #tpu.memory_space<vmem_shared>> -> memref<1600xf32, #tpu.memory_space<vmem_shared>>
      %dma_wait3A_238 = tpu.memref_slice %arg11[%add3A_17] : memref<100352xf32, #tpu.memory_space<vmem_shared>> -> memref<1600xf32, #tpu.memory_space<vmem_shared>>
      %dma_wait3A_239 = arith.constant 0 : i32
      %dma_wait3A_240 = tpu.memref_slice %arg9[%run_scoped3A_18, %dma_wait3A_239] : memref<3x1600xf32, #tpu.memory_space<vmem>> -> memref<1x1600xf32, #tpu.memory_space<vmem>>
      %dma_wait3A_241 = tpu.memref_squeeze %dma_wait3A_240 : memref<1x1600xf32, #tpu.memory_space<vmem>> -> memref<1600xf32, #tpu.memory_space<vmem>>
      tpu.wait_dma2 semaphore(%run_scoped3A_225 : memref<!tpu.dma_semaphore, #tpu.memory_space<semaphore_mem>>) src(%dma_wait3A_241 : memref<1600xf32, #tpu.memory_space<vmem>>) dst(%dma_wait3A_238 : memref<1600xf32, #tpu.memory_space<vmem_shared>>)
      tpu.yield
    }) : () -> ()
    %add3A_19 = arith.constant 1600 : i32
    %add3A_20 = arith.addi %multiple_of3A, %add3A_19 : i32
    %run_scoped3A_21 = arith.constant 0 : i32
    "tpu.region"() ({
      %run_scoped3A_225 = tpu.sem_alloc : memref<!tpu.dma_semaphore, #tpu.memory_space<semaphore_mem>>
      %dma_start3A_226 = arith.constant 0 : i32
      %dma_start3A_227 = tpu.memref_slice %arg9[%run_scoped3A_21, %dma_start3A_226] : memref<3x1600xf32, #tpu.memory_space<vmem>> -> memref<1x1600xf32, #tpu.memory_space<vmem>>
      %dma_start3A_228 = tpu.memref_squeeze %dma_start3A_227 : memref<1x1600xf32, #tpu.memory_space<vmem>> -> memref<1600xf32, #tpu.memory_space<vmem>>
      %dma_start3A_229 = tpu.memref_slice %arg12[%add3A_20] : memref<100352xf32, #tpu.memory_space<vmem_shared>> -> memref<1600xf32, #tpu.memory_space<vmem_shared>>
      %dma_start3A_230 = tpu.memref_slice %arg12[%add3A_20] : memref<100352xf32, #tpu.memory_space<vmem_shared>> -> memref<1600xf32, #tpu.memory_space<vmem_shared>>
      %dma_start3A_231 = arith.constant 0 : i32
      %dma_start3A_232 = tpu.memref_slice %arg9[%run_scoped3A_21, %dma_start3A_231] : memref<3x1600xf32, #tpu.memory_space<vmem>> -> memref<1x1600xf32, #tpu.memory_space<vmem>>
      %dma_start3A_233 = tpu.memref_squeeze %dma_start3A_232 : memref<1x1600xf32, #tpu.memory_space<vmem>> -> memref<1600xf32, #tpu.memory_space<vmem>>
      tpu.enqueue_dma source(%dma_start3A_233 : memref<1600xf32, #tpu.memory_space<vmem>>) target(%dma_start3A_230 : memref<1600xf32, #tpu.memory_space<vmem_shared>>) target_semaphore(%run_scoped3A_225 : memref<!tpu.dma_semaphore, #tpu.memory_space<semaphore_mem>>)
      %dma_wait3A_234 = arith.constant 0 : i32
      %dma_wait3A_235 = tpu.memref_slice %arg9[%run_scoped3A_21, %dma_wait3A_234] : memref<3x1600xf32, #tpu.memory_space<vmem>> -> memref<1x1600xf32, #tpu.memory_space<vmem>>
      %dma_wait3A_236 = tpu.memref_squeeze %dma_wait3A_235 : memref<1x1600xf32, #tpu.memory_space<vmem>> -> memref<1600xf32, #tpu.memory_space<vmem>>
      %dma_wait3A_237 = tpu.memref_slice %arg12[%add3A_20] : memref<100352xf32, #tpu.memory_space<vmem_shared>> -> memref<1600xf32, #tpu.memory_space<vmem_shared>>
      %dma_wait3A_238 = tpu.memref_slice %arg12[%add3A_20] : memref<100352xf32, #tpu.memory_space<vmem_shared>> -> memref<1600xf32, #tpu.memory_space<vmem_shared>>
      %dma_wait3A_239 = arith.constant 0 : i32
      %dma_wait3A_240 = tpu.memref_slice %arg9[%run_scoped3A_21, %dma_wait3A_239] : memref<3x1600xf32, #tpu.memory_space<vmem>> -> memref<1x1600xf32, #tpu.memory_space<vmem>>
      %dma_wait3A_241 = tpu.memref_squeeze %dma_wait3A_240 : memref<1x1600xf32, #tpu.memory_space<vmem>> -> memref<1600xf32, #tpu.memory_space<vmem>>
      tpu.wait_dma2 semaphore(%run_scoped3A_225 : memref<!tpu.dma_semaphore, #tpu.memory_space<semaphore_mem>>) src(%dma_wait3A_241 : memref<1600xf32, #tpu.memory_space<vmem>>) dst(%dma_wait3A_238 : memref<1600xf32, #tpu.memory_space<vmem_shared>>)
      tpu.yield
    }) : () -> ()
    %add3A_22 = arith.constant 3200 : i32
    %add3A_23 = arith.addi %multiple_of3A, %add3A_22 : i32
    %run_scoped3A_24 = arith.constant 0 : i32
    "tpu.region"() ({
      %run_scoped3A_225 = tpu.sem_alloc : memref<!tpu.dma_semaphore, #tpu.memory_space<semaphore_mem>>
      %dma_start3A_226 = arith.constant 0 : i32
      %dma_start3A_227 = tpu.memref_slice %arg9[%run_scoped3A_24, %dma_start3A_226] : memref<3x1600xf32, #tpu.memory_space<vmem>> -> memref<1x1600xf32, #tpu.memory_space<vmem>>
      %dma_start3A_228 = tpu.memref_squeeze %dma_start3A_227 : memref<1x1600xf32, #tpu.memory_space<vmem>> -> memref<1600xf32, #tpu.memory_space<vmem>>
      %dma_start3A_229 = tpu.memref_slice %arg11[%add3A_23] : memref<100352xf32, #tpu.memory_space<vmem_shared>> -> memref<1600xf32, #tpu.memory_space<vmem_shared>>
      %dma_start3A_230 = tpu.memref_slice %arg11[%add3A_23] : memref<100352xf32, #tpu.memory_space<vmem_shared>> -> memref<1600xf32, #tpu.memory_space<vmem_shared>>
      %dma_start3A_231 = arith.constant 0 : i32
      %dma_start3A_232 = tpu.memref_slice %arg9[%run_scoped3A_24, %dma_start3A_231] : memref<3x1600xf32, #tpu.memory_space<vmem>> -> memref<1x1600xf32, #tpu.memory_space<vmem>>
      %dma_start3A_233 = tpu.memref_squeeze %dma_start3A_232 : memref<1x1600xf32, #tpu.memory_space<vmem>> -> memref<1600xf32, #tpu.memory_space<vmem>>
      tpu.enqueue_dma source(%dma_start3A_233 : memref<1600xf32, #tpu.memory_space<vmem>>) target(%dma_start3A_230 : memref<1600xf32, #tpu.memory_space<vmem_shared>>) target_semaphore(%run_scoped3A_225 : memref<!tpu.dma_semaphore, #tpu.memory_space<semaphore_mem>>)
      %dma_wait3A_234 = arith.constant 0 : i32
      %dma_wait3A_235 = tpu.memref_slice %arg9[%run_scoped3A_24, %dma_wait3A_234] : memref<3x1600xf32, #tpu.memory_space<vmem>> -> memref<1x1600xf32, #tpu.memory_space<vmem>>
      %dma_wait3A_236 = tpu.memref_squeeze %dma_wait3A_235 : memref<1x1600xf32, #tpu.memory_space<vmem>> -> memref<1600xf32, #tpu.memory_space<vmem>>
      %dma_wait3A_237 = tpu.memref_slice %arg11[%add3A_23] : memref<100352xf32, #tpu.memory_space<vmem_shared>> -> memref<1600xf32, #tpu.memory_space<vmem_shared>>
      %dma_wait3A_238 = tpu.memref_slice %arg11[%add3A_23] : memref<100352xf32, #tpu.memory_space<vmem_shared>> -> memref<1600xf32, #tpu.memory_space<vmem_shared>>
      %dma_wait3A_239 = arith.constant 0 : i32
      %dma_wait3A_240 = tpu.memref_slice %arg9[%run_scoped3A_24, %dma_wait3A_239] : memref<3x1600xf32, #tpu.memory_space<vmem>> -> memref<1x1600xf32, #tpu.memory_space<vmem>>
      %dma_wait3A_241 = tpu.memref_squeeze %dma_wait3A_240 : memref<1x1600xf32, #tpu.memory_space<vmem>> -> memref<1600xf32, #tpu.memory_space<vmem>>
      tpu.wait_dma2 semaphore(%run_scoped3A_225 : memref<!tpu.dma_semaphore, #tpu.memory_space<semaphore_mem>>) src(%dma_wait3A_241 : memref<1600xf32, #tpu.memory_space<vmem>>) dst(%dma_wait3A_238 : memref<1600xf32, #tpu.memory_space<vmem_shared>>)
      tpu.yield
    }) : () -> ()
    %add3A_25 = arith.constant 3200 : i32
    %add3A_26 = arith.addi %multiple_of3A, %add3A_25 : i32
    %run_scoped3A_27 = arith.constant 0 : i32
    "tpu.region"() ({
      %run_scoped3A_225 = tpu.sem_alloc : memref<!tpu.dma_semaphore, #tpu.memory_space<semaphore_mem>>
      %dma_start3A_226 = arith.constant 0 : i32
      %dma_start3A_227 = tpu.memref_slice %arg9[%run_scoped3A_27, %dma_start3A_226] : memref<3x1600xf32, #tpu.memory_space<vmem>> -> memref<1x1600xf32, #tpu.memory_space<vmem>>
      %dma_start3A_228 = tpu.memref_squeeze %dma_start3A_227 : memref<1x1600xf32, #tpu.memory_space<vmem>> -> memref<1600xf32, #tpu.memory_space<vmem>>
      %dma_start3A_229 = tpu.memref_slice %arg12[%add3A_26] : memref<100352xf32, #tpu.memory_space<vmem_shared>> -> memref<1600xf32, #tpu.memory_space<vmem_shared>>
      %dma_start3A_230 = tpu.memref_slice %arg12[%add3A_26] : memref<100352xf32, #tpu.memory_space<vmem_shared>> -> memref<1600xf32, #tpu.memory_space<vmem_shared>>
      %dma_start3A_231 = arith.constant 0 : i32
      %dma_start3A_232 = tpu.memref_slice %arg9[%run_scoped3A_27, %dma_start3A_231] : memref<3x1600xf32, #tpu.memory_space<vmem>> -> memref<1x1600xf32, #tpu.memory_space<vmem>>
      %dma_start3A_233 = tpu.memref_squeeze %dma_start3A_232 : memref<1x1600xf32, #tpu.memory_space<vmem>> -> memref<1600xf32, #tpu.memory_space<vmem>>
      tpu.enqueue_dma source(%dma_start3A_233 : memref<1600xf32, #tpu.memory_space<vmem>>) target(%dma_start3A_230 : memref<1600xf32, #tpu.memory_space<vmem_shared>>) target_semaphore(%run_scoped3A_225 : memref<!tpu.dma_semaphore, #tpu.memory_space<semaphore_mem>>)
      %dma_wait3A_234 = arith.constant 0 : i32
      %dma_wait3A_235 = tpu.memref_slice %arg9[%run_scoped3A_27, %dma_wait3A_234] : memref<3x1600xf32, #tpu.memory_space<vmem>> -> memref<1x1600xf32, #tpu.memory_space<vmem>>
      %dma_wait3A_236 = tpu.memref_squeeze %dma_wait3A_235 : memref<1x1600xf32, #tpu.memory_space<vmem>> -> memref<1600xf32, #tpu.memory_space<vmem>>
      %dma_wait3A_237 = tpu.memref_slice %arg12[%add3A_26] : memref<100352xf32, #tpu.memory_space<vmem_shared>> -> memref<1600xf32, #tpu.memory_space<vmem_shared>>
      %dma_wait3A_238 = tpu.memref_slice %arg12[%add3A_26] : memref<100352xf32, #tpu.memory_space<vmem_shared>> -> memref<1600xf32, #tpu.memory_space<vmem_shared>>
      %dma_wait3A_239 = arith.constant 0 : i32
      %dma_wait3A_240 = tpu.memref_slice %arg9[%run_scoped3A_27, %dma_wait3A_239] : memref<3x1600xf32, #tpu.memory_space<vmem>> -> memref<1x1600xf32, #tpu.memory_space<vmem>>
      %dma_wait3A_241 = tpu.memref_squeeze %dma_wait3A_240 : memref<1x1600xf32, #tpu.memory_space<vmem>> -> memref<1600xf32, #tpu.memory_space<vmem>>
      tpu.wait_dma2 semaphore(%run_scoped3A_225 : memref<!tpu.dma_semaphore, #tpu.memory_space<semaphore_mem>>) src(%dma_wait3A_241 : memref<1600xf32, #tpu.memory_space<vmem>>) dst(%dma_wait3A_238 : memref<1600xf32, #tpu.memory_space<vmem_shared>>)
      tpu.yield
    }) : () -> ()
    %add3A_28 = arith.constant 4800 : i32
    %add3A_29 = arith.addi %multiple_of3A, %add3A_28 : i32
    %run_scoped3A_30 = arith.constant 0 : i32
    "tpu.region"() ({
      %run_scoped3A_225 = tpu.sem_alloc : memref<!tpu.dma_semaphore, #tpu.memory_space<semaphore_mem>>
      %dma_start3A_226 = arith.constant 0 : i32
      %dma_start3A_227 = tpu.memref_slice %arg9[%run_scoped3A_30, %dma_start3A_226] : memref<3x1600xf32, #tpu.memory_space<vmem>> -> memref<1x1472xf32, #tpu.memory_space<vmem>>
      %dma_start3A_228 = tpu.memref_squeeze %dma_start3A_227 : memref<1x1472xf32, #tpu.memory_space<vmem>> -> memref<1472xf32, #tpu.memory_space<vmem>>
      %dma_start3A_229 = tpu.memref_slice %arg11[%add3A_29] : memref<100352xf32, #tpu.memory_space<vmem_shared>> -> memref<1472xf32, #tpu.memory_space<vmem_shared>>
      %dma_start3A_230 = tpu.memref_slice %arg11[%add3A_29] : memref<100352xf32, #tpu.memory_space<vmem_shared>> -> memref<1472xf32, #tpu.memory_space<vmem_shared>>
      %dma_start3A_231 = arith.constant 0 : i32
      %dma_start3A_232 = tpu.memref_slice %arg9[%run_scoped3A_30, %dma_start3A_231] : memref<3x1600xf32, #tpu.memory_space<vmem>> -> memref<1x1472xf32, #tpu.memory_space<vmem>>
      %dma_start3A_233 = tpu.memref_squeeze %dma_start3A_232 : memref<1x1472xf32, #tpu.memory_space<vmem>> -> memref<1472xf32, #tpu.memory_space<vmem>>
      tpu.enqueue_dma source(%dma_start3A_233 : memref<1472xf32, #tpu.memory_space<vmem>>) target(%dma_start3A_230 : memref<1472xf32, #tpu.memory_space<vmem_shared>>) target_semaphore(%run_scoped3A_225 : memref<!tpu.dma_semaphore, #tpu.memory_space<semaphore_mem>>)
      %dma_wait3A_234 = arith.constant 0 : i32
      %dma_wait3A_235 = tpu.memref_slice %arg9[%run_scoped3A_30, %dma_wait3A_234] : memref<3x1600xf32, #tpu.memory_space<vmem>> -> memref<1x1472xf32, #tpu.memory_space<vmem>>
      %dma_wait3A_236 = tpu.memref_squeeze %dma_wait3A_235 : memref<1x1472xf32, #tpu.memory_space<vmem>> -> memref<1472xf32, #tpu.memory_space<vmem>>
      %dma_wait3A_237 = tpu.memref_slice %arg11[%add3A_29] : memref<100352xf32, #tpu.memory_space<vmem_shared>> -> memref<1472xf32, #tpu.memory_space<vmem_shared>>
      %dma_wait3A_238 = tpu.memref_slice %arg11[%add3A_29] : memref<100352xf32, #tpu.memory_space<vmem_shared>> -> memref<1472xf32, #tpu.memory_space<vmem_shared>>
      %dma_wait3A_239 = arith.constant 0 : i32
      %dma_wait3A_240 = tpu.memref_slice %arg9[%run_scoped3A_30, %dma_wait3A_239] : memref<3x1600xf32, #tpu.memory_space<vmem>> -> memref<1x1472xf32, #tpu.memory_space<vmem>>
      %dma_wait3A_241 = tpu.memref_squeeze %dma_wait3A_240 : memref<1x1472xf32, #tpu.memory_space<vmem>> -> memref<1472xf32, #tpu.memory_space<vmem>>
      tpu.wait_dma2 semaphore(%run_scoped3A_225 : memref<!tpu.dma_semaphore, #tpu.memory_space<semaphore_mem>>) src(%dma_wait3A_241 : memref<1472xf32, #tpu.memory_space<vmem>>) dst(%dma_wait3A_238 : memref<1472xf32, #tpu.memory_space<vmem_shared>>)
      tpu.yield
    }) : () -> ()
    %add3A_31 = arith.constant 4800 : i32
    %add3A_32 = arith.addi %multiple_of3A, %add3A_31 : i32
    %run_scoped3A_33 = arith.constant 0 : i32
    "tpu.region"() ({
      %run_scoped3A_225 = tpu.sem_alloc : memref<!tpu.dma_semaphore, #tpu.memory_space<semaphore_mem>>
      %dma_start3A_226 = arith.constant 0 : i32
      %dma_start3A_227 = tpu.memref_slice %arg9[%run_scoped3A_33, %dma_start3A_226] : memref<3x1600xf32, #tpu.memory_space<vmem>> -> memref<1x1472xf32, #tpu.memory_space<vmem>>
      %dma_start3A_228 = tpu.memref_squeeze %dma_start3A_227 : memref<1x1472xf32, #tpu.memory_space<vmem>> -> memref<1472xf32, #tpu.memory_space<vmem>>
      %dma_start3A_229 = tpu.memref_slice %arg12[%add3A_32] : memref<100352xf32, #tpu.memory_space<vmem_shared>> -> memref<1472xf32, #tpu.memory_space<vmem_shared>>
      %dma_start3A_230 = tpu.memref_slice %arg12[%add3A_32] : memref<100352xf32, #tpu.memory_space<vmem_shared>> -> memref<1472xf32, #tpu.memory_space<vmem_shared>>
      %dma_start3A_231 = arith.constant 0 : i32
      %dma_start3A_232 = tpu.memref_slice %arg9[%run_scoped3A_33, %dma_start3A_231] : memref<3x1600xf32, #tpu.memory_space<vmem>> -> memref<1x1472xf32, #tpu.memory_space<vmem>>
      %dma_start3A_233 = tpu.memref_squeeze %dma_start3A_232 : memref<1x1472xf32, #tpu.memory_space<vmem>> -> memref<1472xf32, #tpu.memory_space<vmem>>
      tpu.enqueue_dma source(%dma_start3A_233 : memref<1472xf32, #tpu.memory_space<vmem>>) target(%dma_start3A_230 : memref<1472xf32, #tpu.memory_space<vmem_shared>>) target_semaphore(%run_scoped3A_225 : memref<!tpu.dma_semaphore, #tpu.memory_space<semaphore_mem>>)
      %dma_wait3A_234 = arith.constant 0 : i32
      %dma_wait3A_235 = tpu.memref_slice %arg9[%run_scoped3A_33, %dma_wait3A_234] : memref<3x1600xf32, #tpu.memory_space<vmem>> -> memref<1x1472xf32, #tpu.memory_space<vmem>>
      %dma_wait3A_236 = tpu.memref_squeeze %dma_wait3A_235 : memref<1x1472xf32, #tpu.memory_space<vmem>> -> memref<1472xf32, #tpu.memory_space<vmem>>
      %dma_wait3A_237 = tpu.memref_slice %arg12[%add3A_32] : memref<100352xf32, #tpu.memory_space<vmem_shared>> -> memref<1472xf32, #tpu.memory_space<vmem_shared>>
      %dma_wait3A_238 = tpu.memref_slice %arg12[%add3A_32] : memref<100352xf32, #tpu.memory_space<vmem_shared>> -> memref<1472xf32, #tpu.memory_space<vmem_shared>>
      %dma_wait3A_239 = arith.constant 0 : i32
      %dma_wait3A_240 = tpu.memref_slice %arg9[%run_scoped3A_33, %dma_wait3A_239] : memref<3x1600xf32, #tpu.memory_space<vmem>> -> memref<1x1472xf32, #tpu.memory_space<vmem>>
      %dma_wait3A_241 = tpu.memref_squeeze %dma_wait3A_240 : memref<1x1472xf32, #tpu.memory_space<vmem>> -> memref<1472xf32, #tpu.memory_space<vmem>>
      tpu.wait_dma2 semaphore(%run_scoped3A_225 : memref<!tpu.dma_semaphore, #tpu.memory_space<semaphore_mem>>) src(%dma_wait3A_241 : memref<1472xf32, #tpu.memory_space<vmem>>) dst(%dma_wait3A_238 : memref<1472xf32, #tpu.memory_space<vmem_shared>>)
      tpu.yield
    }) : () -> ()
    %barrier3A = arith.constant 0 : index
    tpu.barrier barrier_id(%barrier3A)
    %mul3A_34 = arith.constant 200000 : i32
    %mul3A_35 = arith.muli %add3A, %mul3A_34 : i32
    %add3A_36 = arith.constant 0 : i32
    %add3A_37 = arith.addi %mul3A_35, %add3A_36 : i32
    %multiple_of3A_38 = tpu.assume_multiple %add3A_37, 8 : i32
    %dma_start3A = arith.constant 0 : i32
    %dma_start3A_39 = arith.constant 0 : i32
    %dma_start3A_40 = tpu.memref_slice %arg7[%dma_start3A, %dma_start3A_39] : memref<3x1600xi32, #tpu.memory_space<vmem>> -> memref<1x1600xi32, #tpu.memory_space<vmem>>
    %dma_start3A_41 = tpu.memref_squeeze %dma_start3A_40 : memref<1x1600xi32, #tpu.memory_space<vmem>> -> memref<1600xi32, #tpu.memory_space<vmem>>
    %dma_start3A_42 = tpu.memref_slice %arg2[%multiple_of3A_38] : memref<12800000xi32, #tpu.memory_space<hbm>> -> memref<1600xi32, #tpu.memory_space<hbm>>
    %dma_start3A_43 = arith.constant 0 : i32
    %dma_start3A_44 = tpu.memref_slice %arg7[%dma_start3A, %dma_start3A_43] : memref<3x1600xi32, #tpu.memory_space<vmem>> -> memref<1x1600xi32, #tpu.memory_space<vmem>>
    %dma_start3A_45 = tpu.memref_squeeze %dma_start3A_44 : memref<1x1600xi32, #tpu.memory_space<vmem>> -> memref<1600xi32, #tpu.memory_space<vmem>>
    %dma_start3A_46 = tpu.memref_slice %arg2[%multiple_of3A_38] : memref<12800000xi32, #tpu.memory_space<hbm>> -> memref<1600xi32, #tpu.memory_space<hbm>>
    tpu.enqueue_dma source(%dma_start3A_46 : memref<1600xi32, #tpu.memory_space<hbm>>) target(%dma_start3A_45 : memref<1600xi32, #tpu.memory_space<vmem>>) target_semaphore(%arg13 : memref<!tpu.dma_semaphore, #tpu.memory_space<semaphore_mem>>)
    %add3A_47 = arith.constant 6400000 : i32
    %add3A_48 = arith.addi %multiple_of3A_38, %add3A_47 : i32
    %dma_start3A_49 = arith.constant 0 : i32
    %dma_start3A_50 = arith.constant 0 : i32
    %dma_start3A_51 = tpu.memref_slice %arg8[%dma_start3A_49, %dma_start3A_50] : memref<3x1600xi32, #tpu.memory_space<vmem>> -> memref<1x1600xi32, #tpu.memory_space<vmem>>
    %dma_start3A_52 = tpu.memref_squeeze %dma_start3A_51 : memref<1x1600xi32, #tpu.memory_space<vmem>> -> memref<1600xi32, #tpu.memory_space<vmem>>
    %dma_start3A_53 = tpu.memref_slice %arg2[%add3A_48] : memref<12800000xi32, #tpu.memory_space<hbm>> -> memref<1600xi32, #tpu.memory_space<hbm>>
    %dma_start3A_54 = arith.constant 0 : i32
    %dma_start3A_55 = tpu.memref_slice %arg8[%dma_start3A_49, %dma_start3A_54] : memref<3x1600xi32, #tpu.memory_space<vmem>> -> memref<1x1600xi32, #tpu.memory_space<vmem>>
    %dma_start3A_56 = tpu.memref_squeeze %dma_start3A_55 : memref<1x1600xi32, #tpu.memory_space<vmem>> -> memref<1600xi32, #tpu.memory_space<vmem>>
    %dma_start3A_57 = tpu.memref_slice %arg2[%add3A_48] : memref<12800000xi32, #tpu.memory_space<hbm>> -> memref<1600xi32, #tpu.memory_space<hbm>>
    tpu.enqueue_dma source(%dma_start3A_57 : memref<1600xi32, #tpu.memory_space<hbm>>) target(%dma_start3A_56 : memref<1600xi32, #tpu.memory_space<vmem>>) target_semaphore(%arg16 : memref<!tpu.dma_semaphore, #tpu.memory_space<semaphore_mem>>)
    %add3A_58 = arith.constant 1600 : i32
    %add3A_59 = arith.addi %mul3A_35, %add3A_58 : i32
    %multiple_of3A_60 = tpu.assume_multiple %add3A_59, 8 : i32
    %dma_start3A_61 = arith.constant 1 : i32
    %dma_start3A_62 = arith.constant 0 : i32
    %dma_start3A_63 = tpu.memref_slice %arg7[%dma_start3A_61, %dma_start3A_62] : memref<3x1600xi32, #tpu.memory_space<vmem>> -> memref<1x1600xi32, #tpu.memory_space<vmem>>
    %dma_start3A_64 = tpu.memref_squeeze %dma_start3A_63 : memref<1x1600xi32, #tpu.memory_space<vmem>> -> memref<1600xi32, #tpu.memory_space<vmem>>
    %dma_start3A_65 = tpu.memref_slice %arg2[%multiple_of3A_60] : memref<12800000xi32, #tpu.memory_space<hbm>> -> memref<1600xi32, #tpu.memory_space<hbm>>
    %dma_start3A_66 = arith.constant 0 : i32
    %dma_start3A_67 = tpu.memref_slice %arg7[%dma_start3A_61, %dma_start3A_66] : memref<3x1600xi32, #tpu.memory_space<vmem>> -> memref<1x1600xi32, #tpu.memory_space<vmem>>
    %dma_start3A_68 = tpu.memref_squeeze %dma_start3A_67 : memref<1x1600xi32, #tpu.memory_space<vmem>> -> memref<1600xi32, #tpu.memory_space<vmem>>
    %dma_start3A_69 = tpu.memref_slice %arg2[%multiple_of3A_60] : memref<12800000xi32, #tpu.memory_space<hbm>> -> memref<1600xi32, #tpu.memory_space<hbm>>
    tpu.enqueue_dma source(%dma_start3A_69 : memref<1600xi32, #tpu.memory_space<hbm>>) target(%dma_start3A_68 : memref<1600xi32, #tpu.memory_space<vmem>>) target_semaphore(%arg14 : memref<!tpu.dma_semaphore, #tpu.memory_space<semaphore_mem>>)
    %add3A_70 = arith.constant 6400000 : i32
    %add3A_71 = arith.addi %multiple_of3A_60, %add3A_70 : i32
    %dma_start3A_72 = arith.constant 1 : i32
    %dma_start3A_73 = arith.constant 0 : i32
    %dma_start3A_74 = tpu.memref_slice %arg8[%dma_start3A_72, %dma_start3A_73] : memref<3x1600xi32, #tpu.memory_space<vmem>> -> memref<1x1600xi32, #tpu.memory_space<vmem>>
    %dma_start3A_75 = tpu.memref_squeeze %dma_start3A_74 : memref<1x1600xi32, #tpu.memory_space<vmem>> -> memref<1600xi32, #tpu.memory_space<vmem>>
    %dma_start3A_76 = tpu.memref_slice %arg2[%add3A_71] : memref<12800000xi32, #tpu.memory_space<hbm>> -> memref<1600xi32, #tpu.memory_space<hbm>>
    %dma_start3A_77 = arith.constant 0 : i32
    %dma_start3A_78 = tpu.memref_slice %arg8[%dma_start3A_72, %dma_start3A_77] : memref<3x1600xi32, #tpu.memory_space<vmem>> -> memref<1x1600xi32, #tpu.memory_space<vmem>>
    %dma_start3A_79 = tpu.memref_squeeze %dma_start3A_78 : memref<1x1600xi32, #tpu.memory_space<vmem>> -> memref<1600xi32, #tpu.memory_space<vmem>>
    %dma_start3A_80 = tpu.memref_slice %arg2[%add3A_71] : memref<12800000xi32, #tpu.memory_space<hbm>> -> memref<1600xi32, #tpu.memory_space<hbm>>
    tpu.enqueue_dma source(%dma_start3A_80 : memref<1600xi32, #tpu.memory_space<hbm>>) target(%dma_start3A_79 : memref<1600xi32, #tpu.memory_space<vmem>>) target_semaphore(%arg17 : memref<!tpu.dma_semaphore, #tpu.memory_space<semaphore_mem>>)
    %scan3A_81 = arith.constant 0 : i32
    %scan3A_82 = arith.constant 0 : i32
    %scan3A_83 = arith.constant 41 : i32
    %scan3A_84 = arith.addi %scan3A_82, %scan3A_83 : i32
    %scan3A_85 = arith.constant 1 : i32
    scf.for %scan3A_225 = %scan3A_82 to %scan3A_84 step %scan3A_85  : i32 {
      %mul3A_226 = arith.constant 3 : i32
      %mul3A_227 = arith.muli %scan3A_225, %mul3A_226 : i32
      %add3A_228 = arith.constant 0 : i32
      %add3A_229 = arith.addi %mul3A_227, %add3A_228 : i32
      %mul3A_230 = arith.constant 1600 : i32
      %mul3A_231 = arith.muli %add3A_229, %mul3A_230 : i32
      %add3A_232 = arith.addi %mul3A_35, %mul3A_231 : i32
      %multiple_of3A_233 = tpu.assume_multiple %add3A_232, 8 : i32
      %dma_wait3A_234 = arith.constant 0 : i32
      %dma_wait3A_235 = arith.constant 0 : i32
      %dma_wait3A_236 = tpu.memref_slice %arg7[%dma_wait3A_234, %dma_wait3A_235] : memref<3x1600xi32, #tpu.memory_space<vmem>> -> memref<1x1600xi32, #tpu.memory_space<vmem>>
      %dma_wait3A_237 = tpu.memref_squeeze %dma_wait3A_236 : memref<1x1600xi32, #tpu.memory_space<vmem>> -> memref<1600xi32, #tpu.memory_space<vmem>>
      %dma_wait3A_238 = tpu.memref_slice %arg2[%multiple_of3A_233] : memref<12800000xi32, #tpu.memory_space<hbm>> -> memref<1600xi32, #tpu.memory_space<hbm>>
      %dma_wait3A_239 = arith.constant 0 : i32
      %dma_wait3A_240 = tpu.memref_slice %arg7[%dma_wait3A_234, %dma_wait3A_239] : memref<3x1600xi32, #tpu.memory_space<vmem>> -> memref<1x1600xi32, #tpu.memory_space<vmem>>
      %dma_wait3A_241 = tpu.memref_squeeze %dma_wait3A_240 : memref<1x1600xi32, #tpu.memory_space<vmem>> -> memref<1600xi32, #tpu.memory_space<vmem>>
      %dma_wait3A_242 = tpu.memref_slice %arg2[%multiple_of3A_233] : memref<12800000xi32, #tpu.memory_space<hbm>> -> memref<1600xi32, #tpu.memory_space<hbm>>
      tpu.wait_dma2 semaphore(%arg13 : memref<!tpu.dma_semaphore, #tpu.memory_space<semaphore_mem>>) src(%dma_wait3A_242 : memref<1600xi32, #tpu.memory_space<hbm>>) dst(%dma_wait3A_241 : memref<1600xi32, #tpu.memory_space<vmem>>)
      %add3A_243 = arith.constant 6400000 : i32
      %add3A_244 = arith.addi %multiple_of3A_233, %add3A_243 : i32
      %dma_wait3A_245 = arith.constant 0 : i32
      %dma_wait3A_246 = arith.constant 0 : i32
      %dma_wait3A_247 = tpu.memref_slice %arg8[%dma_wait3A_245, %dma_wait3A_246] : memref<3x1600xi32, #tpu.memory_space<vmem>> -> memref<1x1600xi32, #tpu.memory_space<vmem>>
      %dma_wait3A_248 = tpu.memref_squeeze %dma_wait3A_247 : memref<1x1600xi32, #tpu.memory_space<vmem>> -> memref<1600xi32, #tpu.memory_space<vmem>>
      %dma_wait3A_249 = tpu.memref_slice %arg2[%add3A_244] : memref<12800000xi32, #tpu.memory_space<hbm>> -> memref<1600xi32, #tpu.memory_space<hbm>>
      %dma_wait3A_250 = arith.constant 0 : i32
      %dma_wait3A_251 = tpu.memref_slice %arg8[%dma_wait3A_245, %dma_wait3A_250] : memref<3x1600xi32, #tpu.memory_space<vmem>> -> memref<1x1600xi32, #tpu.memory_space<vmem>>
      %dma_wait3A_252 = tpu.memref_squeeze %dma_wait3A_251 : memref<1x1600xi32, #tpu.memory_space<vmem>> -> memref<1600xi32, #tpu.memory_space<vmem>>
      %dma_wait3A_253 = tpu.memref_slice %arg2[%add3A_244] : memref<12800000xi32, #tpu.memory_space<hbm>> -> memref<1600xi32, #tpu.memory_space<hbm>>
      tpu.wait_dma2 semaphore(%arg16 : memref<!tpu.dma_semaphore, #tpu.memory_space<semaphore_mem>>) src(%dma_wait3A_253 : memref<1600xi32, #tpu.memory_space<hbm>>) dst(%dma_wait3A_252 : memref<1600xi32, #tpu.memory_space<vmem>>)
      %scan3A_254 = arith.constant 0 : i32
      %scan3A_255 = arith.constant 0 : i32
      %scan3A_256 = arith.constant 10 : i32
      %scan3A_257 = arith.addi %scan3A_255, %scan3A_256 : i32
      %scan3A_258 = arith.constant 1 : i32
      scf.for %scan3A_488 = %scan3A_255 to %scan3A_257 step %scan3A_258  : i32 {
        %mul3A_489 = arith.constant 160 : i32
        %mul3A_490 = arith.muli %scan3A_488, %mul3A_489 : i32
        %multiple_of3A_491 = tpu.assume_multiple %mul3A_490, 16 : i32
        %add3A_492 = arith.constant 0 : i32
        %add3A_493 = arith.addi %multiple_of3A_491, %add3A_492 : i32
        %get3A = arith.constant 0 : i32
        %get3A_494 = arith.index_cast %get3A : i32 to index
        %get3A_495 = arith.index_cast %add3A_493 : i32 to index
        %get3A_496 = tpu.vector_load %arg8[%get3A_494, %get3A_495] {strides = array<i32>} : memref<3x1600xi32, #tpu.memory_space<vmem>>, vector<16xi32>,
        %gather3A = tpu.vector_load_idx %arg6[%get3A_496] : memref<100352xf32, #tpu.memory_space<vmem>>[vector<16xi32>], vector<16xf32>,
        %swap3A = arith.constant 0 : i32
        %swap3A_497 = arith.index_cast %swap3A : i32 to index
        %swap3A_498 = arith.index_cast %add3A_493 : i32 to index
        %swap3A_499 = tpu.vector_load %arg9[%swap3A_497, %swap3A_498] {strides = array<i32>} : memref<3x1600xf32, #tpu.memory_space<vmem>>, vector<16xf32>,
        tpu.vector_store %arg9[%swap3A_497, %swap3A_498], %gather3A {strides = array<i32>} : memref<3x1600xf32, #tpu.memory_space<vmem>>, vector<16xf32>,
        %add3A_500 = arith.constant 16 : i32
        %add3A_501 = arith.addi %multiple_of3A_491, %add3A_500 : i32
        %get3A_502 = arith.constant 0 : i32
        %get3A_503 = arith.index_cast %get3A_502 : i32 to index
        %get3A_504 = arith.index_cast %add3A_501 : i32 to index
        %get3A_505 = tpu.vector_load %arg8[%get3A_503, %get3A_504] {strides = array<i32>} : memref<3x1600xi32, #tpu.memory_space<vmem>>, vector<16xi32>,
        %gather3A_506 = tpu.vector_load_idx %arg6[%get3A_505] : memref<100352xf32, #tpu.memory_space<vmem>>[vector<16xi32>], vector<16xf32>,
        %swap3A_507 = arith.constant 0 : i32
        %swap3A_508 = arith.index_cast %swap3A_507 : i32 to index
        %swap3A_509 = arith.index_cast %add3A_501 : i32 to index
        %swap3A_510 = tpu.vector_load %arg9[%swap3A_508, %swap3A_509] {strides = array<i32>} : memref<3x1600xf32, #tpu.memory_space<vmem>>, vector<16xf32>,
        tpu.vector_store %arg9[%swap3A_508, %swap3A_509], %gather3A_506 {strides = array<i32>} : memref<3x1600xf32, #tpu.memory_space<vmem>>, vector<16xf32>,
        %add3A_511 = arith.constant 32 : i32
        %add3A_512 = arith.addi %multiple_of3A_491, %add3A_511 : i32
        %get3A_513 = arith.constant 0 : i32
        %get3A_514 = arith.index_cast %get3A_513 : i32 to index
        %get3A_515 = arith.index_cast %add3A_512 : i32 to index
        %get3A_516 = tpu.vector_load %arg8[%get3A_514, %get3A_515] {strides = array<i32>} : memref<3x1600xi32, #tpu.memory_space<vmem>>, vector<16xi32>,
        %gather3A_517 = tpu.vector_load_idx %arg6[%get3A_516] : memref<100352xf32, #tpu.memory_space<vmem>>[vector<16xi32>], vector<16xf32>,
        %swap3A_518 = arith.constant 0 : i32
        %swap3A_519 = arith.index_cast %swap3A_518 : i32 to index
        %swap3A_520 = arith.index_cast %add3A_512 : i32 to index
        %swap3A_521 = tpu.vector_load %arg9[%swap3A_519, %swap3A_520] {strides = array<i32>} : memref<3x1600xf32, #tpu.memory_space<vmem>>, vector<16xf32>,
        tpu.vector_store %arg9[%swap3A_519, %swap3A_520], %gather3A_517 {strides = array<i32>} : memref<3x1600xf32, #tpu.memory_space<vmem>>, vector<16xf32>,
        %add3A_522 = arith.constant 48 : i32
        %add3A_523 = arith.addi %multiple_of3A_491, %add3A_522 : i32
        %get3A_524 = arith.constant 0 : i32
        %get3A_525 = arith.index_cast %get3A_524 : i32 to index
        %get3A_526 = arith.index_cast %add3A_523 : i32 to index
        %get3A_527 = tpu.vector_load %arg8[%get3A_525, %get3A_526] {strides = array<i32>} : memref<3x1600xi32, #tpu.memory_space<vmem>>, vector<16xi32>,
        %gather3A_528 = tpu.vector_load_idx %arg6[%get3A_527] : memref<100352xf32, #tpu.memory_space<vmem>>[vector<16xi32>], vector<16xf32>,
        %swap3A_529 = arith.constant 0 : i32
        %swap3A_530 = arith.index_cast %swap3A_529 : i32 to index
        %swap3A_531 = arith.index_cast %add3A_523 : i32 to index
        %swap3A_532 = tpu.vector_load %arg9[%swap3A_530, %swap3A_531] {strides = array<i32>} : memref<3x1600xf32, #tpu.memory_space<vmem>>, vector<16xf32>,
        tpu.vector_store %arg9[%swap3A_530, %swap3A_531], %gather3A_528 {strides = array<i32>} : memref<3x1600xf32, #tpu.memory_space<vmem>>, vector<16xf32>,
        %add3A_533 = arith.constant 64 : i32
        %add3A_534 = arith.addi %multiple_of3A_491, %add3A_533 : i32
        %get3A_535 = arith.constant 0 : i32
        %get3A_536 = arith.index_cast %get3A_535 : i32 to index
        %get3A_537 = arith.index_cast %add3A_534 : i32 to index
        %get3A_538 = tpu.vector_load %arg8[%get3A_536, %get3A_537] {strides = array<i32>} : memref<3x1600xi32, #tpu.memory_space<vmem>>, vector<16xi32>,
        %gather3A_539 = tpu.vector_load_idx %arg6[%get3A_538] : memref<100352xf32, #tpu.memory_space<vmem>>[vector<16xi32>], vector<16xf32>,
        %swap3A_540 = arith.constant 0 : i32
        %swap3A_541 = arith.index_cast %swap3A_540 : i32 to index
        %swap3A_542 = arith.index_cast %add3A_534 : i32 to index
        %swap3A_543 = tpu.vector_load %arg9[%swap3A_541, %swap3A_542] {strides = array<i32>} : memref<3x1600xf32, #tpu.memory_space<vmem>>, vector<16xf32>,
        tpu.vector_store %arg9[%swap3A_541, %swap3A_542], %gather3A_539 {strides = array<i32>} : memref<3x1600xf32, #tpu.memory_space<vmem>>, vector<16xf32>,
        %add3A_544 = arith.constant 80 : i32
        %add3A_545 = arith.addi %multiple_of3A_491, %add3A_544 : i32
        %get3A_546 = arith.constant 0 : i32
        %get3A_547 = arith.index_cast %get3A_546 : i32 to index
        %get3A_548 = arith.index_cast %add3A_545 : i32 to index
        %get3A_549 = tpu.vector_load %arg8[%get3A_547, %get3A_548] {strides = array<i32>} : memref<3x1600xi32, #tpu.memory_space<vmem>>, vector<16xi32>,
        %gather3A_550 = tpu.vector_load_idx %arg6[%get3A_549] : memref<100352xf32, #tpu.memory_space<vmem>>[vector<16xi32>], vector<16xf32>,
        %swap3A_551 = arith.constant 0 : i32
        %swap3A_552 = arith.index_cast %swap3A_551 : i32 to index
        %swap3A_553 = arith.index_cast %add3A_545 : i32 to index
        %swap3A_554 = tpu.vector_load %arg9[%swap3A_552, %swap3A_553] {strides = array<i32>} : memref<3x1600xf32, #tpu.memory_space<vmem>>, vector<16xf32>,
        tpu.vector_store %arg9[%swap3A_552, %swap3A_553], %gather3A_550 {strides = array<i32>} : memref<3x1600xf32, #tpu.memory_space<vmem>>, vector<16xf32>,
        %add3A_555 = arith.constant 96 : i32
        %add3A_556 = arith.addi %multiple_of3A_491, %add3A_555 : i32
        %get3A_557 = arith.constant 0 : i32
        %get3A_558 = arith.index_cast %get3A_557 : i32 to index
        %get3A_559 = arith.index_cast %add3A_556 : i32 to index
        %get3A_560 = tpu.vector_load %arg8[%get3A_558, %get3A_559] {strides = array<i32>} : memref<3x1600xi32, #tpu.memory_space<vmem>>, vector<16xi32>,
        %gather3A_561 = tpu.vector_load_idx %arg6[%get3A_560] : memref<100352xf32, #tpu.memory_space<vmem>>[vector<16xi32>], vector<16xf32>,
        %swap3A_562 = arith.constant 0 : i32
        %swap3A_563 = arith.index_cast %swap3A_562 : i32 to index
        %swap3A_564 = arith.index_cast %add3A_556 : i32 to index
        %swap3A_565 = tpu.vector_load %arg9[%swap3A_563, %swap3A_564] {strides = array<i32>} : memref<3x1600xf32, #tpu.memory_space<vmem>>, vector<16xf32>,
        tpu.vector_store %arg9[%swap3A_563, %swap3A_564], %gather3A_561 {strides = array<i32>} : memref<3x1600xf32, #tpu.memory_space<vmem>>, vector<16xf32>,
        %add3A_566 = arith.constant 112 : i32
        %add3A_567 = arith.addi %multiple_of3A_491, %add3A_566 : i32
        %get3A_568 = arith.constant 0 : i32
        %get3A_569 = arith.index_cast %get3A_568 : i32 to index
        %get3A_570 = arith.index_cast %add3A_567 : i32 to index
        %get3A_571 = tpu.vector_load %arg8[%get3A_569, %get3A_570] {strides = array<i32>} : memref<3x1600xi32, #tpu.memory_space<vmem>>, vector<16xi32>,
        %gather3A_572 = tpu.vector_load_idx %arg6[%get3A_571] : memref<100352xf32, #tpu.memory_space<vmem>>[vector<16xi32>], vector<16xf32>,
        %swap3A_573 = arith.constant 0 : i32
        %swap3A_574 = arith.index_cast %swap3A_573 : i32 to index
        %swap3A_575 = arith.index_cast %add3A_567 : i32 to index
        %swap3A_576 = tpu.vector_load %arg9[%swap3A_574, %swap3A_575] {strides = array<i32>} : memref<3x1600xf32, #tpu.memory_space<vmem>>, vector<16xf32>,
        tpu.vector_store %arg9[%swap3A_574, %swap3A_575], %gather3A_572 {strides = array<i32>} : memref<3x1600xf32, #tpu.memory_space<vmem>>, vector<16xf32>,
        %add3A_577 = arith.constant 128 : i32
        %add3A_578 = arith.addi %multiple_of3A_491, %add3A_577 : i32
        %get3A_579 = arith.constant 0 : i32
        %get3A_580 = arith.index_cast %get3A_579 : i32 to index
        %get3A_581 = arith.index_cast %add3A_578 : i32 to index
        %get3A_582 = tpu.vector_load %arg8[%get3A_580, %get3A_581] {strides = array<i32>} : memref<3x1600xi32, #tpu.memory_space<vmem>>, vector<16xi32>,
        %gather3A_583 = tpu.vector_load_idx %arg6[%get3A_582] : memref<100352xf32, #tpu.memory_space<vmem>>[vector<16xi32>], vector<16xf32>,
        %swap3A_584 = arith.constant 0 : i32
        %swap3A_585 = arith.index_cast %swap3A_584 : i32 to index
        %swap3A_586 = arith.index_cast %add3A_578 : i32 to index
        %swap3A_587 = tpu.vector_load %arg9[%swap3A_585, %swap3A_586] {strides = array<i32>} : memref<3x1600xf32, #tpu.memory_space<vmem>>, vector<16xf32>,
        tpu.vector_store %arg9[%swap3A_585, %swap3A_586], %gather3A_583 {strides = array<i32>} : memref<3x1600xf32, #tpu.memory_space<vmem>>, vector<16xf32>,
        %add3A_588 = arith.constant 144 : i32
        %add3A_589 = arith.addi %multiple_of3A_491, %add3A_588 : i32
        %get3A_590 = arith.constant 0 : i32
        %get3A_591 = arith.index_cast %get3A_590 : i32 to index
        %get3A_592 = arith.index_cast %add3A_589 : i32 to index
        %get3A_593 = tpu.vector_load %arg8[%get3A_591, %get3A_592] {strides = array<i32>} : memref<3x1600xi32, #tpu.memory_space<vmem>>, vector<16xi32>,
        %gather3A_594 = tpu.vector_load_idx %arg6[%get3A_593] : memref<100352xf32, #tpu.memory_space<vmem>>[vector<16xi32>], vector<16xf32>,
        %swap3A_595 = arith.constant 0 : i32
        %swap3A_596 = arith.index_cast %swap3A_595 : i32 to index
        %swap3A_597 = arith.index_cast %add3A_589 : i32 to index
        %swap3A_598 = tpu.vector_load %arg9[%swap3A_596, %swap3A_597] {strides = array<i32>} : memref<3x1600xf32, #tpu.memory_space<vmem>>, vector<16xf32>,
        tpu.vector_store %arg9[%swap3A_596, %swap3A_597], %gather3A_594 {strides = array<i32>} : memref<3x1600xf32, #tpu.memory_space<vmem>>, vector<16xf32>,
      }
      %scan3A_259 = arith.constant 10 : i32
      %gt3A = arith.constant 0 : i32
      %gt3A_260 = arith.cmpi sgt, %scan3A_225, %gt3A : i32
      %convert_element_type3A = arith.extui %gt3A_260 : i1 to i32
      %cond3A = arith.constant 0 : i32
      %cond3A_261 = arith.cmpi ne, %convert_element_type3A, %cond3A : i32
      scf.if %cond3A_261 {
        %dma_wait3A_488 = arith.constant 2 : i32
        %dma_wait3A_489 = arith.constant 2 : i32
        %dma_wait3A_490 = arith.constant 0 : i32
        %dma_wait3A_491 = tpu.memref_slice %arg9[%dma_wait3A_488, %dma_wait3A_490] : memref<3x1600xf32, #tpu.memory_space<vmem>> -> memref<1x1600xf32, #tpu.memory_space<vmem>>
        %dma_wait3A_492 = tpu.memref_squeeze %dma_wait3A_491 : memref<1x1600xf32, #tpu.memory_space<vmem>> -> memref<1600xf32, #tpu.memory_space<vmem>>
        %dma_wait3A_493 = arith.constant 0 : i32
        %dma_wait3A_494 = tpu.memref_slice %arg7[%dma_wait3A_489, %dma_wait3A_493] : memref<3x1600xi32, #tpu.memory_space<vmem>> -> memref<1x1600xi32, #tpu.memory_space<vmem>>
        %dma_wait3A_495 = tpu.memref_squeeze %dma_wait3A_494 : memref<1x1600xi32, #tpu.memory_space<vmem>> -> memref<1600xi32, #tpu.memory_space<vmem>>
        %dma_wait3A_496 = arith.constant 0 : i32
        %dma_wait3A_497 = tpu.memref_slice %arg11[%dma_wait3A_496] : memref<100352xf32, #tpu.memory_space<vmem_shared>> -> memref<100352xf32, #tpu.memory_space<vmem_shared>>
        tpu.wait_indirect_dma semaphore(%arg21 : memref<!tpu.dma_semaphore, #tpu.memory_space<semaphore_mem>>) src(%dma_wait3A_492 : memref<1600xf32, #tpu.memory_space<vmem>>) dst(%dma_wait3A_497 : memref<100352xf32, #tpu.memory_space<vmem_shared>>)
        %dma_wait3A_498 = arith.constant 2 : i32
        %dma_wait3A_499 = arith.constant 0 : i32
        %dma_wait3A_500 = tpu.memref_slice %arg7[%dma_wait3A_498, %dma_wait3A_499] : memref<3x1600xi32, #tpu.memory_space<vmem>> -> memref<1x1600xi32, #tpu.memory_space<vmem>>
        %dma_wait3A_501 = tpu.memref_squeeze %dma_wait3A_500 : memref<1x1600xi32, #tpu.memory_space<vmem>> -> memref<1600xi32, #tpu.memory_space<vmem>>
        %dma_wait3A_502 = arith.constant 0 : i32
        %dma_wait3A_503 = tpu.memref_slice %arg12[%dma_wait3A_502] : memref<100352xf32, #tpu.memory_space<vmem_shared>> -> memref<100352xf32, #tpu.memory_space<vmem_shared>>
        tpu.wait_indirect_dma semaphore(%arg24 : memref<!tpu.dma_semaphore, #tpu.memory_space<semaphore_mem>>) src(%arg10 : memref<1600xf32, #tpu.memory_space<vmem>>) dst(%dma_wait3A_503 : memref<100352xf32, #tpu.memory_space<vmem_shared>>)
      } else {
      }
      %add3A_262 = arith.constant 2 : i32
      %add3A_263 = arith.addi %add3A_229, %add3A_262 : i32
      %mul3A_264 = arith.constant 1600 : i32
      %mul3A_265 = arith.muli %add3A_263, %mul3A_264 : i32
      %add3A_266 = arith.addi %mul3A_35, %mul3A_265 : i32
      %multiple_of3A_267 = tpu.assume_multiple %add3A_266, 8 : i32
      %dma_start3A_268 = arith.constant 2 : i32
      %dma_start3A_269 = arith.constant 0 : i32
      %dma_start3A_270 = tpu.memref_slice %arg7[%dma_start3A_268, %dma_start3A_269] : memref<3x1600xi32, #tpu.memory_space<vmem>> -> memref<1x1600xi32, #tpu.memory_space<vmem>>
      %dma_start3A_271 = tpu.memref_squeeze %dma_start3A_270 : memref<1x1600xi32, #tpu.memory_space<vmem>> -> memref<1600xi32, #tpu.memory_space<vmem>>
      %dma_start3A_272 = tpu.memref_slice %arg2[%multiple_of3A_267] : memref<12800000xi32, #tpu.memory_space<hbm>> -> memref<1600xi32, #tpu.memory_space<hbm>>
      %dma_start3A_273 = arith.constant 0 : i32
      %dma_start3A_274 = tpu.memref_slice %arg7[%dma_start3A_268, %dma_start3A_273] : memref<3x1600xi32, #tpu.memory_space<vmem>> -> memref<1x1600xi32, #tpu.memory_space<vmem>>
      %dma_start3A_275 = tpu.memref_squeeze %dma_start3A_274 : memref<1x1600xi32, #tpu.memory_space<vmem>> -> memref<1600xi32, #tpu.memory_space<vmem>>
      %dma_start3A_276 = tpu.memref_slice %arg2[%multiple_of3A_267] : memref<12800000xi32, #tpu.memory_space<hbm>> -> memref<1600xi32, #tpu.memory_space<hbm>>
      tpu.enqueue_dma source(%dma_start3A_276 : memref<1600xi32, #tpu.memory_space<hbm>>) target(%dma_start3A_275 : memref<1600xi32, #tpu.memory_space<vmem>>) target_semaphore(%arg15 : memref<!tpu.dma_semaphore, #tpu.memory_space<semaphore_mem>>)
      %add3A_277 = arith.constant 6400000 : i32
      %add3A_278 = arith.addi %multiple_of3A_267, %add3A_277 : i32
      %dma_start3A_279 = arith.constant 2 : i32
      %dma_start3A_280 = arith.constant 0 : i32
      %dma_start3A_281 = tpu.memref_slice %arg8[%dma_start3A_279, %dma_start3A_280] : memref<3x1600xi32, #tpu.memory_space<vmem>> -> memref<1x1600xi32, #tpu.memory_space<vmem>>
      %dma_start3A_282 = tpu.memref_squeeze %dma_start3A_281 : memref<1x1600xi32, #tpu.memory_space<vmem>> -> memref<1600xi32, #tpu.memory_space<vmem>>
      %dma_start3A_283 = tpu.memref_slice %arg2[%add3A_278] : memref<12800000xi32, #tpu.memory_space<hbm>> -> memref<1600xi32, #tpu.memory_space<hbm>>
      %dma_start3A_284 = arith.constant 0 : i32
      %dma_start3A_285 = tpu.memref_slice %arg8[%dma_start3A_279, %dma_start3A_284] : memref<3x1600xi32, #tpu.memory_space<vmem>> -> memref<1x1600xi32, #tpu.memory_space<vmem>>
      %dma_start3A_286 = tpu.memref_squeeze %dma_start3A_285 : memref<1x1600xi32, #tpu.memory_space<vmem>> -> memref<1600xi32, #tpu.memory_space<vmem>>
      %dma_start3A_287 = tpu.memref_slice %arg2[%add3A_278] : memref<12800000xi32, #tpu.memory_space<hbm>> -> memref<1600xi32, #tpu.memory_space<hbm>>
      tpu.enqueue_dma source(%dma_start3A_287 : memref<1600xi32, #tpu.memory_space<hbm>>) target(%dma_start3A_286 : memref<1600xi32, #tpu.memory_space<vmem>>) target_semaphore(%arg18 : memref<!tpu.dma_semaphore, #tpu.memory_space<semaphore_mem>>)
      %dma_start3A_288 = arith.constant 0 : i32
      %dma_start3A_289 = arith.constant 0 : i32
      %dma_start3A_290 = arith.constant 0 : i32
      %dma_start3A_291 = tpu.memref_slice %arg9[%dma_start3A_288, %dma_start3A_290] : memref<3x1600xf32, #tpu.memory_space<vmem>> -> memref<1x1600xf32, #tpu.memory_space<vmem>>
      %dma_start3A_292 = tpu.memref_squeeze %dma_start3A_291 : memref<1x1600xf32, #tpu.memory_space<vmem>> -> memref<1600xf32, #tpu.memory_space<vmem>>
      %dma_start3A_293 = arith.constant 0 : i32
      %dma_start3A_294 = tpu.memref_slice %arg7[%dma_start3A_289, %dma_start3A_293] : memref<3x1600xi32, #tpu.memory_space<vmem>> -> memref<1x1600xi32, #tpu.memory_space<vmem>>
      %dma_start3A_295 = tpu.memref_squeeze %dma_start3A_294 : memref<1x1600xi32, #tpu.memory_space<vmem>> -> memref<1600xi32, #tpu.memory_space<vmem>>
      %dma_start3A_296 = arith.constant 0 : i32
      %dma_start3A_297 = tpu.memref_slice %arg11[%dma_start3A_296] : memref<100352xf32, #tpu.memory_space<vmem_shared>> -> memref<100352xf32, #tpu.memory_space<vmem_shared>>
      tpu.enqueue_indirect_dma source(%dma_start3A_292 : memref<1600xf32, #tpu.memory_space<vmem>>) target(%dma_start3A_297 : memref<100352xf32, #tpu.memory_space<vmem_shared>>) offsets(%dma_start3A_295 : memref<1600xi32, #tpu.memory_space<vmem>>) semaphore(%arg19 : memref<!tpu.dma_semaphore, #tpu.memory_space<semaphore_mem>>) {add = true}
      %dma_start3A_298 = arith.constant 0 : i32
      %dma_start3A_299 = arith.constant 0 : i32
      %dma_start3A_300 = tpu.memref_slice %arg7[%dma_start3A_298, %dma_start3A_299] : memref<3x1600xi32, #tpu.memory_space<vmem>> -> memref<1x1600xi32, #tpu.memory_space<vmem>>
      %dma_start3A_301 = tpu.memref_squeeze %dma_start3A_300 : memref<1x1600xi32, #tpu.memory_space<vmem>> -> memref<1600xi32, #tpu.memory_space<vmem>>
      %dma_start3A_302 = arith.constant 0 : i32
      %dma_start3A_303 = tpu.memref_slice %arg12[%dma_start3A_302] : memref<100352xf32, #tpu.memory_space<vmem_shared>> -> memref<100352xf32, #tpu.memory_space<vmem_shared>>
      tpu.enqueue_indirect_dma source(%arg10 : memref<1600xf32, #tpu.memory_space<vmem>>) target(%dma_start3A_303 : memref<100352xf32, #tpu.memory_space<vmem_shared>>) offsets(%dma_start3A_301 : memref<1600xi32, #tpu.memory_space<vmem>>) semaphore(%arg22 : memref<!tpu.dma_semaphore, #tpu.memory_space<semaphore_mem>>) {add = true}
      %mul3A_304 = arith.constant 3 : i32
      %mul3A_305 = arith.muli %scan3A_225, %mul3A_304 : i32
      %add3A_306 = arith.constant 1 : i32
      %add3A_307 = arith.addi %mul3A_305, %add3A_306 : i32
      %mul3A_308 = arith.constant 1600 : i32
      %mul3A_309 = arith.muli %add3A_307, %mul3A_308 : i32
      %add3A_310 = arith.addi %mul3A_35, %mul3A_309 : i32
      %multiple_of3A_311 = tpu.assume_multiple %add3A_310, 8 : i32
      %dma_wait3A_312 = arith.constant 1 : i32
      %dma_wait3A_313 = arith.constant 0 : i32
      %dma_wait3A_314 = tpu.memref_slice %arg7[%dma_wait3A_312, %dma_wait3A_313] : memref<3x1600xi32, #tpu.memory_space<vmem>> -> memref<1x1600xi32, #tpu.memory_space<vmem>>
      %dma_wait3A_315 = tpu.memref_squeeze %dma_wait3A_314 : memref<1x1600xi32, #tpu.memory_space<vmem>> -> memref<1600xi32, #tpu.memory_space<vmem>>
      %dma_wait3A_316 = tpu.memref_slice %arg2[%multiple_of3A_311] : memref<12800000xi32, #tpu.memory_space<hbm>> -> memref<1600xi32, #tpu.memory_space<hbm>>
      %dma_wait3A_317 = arith.constant 0 : i32
      %dma_wait3A_318 = tpu.memref_slice %arg7[%dma_wait3A_312, %dma_wait3A_317] : memref<3x1600xi32, #tpu.memory_space<vmem>> -> memref<1x1600xi32, #tpu.memory_space<vmem>>
      %dma_wait3A_319 = tpu.memref_squeeze %dma_wait3A_318 : memref<1x1600xi32, #tpu.memory_space<vmem>> -> memref<1600xi32, #tpu.memory_space<vmem>>
      %dma_wait3A_320 = tpu.memref_slice %arg2[%multiple_of3A_311] : memref<12800000xi32, #tpu.memory_space<hbm>> -> memref<1600xi32, #tpu.memory_space<hbm>>
      tpu.wait_dma2 semaphore(%arg14 : memref<!tpu.dma_semaphore, #tpu.memory_space<semaphore_mem>>) src(%dma_wait3A_320 : memref<1600xi32, #tpu.memory_space<hbm>>) dst(%dma_wait3A_319 : memref<1600xi32, #tpu.memory_space<vmem>>)
      %add3A_321 = arith.constant 6400000 : i32
      %add3A_322 = arith.addi %multiple_of3A_311, %add3A_321 : i32
      %dma_wait3A_323 = arith.constant 1 : i32
      %dma_wait3A_324 = arith.constant 0 : i32
      %dma_wait3A_325 = tpu.memref_slice %arg8[%dma_wait3A_323, %dma_wait3A_324] : memref<3x1600xi32, #tpu.memory_space<vmem>> -> memref<1x1600xi32, #tpu.memory_space<vmem>>
      %dma_wait3A_326 = tpu.memref_squeeze %dma_wait3A_325 : memref<1x1600xi32, #tpu.memory_space<vmem>> -> memref<1600xi32, #tpu.memory_space<vmem>>
      %dma_wait3A_327 = tpu.memref_slice %arg2[%add3A_322] : memref<12800000xi32, #tpu.memory_space<hbm>> -> memref<1600xi32, #tpu.memory_space<hbm>>
      %dma_wait3A_328 = arith.constant 0 : i32
      %dma_wait3A_329 = tpu.memref_slice %arg8[%dma_wait3A_323, %dma_wait3A_328] : memref<3x1600xi32, #tpu.memory_space<vmem>> -> memref<1x1600xi32, #tpu.memory_space<vmem>>
      %dma_wait3A_330 = tpu.memref_squeeze %dma_wait3A_329 : memref<1x1600xi32, #tpu.memory_space<vmem>> -> memref<1600xi32, #tpu.memory_space<vmem>>
      %dma_wait3A_331 = tpu.memref_slice %arg2[%add3A_322] : memref<12800000xi32, #tpu.memory_space<hbm>> -> memref<1600xi32, #tpu.memory_space<hbm>>
      tpu.wait_dma2 semaphore(%arg17 : memref<!tpu.dma_semaphore, #tpu.memory_space<semaphore_mem>>) src(%dma_wait3A_331 : memref<1600xi32, #tpu.memory_space<hbm>>) dst(%dma_wait3A_330 : memref<1600xi32, #tpu.memory_space<vmem>>)
      %scan3A_332 = arith.constant 0 : i32
      %scan3A_333 = arith.constant 0 : i32
      %scan3A_334 = arith.constant 10 : i32
      %scan3A_335 = arith.addi %scan3A_333, %scan3A_334 : i32
      %scan3A_336 = arith.constant 1 : i32
      scf.for %scan3A_488 = %scan3A_333 to %scan3A_335 step %scan3A_336  : i32 {
        %mul3A_489 = arith.constant 160 : i32
        %mul3A_490 = arith.muli %scan3A_488, %mul3A_489 : i32
        %multiple_of3A_491 = tpu.assume_multiple %mul3A_490, 16 : i32
        %add3A_492 = arith.constant 0 : i32
        %add3A_493 = arith.addi %multiple_of3A_491, %add3A_492 : i32
        %get3A = arith.constant 1 : i32
        %get3A_494 = arith.index_cast %get3A : i32 to index
        %get3A_495 = arith.index_cast %add3A_493 : i32 to index
        %get3A_496 = tpu.vector_load %arg8[%get3A_494, %get3A_495] {strides = array<i32>} : memref<3x1600xi32, #tpu.memory_space<vmem>>, vector<16xi32>,
        %gather3A = tpu.vector_load_idx %arg6[%get3A_496] : memref<100352xf32, #tpu.memory_space<vmem>>[vector<16xi32>], vector<16xf32>,
        %swap3A = arith.constant 1 : i32
        %swap3A_497 = arith.index_cast %swap3A : i32 to index
        %swap3A_498 = arith.index_cast %add3A_493 : i32 to index
        %swap3A_499 = tpu.vector_load %arg9[%swap3A_497, %swap3A_498] {strides = array<i32>} : memref<3x1600xf32, #tpu.memory_space<vmem>>, vector<16xf32>,
        tpu.vector_store %arg9[%swap3A_497, %swap3A_498], %gather3A {strides = array<i32>} : memref<3x1600xf32, #tpu.memory_space<vmem>>, vector<16xf32>,
        %add3A_500 = arith.constant 16 : i32
        %add3A_501 = arith.addi %multiple_of3A_491, %add3A_500 : i32
        %get3A_502 = arith.constant 1 : i32
        %get3A_503 = arith.index_cast %get3A_502 : i32 to index
        %get3A_504 = arith.index_cast %add3A_501 : i32 to index
        %get3A_505 = tpu.vector_load %arg8[%get3A_503, %get3A_504] {strides = array<i32>} : memref<3x1600xi32, #tpu.memory_space<vmem>>, vector<16xi32>,
        %gather3A_506 = tpu.vector_load_idx %arg6[%get3A_505] : memref<100352xf32, #tpu.memory_space<vmem>>[vector<16xi32>], vector<16xf32>,
        %swap3A_507 = arith.constant 1 : i32
        %swap3A_508 = arith.index_cast %swap3A_507 : i32 to index
        %swap3A_509 = arith.index_cast %add3A_501 : i32 to index
        %swap3A_510 = tpu.vector_load %arg9[%swap3A_508, %swap3A_509] {strides = array<i32>} : memref<3x1600xf32, #tpu.memory_space<vmem>>, vector<16xf32>,
        tpu.vector_store %arg9[%swap3A_508, %swap3A_509], %gather3A_506 {strides = array<i32>} : memref<3x1600xf32, #tpu.memory_space<vmem>>, vector<16xf32>,
        %add3A_511 = arith.constant 32 : i32
        %add3A_512 = arith.addi %multiple_of3A_491, %add3A_511 : i32
        %get3A_513 = arith.constant 1 : i32
        %get3A_514 = arith.index_cast %get3A_513 : i32 to index
        %get3A_515 = arith.index_cast %add3A_512 : i32 to index
        %get3A_516 = tpu.vector_load %arg8[%get3A_514, %get3A_515] {strides = array<i32>} : memref<3x1600xi32, #tpu.memory_space<vmem>>, vector<16xi32>,
        %gather3A_517 = tpu.vector_load_idx %arg6[%get3A_516] : memref<100352xf32, #tpu.memory_space<vmem>>[vector<16xi32>], vector<16xf32>,
        %swap3A_518 = arith.constant 1 : i32
        %swap3A_519 = arith.index_cast %swap3A_518 : i32 to index
        %swap3A_520 = arith.index_cast %add3A_512 : i32 to index
        %swap3A_521 = tpu.vector_load %arg9[%swap3A_519, %swap3A_520] {strides = array<i32>} : memref<3x1600xf32, #tpu.memory_space<vmem>>, vector<16xf32>,
        tpu.vector_store %arg9[%swap3A_519, %swap3A_520], %gather3A_517 {strides = array<i32>} : memref<3x1600xf32, #tpu.memory_space<vmem>>, vector<16xf32>,
        %add3A_522 = arith.constant 48 : i32
        %add3A_523 = arith.addi %multiple_of3A_491, %add3A_522 : i32
        %get3A_524 = arith.constant 1 : i32
        %get3A_525 = arith.index_cast %get3A_524 : i32 to index
        %get3A_526 = arith.index_cast %add3A_523 : i32 to index
        %get3A_527 = tpu.vector_load %arg8[%get3A_525, %get3A_526] {strides = array<i32>} : memref<3x1600xi32, #tpu.memory_space<vmem>>, vector<16xi32>,
        %gather3A_528 = tpu.vector_load_idx %arg6[%get3A_527] : memref<100352xf32, #tpu.memory_space<vmem>>[vector<16xi32>], vector<16xf32>,
        %swap3A_529 = arith.constant 1 : i32
        %swap3A_530 = arith.index_cast %swap3A_529 : i32 to index
        %swap3A_531 = arith.index_cast %add3A_523 : i32 to index
        %swap3A_532 = tpu.vector_load %arg9[%swap3A_530, %swap3A_531] {strides = array<i32>} : memref<3x1600xf32, #tpu.memory_space<vmem>>, vector<16xf32>,
        tpu.vector_store %arg9[%swap3A_530, %swap3A_531], %gather3A_528 {strides = array<i32>} : memref<3x1600xf32, #tpu.memory_space<vmem>>, vector<16xf32>,
        %add3A_533 = arith.constant 64 : i32
        %add3A_534 = arith.addi %multiple_of3A_491, %add3A_533 : i32
        %get3A_535 = arith.constant 1 : i32
        %get3A_536 = arith.index_cast %get3A_535 : i32 to index
        %get3A_537 = arith.index_cast %add3A_534 : i32 to index
        %get3A_538 = tpu.vector_load %arg8[%get3A_536, %get3A_537] {strides = array<i32>} : memref<3x1600xi32, #tpu.memory_space<vmem>>, vector<16xi32>,
        %gather3A_539 = tpu.vector_load_idx %arg6[%get3A_538] : memref<100352xf32, #tpu.memory_space<vmem>>[vector<16xi32>], vector<16xf32>,
        %swap3A_540 = arith.constant 1 : i32
        %swap3A_541 = arith.index_cast %swap3A_540 : i32 to index
        %swap3A_542 = arith.index_cast %add3A_534 : i32 to index
        %swap3A_543 = tpu.vector_load %arg9[%swap3A_541, %swap3A_542] {strides = array<i32>} : memref<3x1600xf32, #tpu.memory_space<vmem>>, vector<16xf32>,
        tpu.vector_store %arg9[%swap3A_541, %swap3A_542], %gather3A_539 {strides = array<i32>} : memref<3x1600xf32, #tpu.memory_space<vmem>>, vector<16xf32>,
        %add3A_544 = arith.constant 80 : i32
        %add3A_545 = arith.addi %multiple_of3A_491, %add3A_544 : i32
        %get3A_546 = arith.constant 1 : i32
        %get3A_547 = arith.index_cast %get3A_546 : i32 to index
        %get3A_548 = arith.index_cast %add3A_545 : i32 to index
        %get3A_549 = tpu.vector_load %arg8[%get3A_547, %get3A_548] {strides = array<i32>} : memref<3x1600xi32, #tpu.memory_space<vmem>>, vector<16xi32>,
        %gather3A_550 = tpu.vector_load_idx %arg6[%get3A_549] : memref<100352xf32, #tpu.memory_space<vmem>>[vector<16xi32>], vector<16xf32>,
        %swap3A_551 = arith.constant 1 : i32
        %swap3A_552 = arith.index_cast %swap3A_551 : i32 to index
        %swap3A_553 = arith.index_cast %add3A_545 : i32 to index
        %swap3A_554 = tpu.vector_load %arg9[%swap3A_552, %swap3A_553] {strides = array<i32>} : memref<3x1600xf32, #tpu.memory_space<vmem>>, vector<16xf32>,
        tpu.vector_store %arg9[%swap3A_552, %swap3A_553], %gather3A_550 {strides = array<i32>} : memref<3x1600xf32, #tpu.memory_space<vmem>>, vector<16xf32>,
        %add3A_555 = arith.constant 96 : i32
        %add3A_556 = arith.addi %multiple_of3A_491, %add3A_555 : i32
        %get3A_557 = arith.constant 1 : i32
        %get3A_558 = arith.index_cast %get3A_557 : i32 to index
        %get3A_559 = arith.index_cast %add3A_556 : i32 to index
        %get3A_560 = tpu.vector_load %arg8[%get3A_558, %get3A_559] {strides = array<i32>} : memref<3x1600xi32, #tpu.memory_space<vmem>>, vector<16xi32>,
        %gather3A_561 = tpu.vector_load_idx %arg6[%get3A_560] : memref<100352xf32, #tpu.memory_space<vmem>>[vector<16xi32>], vector<16xf32>,
        %swap3A_562 = arith.constant 1 : i32
        %swap3A_563 = arith.index_cast %swap3A_562 : i32 to index
        %swap3A_564 = arith.index_cast %add3A_556 : i32 to index
        %swap3A_565 = tpu.vector_load %arg9[%swap3A_563, %swap3A_564] {strides = array<i32>} : memref<3x1600xf32, #tpu.memory_space<vmem>>, vector<16xf32>,
        tpu.vector_store %arg9[%swap3A_563, %swap3A_564], %gather3A_561 {strides = array<i32>} : memref<3x1600xf32, #tpu.memory_space<vmem>>, vector<16xf32>,
        %add3A_566 = arith.constant 112 : i32
        %add3A_567 = arith.addi %multiple_of3A_491, %add3A_566 : i32
        %get3A_568 = arith.constant 1 : i32
        %get3A_569 = arith.index_cast %get3A_568 : i32 to index
        %get3A_570 = arith.index_cast %add3A_567 : i32 to index
        %get3A_571 = tpu.vector_load %arg8[%get3A_569, %get3A_570] {strides = array<i32>} : memref<3x1600xi32, #tpu.memory_space<vmem>>, vector<16xi32>,
        %gather3A_572 = tpu.vector_load_idx %arg6[%get3A_571] : memref<100352xf32, #tpu.memory_space<vmem>>[vector<16xi32>], vector<16xf32>,
        %swap3A_573 = arith.constant 1 : i32
        %swap3A_574 = arith.index_cast %swap3A_573 : i32 to index
        %swap3A_575 = arith.index_cast %add3A_567 : i32 to index
        %swap3A_576 = tpu.vector_load %arg9[%swap3A_574, %swap3A_575] {strides = array<i32>} : memref<3x1600xf32, #tpu.memory_space<vmem>>, vector<16xf32>,
        tpu.vector_store %arg9[%swap3A_574, %swap3A_575], %gather3A_572 {strides = array<i32>} : memref<3x1600xf32, #tpu.memory_space<vmem>>, vector<16xf32>,
        %add3A_577 = arith.constant 128 : i32
        %add3A_578 = arith.addi %multiple_of3A_491, %add3A_577 : i32
        %get3A_579 = arith.constant 1 : i32
        %get3A_580 = arith.index_cast %get3A_579 : i32 to index
        %get3A_581 = arith.index_cast %add3A_578 : i32 to index
        %get3A_582 = tpu.vector_load %arg8[%get3A_580, %get3A_581] {strides = array<i32>} : memref<3x1600xi32, #tpu.memory_space<vmem>>, vector<16xi32>,
        %gather3A_583 = tpu.vector_load_idx %arg6[%get3A_582] : memref<100352xf32, #tpu.memory_space<vmem>>[vector<16xi32>], vector<16xf32>,
        %swap3A_584 = arith.constant 1 : i32
        %swap3A_585 = arith.index_cast %swap3A_584 : i32 to index
        %swap3A_586 = arith.index_cast %add3A_578 : i32 to index
        %swap3A_587 = tpu.vector_load %arg9[%swap3A_585, %swap3A_586] {strides = array<i32>} : memref<3x1600xf32, #tpu.memory_space<vmem>>, vector<16xf32>,
        tpu.vector_store %arg9[%swap3A_585, %swap3A_586], %gather3A_583 {strides = array<i32>} : memref<3x1600xf32, #tpu.memory_space<vmem>>, vector<16xf32>,
        %add3A_588 = arith.constant 144 : i32
        %add3A_589 = arith.addi %multiple_of3A_491, %add3A_588 : i32
        %get3A_590 = arith.constant 1 : i32
        %get3A_591 = arith.index_cast %get3A_590 : i32 to index
        %get3A_592 = arith.index_cast %add3A_589 : i32 to index
        %get3A_593 = tpu.vector_load %arg8[%get3A_591, %get3A_592] {strides = array<i32>} : memref<3x1600xi32, #tpu.memory_space<vmem>>, vector<16xi32>,
        %gather3A_594 = tpu.vector_load_idx %arg6[%get3A_593] : memref<100352xf32, #tpu.memory_space<vmem>>[vector<16xi32>], vector<16xf32>,
        %swap3A_595 = arith.constant 1 : i32
        %swap3A_596 = arith.index_cast %swap3A_595 : i32 to index
        %swap3A_597 = arith.index_cast %add3A_589 : i32 to index
        %swap3A_598 = tpu.vector_load %arg9[%swap3A_596, %swap3A_597] {strides = array<i32>} : memref<3x1600xf32, #tpu.memory_space<vmem>>, vector<16xf32>,
        tpu.vector_store %arg9[%swap3A_596, %swap3A_597], %gather3A_594 {strides = array<i32>} : memref<3x1600xf32, #tpu.memory_space<vmem>>, vector<16xf32>,
      }
      %scan3A_337 = arith.constant 10 : i32
      %dma_wait3A_338 = arith.constant 0 : i32
      %dma_wait3A_339 = arith.constant 0 : i32
      %dma_wait3A_340 = arith.constant 0 : i32
      %dma_wait3A_341 = tpu.memref_slice %arg9[%dma_wait3A_338, %dma_wait3A_340] : memref<3x1600xf32, #tpu.memory_space<vmem>> -> memref<1x1600xf32, #tpu.memory_space<vmem>>
      %dma_wait3A_342 = tpu.memref_squeeze %dma_wait3A_341 : memref<1x1600xf32, #tpu.memory_space<vmem>> -> memref<1600xf32, #tpu.memory_space<vmem>>
      %dma_wait3A_343 = arith.constant 0 : i32
      %dma_wait3A_344 = tpu.memref_slice %arg7[%dma_wait3A_339, %dma_wait3A_343] : memref<3x1600xi32, #tpu.memory_space<vmem>> -> memref<1x1600xi32, #tpu.memory_space<vmem>>
      %dma_wait3A_345 = tpu.memref_squeeze %dma_wait3A_344 : memref<1x1600xi32, #tpu.memory_space<vmem>> -> memref<1600xi32, #tpu.memory_space<vmem>>
      %dma_wait3A_346 = arith.constant 0 : i32
      %dma_wait3A_347 = tpu.memref_slice %arg11[%dma_wait3A_346] : memref<100352xf32, #tpu.memory_space<vmem_shared>> -> memref<100352xf32, #tpu.memory_space<vmem_shared>>
      tpu.wait_indirect_dma semaphore(%arg19 : memref<!tpu.dma_semaphore, #tpu.memory_space<semaphore_mem>>) src(%dma_wait3A_342 : memref<1600xf32, #tpu.memory_space<vmem>>) dst(%dma_wait3A_347 : memref<100352xf32, #tpu.memory_space<vmem_shared>>)
      %dma_wait3A_348 = arith.constant 0 : i32
      %dma_wait3A_349 = arith.constant 0 : i32
      %dma_wait3A_350 = tpu.memref_slice %arg7[%dma_wait3A_348, %dma_wait3A_349] : memref<3x1600xi32, #tpu.memory_space<vmem>> -> memref<1x1600xi32, #tpu.memory_space<vmem>>
      %dma_wait3A_351 = tpu.memref_squeeze %dma_wait3A_350 : memref<1x1600xi32, #tpu.memory_space<vmem>> -> memref<1600xi32, #tpu.memory_space<vmem>>
      %dma_wait3A_352 = arith.constant 0 : i32
      %dma_wait3A_353 = tpu.memref_slice %arg12[%dma_wait3A_352] : memref<100352xf32, #tpu.memory_space<vmem_shared>> -> memref<100352xf32, #tpu.memory_space<vmem_shared>>
      tpu.wait_indirect_dma semaphore(%arg22 : memref<!tpu.dma_semaphore, #tpu.memory_space<semaphore_mem>>) src(%arg10 : memref<1600xf32, #tpu.memory_space<vmem>>) dst(%dma_wait3A_353 : memref<100352xf32, #tpu.memory_space<vmem_shared>>)
      %add3A_354 = arith.constant 2 : i32
      %add3A_355 = arith.addi %add3A_307, %add3A_354 : i32
      %mul3A_356 = arith.constant 1600 : i32
      %mul3A_357 = arith.muli %add3A_355, %mul3A_356 : i32
      %add3A_358 = arith.addi %mul3A_35, %mul3A_357 : i32
      %multiple_of3A_359 = tpu.assume_multiple %add3A_358, 8 : i32
      %dma_start3A_360 = arith.constant 0 : i32
      %dma_start3A_361 = arith.constant 0 : i32
      %dma_start3A_362 = tpu.memref_slice %arg7[%dma_start3A_360, %dma_start3A_361] : memref<3x1600xi32, #tpu.memory_space<vmem>> -> memref<1x1600xi32, #tpu.memory_space<vmem>>
      %dma_start3A_363 = tpu.memref_squeeze %dma_start3A_362 : memref<1x1600xi32, #tpu.memory_space<vmem>> -> memref<1600xi32, #tpu.memory_space<vmem>>
      %dma_start3A_364 = tpu.memref_slice %arg2[%multiple_of3A_359] : memref<12800000xi32, #tpu.memory_space<hbm>> -> memref<1600xi32, #tpu.memory_space<hbm>>
      %dma_start3A_365 = arith.constant 0 : i32
      %dma_start3A_366 = tpu.memref_slice %arg7[%dma_start3A_360, %dma_start3A_365] : memref<3x1600xi32, #tpu.memory_space<vmem>> -> memref<1x1600xi32, #tpu.memory_space<vmem>>
      %dma_start3A_367 = tpu.memref_squeeze %dma_start3A_366 : memref<1x1600xi32, #tpu.memory_space<vmem>> -> memref<1600xi32, #tpu.memory_space<vmem>>
      %dma_start3A_368 = tpu.memref_slice %arg2[%multiple_of3A_359] : memref<12800000xi32, #tpu.memory_space<hbm>> -> memref<1600xi32, #tpu.memory_space<hbm>>
      tpu.enqueue_dma source(%dma_start3A_368 : memref<1600xi32, #tpu.memory_space<hbm>>) target(%dma_start3A_367 : memref<1600xi32, #tpu.memory_space<vmem>>) target_semaphore(%arg13 : memref<!tpu.dma_semaphore, #tpu.memory_space<semaphore_mem>>)
      %add3A_369 = arith.constant 6400000 : i32
      %add3A_370 = arith.addi %multiple_of3A_359, %add3A_369 : i32
      %dma_start3A_371 = arith.constant 0 : i32
      %dma_start3A_372 = arith.constant 0 : i32
      %dma_start3A_373 = tpu.memref_slice %arg8[%dma_start3A_371, %dma_start3A_372] : memref<3x1600xi32, #tpu.memory_space<vmem>> -> memref<1x1600xi32, #tpu.memory_space<vmem>>
      %dma_start3A_374 = tpu.memref_squeeze %dma_start3A_373 : memref<1x1600xi32, #tpu.memory_space<vmem>> -> memref<1600xi32, #tpu.memory_space<vmem>>
      %dma_start3A_375 = tpu.memref_slice %arg2[%add3A_370] : memref<12800000xi32, #tpu.memory_space<hbm>> -> memref<1600xi32, #tpu.memory_space<hbm>>
      %dma_start3A_376 = arith.constant 0 : i32
      %dma_start3A_377 = tpu.memref_slice %arg8[%dma_start3A_371, %dma_start3A_376] : memref<3x1600xi32, #tpu.memory_space<vmem>> -> memref<1x1600xi32, #tpu.memory_space<vmem>>
      %dma_start3A_378 = tpu.memref_squeeze %dma_start3A_377 : memref<1x1600xi32, #tpu.memory_space<vmem>> -> memref<1600xi32, #tpu.memory_space<vmem>>
      %dma_start3A_379 = tpu.memref_slice %arg2[%add3A_370] : memref<12800000xi32, #tpu.memory_space<hbm>> -> memref<1600xi32, #tpu.memory_space<hbm>>
      tpu.enqueue_dma source(%dma_start3A_379 : memref<1600xi32, #tpu.memory_space<hbm>>) target(%dma_start3A_378 : memref<1600xi32, #tpu.memory_space<vmem>>) target_semaphore(%arg16 : memref<!tpu.dma_semaphore, #tpu.memory_space<semaphore_mem>>)
      %dma_start3A_380 = arith.constant 1 : i32
      %dma_start3A_381 = arith.constant 1 : i32
      %dma_start3A_382 = arith.constant 0 : i32
      %dma_start3A_383 = tpu.memref_slice %arg9[%dma_start3A_380, %dma_start3A_382] : memref<3x1600xf32, #tpu.memory_space<vmem>> -> memref<1x1600xf32, #tpu.memory_space<vmem>>
      %dma_start3A_384 = tpu.memref_squeeze %dma_start3A_383 : memref<1x1600xf32, #tpu.memory_space<vmem>> -> memref<1600xf32, #tpu.memory_space<vmem>>
      %dma_start3A_385 = arith.constant 0 : i32
      %dma_start3A_386 = tpu.memref_slice %arg7[%dma_start3A_381, %dma_start3A_385] : memref<3x1600xi32, #tpu.memory_space<vmem>> -> memref<1x1600xi32, #tpu.memory_space<vmem>>
      %dma_start3A_387 = tpu.memref_squeeze %dma_start3A_386 : memref<1x1600xi32, #tpu.memory_space<vmem>> -> memref<1600xi32, #tpu.memory_space<vmem>>
      %dma_start3A_388 = arith.constant 0 : i32
      %dma_start3A_389 = tpu.memref_slice %arg11[%dma_start3A_388] : memref<100352xf32, #tpu.memory_space<vmem_shared>> -> memref<100352xf32, #tpu.memory_space<vmem_shared>>
      tpu.enqueue_indirect_dma source(%dma_start3A_384 : memref<1600xf32, #tpu.memory_space<vmem>>) target(%dma_start3A_389 : memref<100352xf32, #tpu.memory_space<vmem_shared>>) offsets(%dma_start3A_387 : memref<1600xi32, #tpu.memory_space<vmem>>) semaphore(%arg20 : memref<!tpu.dma_semaphore, #tpu.memory_space<semaphore_mem>>) {add = true}
      %dma_start3A_390 = arith.constant 1 : i32
      %dma_start3A_391 = arith.constant 0 : i32
      %dma_start3A_392 = tpu.memref_slice %arg7[%dma_start3A_390, %dma_start3A_391] : memref<3x1600xi32, #tpu.memory_space<vmem>> -> memref<1x1600xi32, #tpu.memory_space<vmem>>
      %dma_start3A_393 = tpu.memref_squeeze %dma_start3A_392 : memref<1x1600xi32, #tpu.memory_space<vmem>> -> memref<1600xi32, #tpu.memory_space<vmem>>
      %dma_start3A_394 = arith.constant 0 : i32
      %dma_start3A_395 = tpu.memref_slice %arg12[%dma_start3A_394] : memref<100352xf32, #tpu.memory_space<vmem_shared>> -> memref<100352xf32, #tpu.memory_space<vmem_shared>>
      tpu.enqueue_indirect_dma source(%arg10 : memref<1600xf32, #tpu.memory_space<vmem>>) target(%dma_start3A_395 : memref<100352xf32, #tpu.memory_space<vmem_shared>>) offsets(%dma_start3A_393 : memref<1600xi32, #tpu.memory_space<vmem>>) semaphore(%arg23 : memref<!tpu.dma_semaphore, #tpu.memory_space<semaphore_mem>>) {add = true}
      %mul3A_396 = arith.constant 3 : i32
      %mul3A_397 = arith.muli %scan3A_225, %mul3A_396 : i32
      %add3A_398 = arith.constant 2 : i32
      %add3A_399 = arith.addi %mul3A_397, %add3A_398 : i32
      %mul3A_400 = arith.constant 1600 : i32
      %mul3A_401 = arith.muli %add3A_399, %mul3A_400 : i32
      %add3A_402 = arith.addi %mul3A_35, %mul3A_401 : i32
      %multiple_of3A_403 = tpu.assume_multiple %add3A_402, 8 : i32
      %dma_wait3A_404 = arith.constant 2 : i32
      %dma_wait3A_405 = arith.constant 0 : i32
      %dma_wait3A_406 = tpu.memref_slice %arg7[%dma_wait3A_404, %dma_wait3A_405] : memref<3x1600xi32, #tpu.memory_space<vmem>> -> memref<1x1600xi32, #tpu.memory_space<vmem>>
      %dma_wait3A_407 = tpu.memref_squeeze %dma_wait3A_406 : memref<1x1600xi32, #tpu.memory_space<vmem>> -> memref<1600xi32, #tpu.memory_space<vmem>>
      %dma_wait3A_408 = tpu.memref_slice %arg2[%multiple_of3A_403] : memref<12800000xi32, #tpu.memory_space<hbm>> -> memref<1600xi32, #tpu.memory_space<hbm>>
      %dma_wait3A_409 = arith.constant 0 : i32
      %dma_wait3A_410 = tpu.memref_slice %arg7[%dma_wait3A_404, %dma_wait3A_409] : memref<3x1600xi32, #tpu.memory_space<vmem>> -> memref<1x1600xi32, #tpu.memory_space<vmem>>
      %dma_wait3A_411 = tpu.memref_squeeze %dma_wait3A_410 : memref<1x1600xi32, #tpu.memory_space<vmem>> -> memref<1600xi32, #tpu.memory_space<vmem>>
      %dma_wait3A_412 = tpu.memref_slice %arg2[%multiple_of3A_403] : memref<12800000xi32, #tpu.memory_space<hbm>> -> memref<1600xi32, #tpu.memory_space<hbm>>
      tpu.wait_dma2 semaphore(%arg15 : memref<!tpu.dma_semaphore, #tpu.memory_space<semaphore_mem>>) src(%dma_wait3A_412 : memref<1600xi32, #tpu.memory_space<hbm>>) dst(%dma_wait3A_411 : memref<1600xi32, #tpu.memory_space<vmem>>)
      %add3A_413 = arith.constant 6400000 : i32
      %add3A_414 = arith.addi %multiple_of3A_403, %add3A_413 : i32
      %dma_wait3A_415 = arith.constant 2 : i32
      %dma_wait3A_416 = arith.constant 0 : i32
      %dma_wait3A_417 = tpu.memref_slice %arg8[%dma_wait3A_415, %dma_wait3A_416] : memref<3x1600xi32, #tpu.memory_space<vmem>> -> memref<1x1600xi32, #tpu.memory_space<vmem>>
      %dma_wait3A_418 = tpu.memref_squeeze %dma_wait3A_417 : memref<1x1600xi32, #tpu.memory_space<vmem>> -> memref<1600xi32, #tpu.memory_space<vmem>>
      %dma_wait3A_419 = tpu.memref_slice %arg2[%add3A_414] : memref<12800000xi32, #tpu.memory_space<hbm>> -> memref<1600xi32, #tpu.memory_space<hbm>>
      %dma_wait3A_420 = arith.constant 0 : i32
      %dma_wait3A_421 = tpu.memref_slice %arg8[%dma_wait3A_415, %dma_wait3A_420] : memref<3x1600xi32, #tpu.memory_space<vmem>> -> memref<1x1600xi32, #tpu.memory_space<vmem>>
      %dma_wait3A_422 = tpu.memref_squeeze %dma_wait3A_421 : memref<1x1600xi32, #tpu.memory_space<vmem>> -> memref<1600xi32, #tpu.memory_space<vmem>>
      %dma_wait3A_423 = tpu.memref_slice %arg2[%add3A_414] : memref<12800000xi32, #tpu.memory_space<hbm>> -> memref<1600xi32, #tpu.memory_space<hbm>>
      tpu.wait_dma2 semaphore(%arg18 : memref<!tpu.dma_semaphore, #tpu.memory_space<semaphore_mem>>) src(%dma_wait3A_423 : memref<1600xi32, #tpu.memory_space<hbm>>) dst(%dma_wait3A_422 : memref<1600xi32, #tpu.memory_space<vmem>>)
      %scan3A_424 = arith.constant 0 : i32
      %scan3A_425 = arith.constant 0 : i32
      %scan3A_426 = arith.constant 10 : i32
      %scan3A_427 = arith.addi %scan3A_425, %scan3A_426 : i32
      %scan3A_428 = arith.constant 1 : i32
      scf.for %scan3A_488 = %scan3A_425 to %scan3A_427 step %scan3A_428  : i32 {
        %mul3A_489 = arith.constant 160 : i32
        %mul3A_490 = arith.muli %scan3A_488, %mul3A_489 : i32
        %multiple_of3A_491 = tpu.assume_multiple %mul3A_490, 16 : i32
        %add3A_492 = arith.constant 0 : i32
        %add3A_493 = arith.addi %multiple_of3A_491, %add3A_492 : i32
        %get3A = arith.constant 2 : i32
        %get3A_494 = arith.index_cast %get3A : i32 to index
        %get3A_495 = arith.index_cast %add3A_493 : i32 to index
        %get3A_496 = tpu.vector_load %arg8[%get3A_494, %get3A_495] {strides = array<i32>} : memref<3x1600xi32, #tpu.memory_space<vmem>>, vector<16xi32>,
        %gather3A = tpu.vector_load_idx %arg6[%get3A_496] : memref<100352xf32, #tpu.memory_space<vmem>>[vector<16xi32>], vector<16xf32>,
        %swap3A = arith.constant 2 : i32
        %swap3A_497 = arith.index_cast %swap3A : i32 to index
        %swap3A_498 = arith.index_cast %add3A_493 : i32 to index
        %swap3A_499 = tpu.vector_load %arg9[%swap3A_497, %swap3A_498] {strides = array<i32>} : memref<3x1600xf32, #tpu.memory_space<vmem>>, vector<16xf32>,
        tpu.vector_store %arg9[%swap3A_497, %swap3A_498], %gather3A {strides = array<i32>} : memref<3x1600xf32, #tpu.memory_space<vmem>>, vector<16xf32>,
        %add3A_500 = arith.constant 16 : i32
        %add3A_501 = arith.addi %multiple_of3A_491, %add3A_500 : i32
        %get3A_502 = arith.constant 2 : i32
        %get3A_503 = arith.index_cast %get3A_502 : i32 to index
        %get3A_504 = arith.index_cast %add3A_501 : i32 to index
        %get3A_505 = tpu.vector_load %arg8[%get3A_503, %get3A_504] {strides = array<i32>} : memref<3x1600xi32, #tpu.memory_space<vmem>>, vector<16xi32>,
        %gather3A_506 = tpu.vector_load_idx %arg6[%get3A_505] : memref<100352xf32, #tpu.memory_space<vmem>>[vector<16xi32>], vector<16xf32>,
        %swap3A_507 = arith.constant 2 : i32
        %swap3A_508 = arith.index_cast %swap3A_507 : i32 to index
        %swap3A_509 = arith.index_cast %add3A_501 : i32 to index
        %swap3A_510 = tpu.vector_load %arg9[%swap3A_508, %swap3A_509] {strides = array<i32>} : memref<3x1600xf32, #tpu.memory_space<vmem>>, vector<16xf32>,
        tpu.vector_store %arg9[%swap3A_508, %swap3A_509], %gather3A_506 {strides = array<i32>} : memref<3x1600xf32, #tpu.memory_space<vmem>>, vector<16xf32>,
        %add3A_511 = arith.constant 32 : i32
        %add3A_512 = arith.addi %multiple_of3A_491, %add3A_511 : i32
        %get3A_513 = arith.constant 2 : i32
        %get3A_514 = arith.index_cast %get3A_513 : i32 to index
        %get3A_515 = arith.index_cast %add3A_512 : i32 to index
        %get3A_516 = tpu.vector_load %arg8[%get3A_514, %get3A_515] {strides = array<i32>} : memref<3x1600xi32, #tpu.memory_space<vmem>>, vector<16xi32>,
        %gather3A_517 = tpu.vector_load_idx %arg6[%get3A_516] : memref<100352xf32, #tpu.memory_space<vmem>>[vector<16xi32>], vector<16xf32>,
        %swap3A_518 = arith.constant 2 : i32
        %swap3A_519 = arith.index_cast %swap3A_518 : i32 to index
        %swap3A_520 = arith.index_cast %add3A_512 : i32 to index
        %swap3A_521 = tpu.vector_load %arg9[%swap3A_519, %swap3A_520] {strides = array<i32>} : memref<3x1600xf32, #tpu.memory_space<vmem>>, vector<16xf32>,
        tpu.vector_store %arg9[%swap3A_519, %swap3A_520], %gather3A_517 {strides = array<i32>} : memref<3x1600xf32, #tpu.memory_space<vmem>>, vector<16xf32>,
        %add3A_522 = arith.constant 48 : i32
        %add3A_523 = arith.addi %multiple_of3A_491, %add3A_522 : i32
        %get3A_524 = arith.constant 2 : i32
        %get3A_525 = arith.index_cast %get3A_524 : i32 to index
        %get3A_526 = arith.index_cast %add3A_523 : i32 to index
        %get3A_527 = tpu.vector_load %arg8[%get3A_525, %get3A_526] {strides = array<i32>} : memref<3x1600xi32, #tpu.memory_space<vmem>>, vector<16xi32>,
        %gather3A_528 = tpu.vector_load_idx %arg6[%get3A_527] : memref<100352xf32, #tpu.memory_space<vmem>>[vector<16xi32>], vector<16xf32>,
        %swap3A_529 = arith.constant 2 : i32
        %swap3A_530 = arith.index_cast %swap3A_529 : i32 to index
        %swap3A_531 = arith.index_cast %add3A_523 : i32 to index
        %swap3A_532 = tpu.vector_load %arg9[%swap3A_530, %swap3A_531] {strides = array<i32>} : memref<3x1600xf32, #tpu.memory_space<vmem>>, vector<16xf32>,
        tpu.vector_store %arg9[%swap3A_530, %swap3A_531], %gather3A_528 {strides = array<i32>} : memref<3x1600xf32, #tpu.memory_space<vmem>>, vector<16xf32>,
        %add3A_533 = arith.constant 64 : i32
        %add3A_534 = arith.addi %multiple_of3A_491, %add3A_533 : i32
        %get3A_535 = arith.constant 2 : i32
        %get3A_536 = arith.index_cast %get3A_535 : i32 to index
        %get3A_537 = arith.index_cast %add3A_534 : i32 to index
        %get3A_538 = tpu.vector_load %arg8[%get3A_536, %get3A_537] {strides = array<i32>} : memref<3x1600xi32, #tpu.memory_space<vmem>>, vector<16xi32>,
        %gather3A_539 = tpu.vector_load_idx %arg6[%get3A_538] : memref<100352xf32, #tpu.memory_space<vmem>>[vector<16xi32>], vector<16xf32>,
        %swap3A_540 = arith.constant 2 : i32
        %swap3A_541 = arith.index_cast %swap3A_540 : i32 to index
        %swap3A_542 = arith.index_cast %add3A_534 : i32 to index
        %swap3A_543 = tpu.vector_load %arg9[%swap3A_541, %swap3A_542] {strides = array<i32>} : memref<3x1600xf32, #tpu.memory_space<vmem>>, vector<16xf32>,
        tpu.vector_store %arg9[%swap3A_541, %swap3A_542], %gather3A_539 {strides = array<i32>} : memref<3x1600xf32, #tpu.memory_space<vmem>>, vector<16xf32>,
        %add3A_544 = arith.constant 80 : i32
        %add3A_545 = arith.addi %multiple_of3A_491, %add3A_544 : i32
        %get3A_546 = arith.constant 2 : i32
        %get3A_547 = arith.index_cast %get3A_546 : i32 to index
        %get3A_548 = arith.index_cast %add3A_545 : i32 to index
        %get3A_549 = tpu.vector_load %arg8[%get3A_547, %get3A_548] {strides = array<i32>} : memref<3x1600xi32, #tpu.memory_space<vmem>>, vector<16xi32>,
        %gather3A_550 = tpu.vector_load_idx %arg6[%get3A_549] : memref<100352xf32, #tpu.memory_space<vmem>>[vector<16xi32>], vector<16xf32>,
        %swap3A_551 = arith.constant 2 : i32
        %swap3A_552 = arith.index_cast %swap3A_551 : i32 to index
        %swap3A_553 = arith.index_cast %add3A_545 : i32 to index
        %swap3A_554 = tpu.vector_load %arg9[%swap3A_552, %swap3A_553] {strides = array<i32>} : memref<3x1600xf32, #tpu.memory_space<vmem>>, vector<16xf32>,
        tpu.vector_store %arg9[%swap3A_552, %swap3A_553], %gather3A_550 {strides = array<i32>} : memref<3x1600xf32, #tpu.memory_space<vmem>>, vector<16xf32>,
        %add3A_555 = arith.constant 96 : i32
        %add3A_556 = arith.addi %multiple_of3A_491, %add3A_555 : i32
        %get3A_557 = arith.constant 2 : i32
        %get3A_558 = arith.index_cast %get3A_557 : i32 to index
        %get3A_559 = arith.index_cast %add3A_556 : i32 to index
        %get3A_560 = tpu.vector_load %arg8[%get3A_558, %get3A_559] {strides = array<i32>} : memref<3x1600xi32, #tpu.memory_space<vmem>>, vector<16xi32>,
        %gather3A_561 = tpu.vector_load_idx %arg6[%get3A_560] : memref<100352xf32, #tpu.memory_space<vmem>>[vector<16xi32>], vector<16xf32>,
        %swap3A_562 = arith.constant 2 : i32
        %swap3A_563 = arith.index_cast %swap3A_562 : i32 to index
        %swap3A_564 = arith.index_cast %add3A_556 : i32 to index
        %swap3A_565 = tpu.vector_load %arg9[%swap3A_563, %swap3A_564] {strides = array<i32>} : memref<3x1600xf32, #tpu.memory_space<vmem>>, vector<16xf32>,
        tpu.vector_store %arg9[%swap3A_563, %swap3A_564], %gather3A_561 {strides = array<i32>} : memref<3x1600xf32, #tpu.memory_space<vmem>>, vector<16xf32>,
        %add3A_566 = arith.constant 112 : i32
        %add3A_567 = arith.addi %multiple_of3A_491, %add3A_566 : i32
        %get3A_568 = arith.constant 2 : i32
        %get3A_569 = arith.index_cast %get3A_568 : i32 to index
        %get3A_570 = arith.index_cast %add3A_567 : i32 to index
        %get3A_571 = tpu.vector_load %arg8[%get3A_569, %get3A_570] {strides = array<i32>} : memref<3x1600xi32, #tpu.memory_space<vmem>>, vector<16xi32>,
        %gather3A_572 = tpu.vector_load_idx %arg6[%get3A_571] : memref<100352xf32, #tpu.memory_space<vmem>>[vector<16xi32>], vector<16xf32>,
        %swap3A_573 = arith.constant 2 : i32
        %swap3A_574 = arith.index_cast %swap3A_573 : i32 to index
        %swap3A_575 = arith.index_cast %add3A_567 : i32 to index
        %swap3A_576 = tpu.vector_load %arg9[%swap3A_574, %swap3A_575] {strides = array<i32>} : memref<3x1600xf32, #tpu.memory_space<vmem>>, vector<16xf32>,
        tpu.vector_store %arg9[%swap3A_574, %swap3A_575], %gather3A_572 {strides = array<i32>} : memref<3x1600xf32, #tpu.memory_space<vmem>>, vector<16xf32>,
        %add3A_577 = arith.constant 128 : i32
        %add3A_578 = arith.addi %multiple_of3A_491, %add3A_577 : i32
        %get3A_579 = arith.constant 2 : i32
        %get3A_580 = arith.index_cast %get3A_579 : i32 to index
        %get3A_581 = arith.index_cast %add3A_578 : i32 to index
        %get3A_582 = tpu.vector_load %arg8[%get3A_580, %get3A_581] {strides = array<i32>} : memref<3x1600xi32, #tpu.memory_space<vmem>>, vector<16xi32>,
        %gather3A_583 = tpu.vector_load_idx %arg6[%get3A_582] : memref<100352xf32, #tpu.memory_space<vmem>>[vector<16xi32>], vector<16xf32>,
        %swap3A_584 = arith.constant 2 : i32
        %swap3A_585 = arith.index_cast %swap3A_584 : i32 to index
        %swap3A_586 = arith.index_cast %add3A_578 : i32 to index
        %swap3A_587 = tpu.vector_load %arg9[%swap3A_585, %swap3A_586] {strides = array<i32>} : memref<3x1600xf32, #tpu.memory_space<vmem>>, vector<16xf32>,
        tpu.vector_store %arg9[%swap3A_585, %swap3A_586], %gather3A_583 {strides = array<i32>} : memref<3x1600xf32, #tpu.memory_space<vmem>>, vector<16xf32>,
        %add3A_588 = arith.constant 144 : i32
        %add3A_589 = arith.addi %multiple_of3A_491, %add3A_588 : i32
        %get3A_590 = arith.constant 2 : i32
        %get3A_591 = arith.index_cast %get3A_590 : i32 to index
        %get3A_592 = arith.index_cast %add3A_589 : i32 to index
        %get3A_593 = tpu.vector_load %arg8[%get3A_591, %get3A_592] {strides = array<i32>} : memref<3x1600xi32, #tpu.memory_space<vmem>>, vector<16xi32>,
        %gather3A_594 = tpu.vector_load_idx %arg6[%get3A_593] : memref<100352xf32, #tpu.memory_space<vmem>>[vector<16xi32>], vector<16xf32>,
        %swap3A_595 = arith.constant 2 : i32
        %swap3A_596 = arith.index_cast %swap3A_595 : i32 to index
        %swap3A_597 = arith.index_cast %add3A_589 : i32 to index
        %swap3A_598 = tpu.vector_load %arg9[%swap3A_596, %swap3A_597] {strides = array<i32>} : memref<3x1600xf32, #tpu.memory_space<vmem>>, vector<16xf32>,
        tpu.vector_store %arg9[%swap3A_596, %swap3A_597], %gather3A_594 {strides = array<i32>} : memref<3x1600xf32, #tpu.memory_space<vmem>>, vector<16xf32>,
      }
      %scan3A_429 = arith.constant 10 : i32
      %dma_wait3A_430 = arith.constant 1 : i32
      %dma_wait3A_431 = arith.constant 1 : i32
      %dma_wait3A_432 = arith.constant 0 : i32
      %dma_wait3A_433 = tpu.memref_slice %arg9[%dma_wait3A_430, %dma_wait3A_432] : memref<3x1600xf32, #tpu.memory_space<vmem>> -> memref<1x1600xf32, #tpu.memory_space<vmem>>
      %dma_wait3A_434 = tpu.memref_squeeze %dma_wait3A_433 : memref<1x1600xf32, #tpu.memory_space<vmem>> -> memref<1600xf32, #tpu.memory_space<vmem>>
      %dma_wait3A_435 = arith.constant 0 : i32
      %dma_wait3A_436 = tpu.memref_slice %arg7[%dma_wait3A_431, %dma_wait3A_435] : memref<3x1600xi32, #tpu.memory_space<vmem>> -> memref<1x1600xi32, #tpu.memory_space<vmem>>
      %dma_wait3A_437 = tpu.memref_squeeze %dma_wait3A_436 : memref<1x1600xi32, #tpu.memory_space<vmem>> -> memref<1600xi32, #tpu.memory_space<vmem>>
      %dma_wait3A_438 = arith.constant 0 : i32
      %dma_wait3A_439 = tpu.memref_slice %arg11[%dma_wait3A_438] : memref<100352xf32, #tpu.memory_space<vmem_shared>> -> memref<100352xf32, #tpu.memory_space<vmem_shared>>
      tpu.wait_indirect_dma semaphore(%arg20 : memref<!tpu.dma_semaphore, #tpu.memory_space<semaphore_mem>>) src(%dma_wait3A_434 : memref<1600xf32, #tpu.memory_space<vmem>>) dst(%dma_wait3A_439 : memref<100352xf32, #tpu.memory_space<vmem_shared>>)
      %dma_wait3A_440 = arith.constant 1 : i32
      %dma_wait3A_441 = arith.constant 0 : i32
      %dma_wait3A_442 = tpu.memref_slice %arg7[%dma_wait3A_440, %dma_wait3A_441] : memref<3x1600xi32, #tpu.memory_space<vmem>> -> memref<1x1600xi32, #tpu.memory_space<vmem>>
      %dma_wait3A_443 = tpu.memref_squeeze %dma_wait3A_442 : memref<1x1600xi32, #tpu.memory_space<vmem>> -> memref<1600xi32, #tpu.memory_space<vmem>>
      %dma_wait3A_444 = arith.constant 0 : i32
      %dma_wait3A_445 = tpu.memref_slice %arg12[%dma_wait3A_444] : memref<100352xf32, #tpu.memory_space<vmem_shared>> -> memref<100352xf32, #tpu.memory_space<vmem_shared>>
      tpu.wait_indirect_dma semaphore(%arg23 : memref<!tpu.dma_semaphore, #tpu.memory_space<semaphore_mem>>) src(%arg10 : memref<1600xf32, #tpu.memory_space<vmem>>) dst(%dma_wait3A_445 : memref<100352xf32, #tpu.memory_space<vmem_shared>>)
      %add3A_446 = arith.constant 2 : i32
      %add3A_447 = arith.addi %add3A_399, %add3A_446 : i32
      %mul3A_448 = arith.constant 1600 : i32
      %mul3A_449 = arith.muli %add3A_447, %mul3A_448 : i32
      %add3A_450 = arith.addi %mul3A_35, %mul3A_449 : i32
      %multiple_of3A_451 = tpu.assume_multiple %add3A_450, 8 : i32
      %dma_start3A_452 = arith.constant 1 : i32
      %dma_start3A_453 = arith.constant 0 : i32
      %dma_start3A_454 = tpu.memref_slice %arg7[%dma_start3A_452, %dma_start3A_453] : memref<3x1600xi32, #tpu.memory_space<vmem>> -> memref<1x1600xi32, #tpu.memory_space<vmem>>
      %dma_start3A_455 = tpu.memref_squeeze %dma_start3A_454 : memref<1x1600xi32, #tpu.memory_space<vmem>> -> memref<1600xi32, #tpu.memory_space<vmem>>
      %dma_start3A_456 = tpu.memref_slice %arg2[%multiple_of3A_451] : memref<12800000xi32, #tpu.memory_space<hbm>> -> memref<1600xi32, #tpu.memory_space<hbm>>
      %dma_start3A_457 = arith.constant 0 : i32
      %dma_start3A_458 = tpu.memref_slice %arg7[%dma_start3A_452, %dma_start3A_457] : memref<3x1600xi32, #tpu.memory_space<vmem>> -> memref<1x1600xi32, #tpu.memory_space<vmem>>
      %dma_start3A_459 = tpu.memref_squeeze %dma_start3A_458 : memref<1x1600xi32, #tpu.memory_space<vmem>> -> memref<1600xi32, #tpu.memory_space<vmem>>
      %dma_start3A_460 = tpu.memref_slice %arg2[%multiple_of3A_451] : memref<12800000xi32, #tpu.memory_space<hbm>> -> memref<1600xi32, #tpu.memory_space<hbm>>
      tpu.enqueue_dma source(%dma_start3A_460 : memref<1600xi32, #tpu.memory_space<hbm>>) target(%dma_start3A_459 : memref<1600xi32, #tpu.memory_space<vmem>>) target_semaphore(%arg14 : memref<!tpu.dma_semaphore, #tpu.memory_space<semaphore_mem>>)
      %add3A_461 = arith.constant 6400000 : i32
      %add3A_462 = arith.addi %multiple_of3A_451, %add3A_461 : i32
      %dma_start3A_463 = arith.constant 1 : i32
      %dma_start3A_464 = arith.constant 0 : i32
      %dma_start3A_465 = tpu.memref_slice %arg8[%dma_start3A_463, %dma_start3A_464] : memref<3x1600xi32, #tpu.memory_space<vmem>> -> memref<1x1600xi32, #tpu.memory_space<vmem>>
      %dma_start3A_466 = tpu.memref_squeeze %dma_start3A_465 : memref<1x1600xi32, #tpu.memory_space<vmem>> -> memref<1600xi32, #tpu.memory_space<vmem>>
      %dma_start3A_467 = tpu.memref_slice %arg2[%add3A_462] : memref<12800000xi32, #tpu.memory_space<hbm>> -> memref<1600xi32, #tpu.memory_space<hbm>>
      %dma_start3A_468 = arith.constant 0 : i32
      %dma_start3A_469 = tpu.memref_slice %arg8[%dma_start3A_463, %dma_start3A_468] : memref<3x1600xi32, #tpu.memory_space<vmem>> -> memref<1x1600xi32, #tpu.memory_space<vmem>>
      %dma_start3A_470 = tpu.memref_squeeze %dma_start3A_469 : memref<1x1600xi32, #tpu.memory_space<vmem>> -> memref<1600xi32, #tpu.memory_space<vmem>>
      %dma_start3A_471 = tpu.memref_slice %arg2[%add3A_462] : memref<12800000xi32, #tpu.memory_space<hbm>> -> memref<1600xi32, #tpu.memory_space<hbm>>
      tpu.enqueue_dma source(%dma_start3A_471 : memref<1600xi32, #tpu.memory_space<hbm>>) target(%dma_start3A_470 : memref<1600xi32, #tpu.memory_space<vmem>>) target_semaphore(%arg17 : memref<!tpu.dma_semaphore, #tpu.memory_space<semaphore_mem>>)
      %dma_start3A_472 = arith.constant 2 : i32
      %dma_start3A_473 = arith.constant 2 : i32
      %dma_start3A_474 = arith.constant 0 : i32
      %dma_start3A_475 = tpu.memref_slice %arg9[%dma_start3A_472, %dma_start3A_474] : memref<3x1600xf32, #tpu.memory_space<vmem>> -> memref<1x1600xf32, #tpu.memory_space<vmem>>
      %dma_start3A_476 = tpu.memref_squeeze %dma_start3A_475 : memref<1x1600xf32, #tpu.memory_space<vmem>> -> memref<1600xf32, #tpu.memory_space<vmem>>
      %dma_start3A_477 = arith.constant 0 : i32
      %dma_start3A_478 = tpu.memref_slice %arg7[%dma_start3A_473, %dma_start3A_477] : memref<3x1600xi32, #tpu.memory_space<vmem>> -> memref<1x1600xi32, #tpu.memory_space<vmem>>
      %dma_start3A_479 = tpu.memref_squeeze %dma_start3A_478 : memref<1x1600xi32, #tpu.memory_space<vmem>> -> memref<1600xi32, #tpu.memory_space<vmem>>
      %dma_start3A_480 = arith.constant 0 : i32
      %dma_start3A_481 = tpu.memref_slice %arg11[%dma_start3A_480] : memref<100352xf32, #tpu.memory_space<vmem_shared>> -> memref<100352xf32, #tpu.memory_space<vmem_shared>>
      tpu.enqueue_indirect_dma source(%dma_start3A_476 : memref<1600xf32, #tpu.memory_space<vmem>>) target(%dma_start3A_481 : memref<100352xf32, #tpu.memory_space<vmem_shared>>) offsets(%dma_start3A_479 : memref<1600xi32, #tpu.memory_space<vmem>>) semaphore(%arg21 : memref<!tpu.dma_semaphore, #tpu.memory_space<semaphore_mem>>) {add = true}
      %dma_start3A_482 = arith.constant 2 : i32
      %dma_start3A_483 = arith.constant 0 : i32
      %dma_start3A_484 = tpu.memref_slice %arg7[%dma_start3A_482, %dma_start3A_483] : memref<3x1600xi32, #tpu.memory_space<vmem>> -> memref<1x1600xi32, #tpu.memory_space<vmem>>
      %dma_start3A_485 = tpu.memref_squeeze %dma_start3A_484 : memref<1x1600xi32, #tpu.memory_space<vmem>> -> memref<1600xi32, #tpu.memory_space<vmem>>
      %dma_start3A_486 = arith.constant 0 : i32
      %dma_start3A_487 = tpu.memref_slice %arg12[%dma_start3A_486] : memref<100352xf32, #tpu.memory_space<vmem_shared>> -> memref<100352xf32, #tpu.memory_space<vmem_shared>>
      tpu.enqueue_indirect_dma source(%arg10 : memref<1600xf32, #tpu.memory_space<vmem>>) target(%dma_start3A_487 : memref<100352xf32, #tpu.memory_space<vmem_shared>>) offsets(%dma_start3A_485 : memref<1600xi32, #tpu.memory_space<vmem>>) semaphore(%arg24 : memref<!tpu.dma_semaphore, #tpu.memory_space<semaphore_mem>>) {add = true}
    }
    %scan3A_86 = arith.constant 41 : i32
    %add3A_87 = arith.constant 196800 : i32
    %add3A_88 = arith.addi %mul3A_35, %add3A_87 : i32
    %multiple_of3A_89 = tpu.assume_multiple %add3A_88, 8 : i32
    %dma_wait3A = arith.constant 0 : i32
    %dma_wait3A_90 = arith.constant 0 : i32
    %dma_wait3A_91 = tpu.memref_slice %arg7[%dma_wait3A, %dma_wait3A_90] : memref<3x1600xi32, #tpu.memory_space<vmem>> -> memref<1x1600xi32, #tpu.memory_space<vmem>>
    %dma_wait3A_92 = tpu.memref_squeeze %dma_wait3A_91 : memref<1x1600xi32, #tpu.memory_space<vmem>> -> memref<1600xi32, #tpu.memory_space<vmem>>
    %dma_wait3A_93 = tpu.memref_slice %arg2[%multiple_of3A_89] : memref<12800000xi32, #tpu.memory_space<hbm>> -> memref<1600xi32, #tpu.memory_space<hbm>>
    %dma_wait3A_94 = arith.constant 0 : i32
    %dma_wait3A_95 = tpu.memref_slice %arg7[%dma_wait3A, %dma_wait3A_94] : memref<3x1600xi32, #tpu.memory_space<vmem>> -> memref<1x1600xi32, #tpu.memory_space<vmem>>
    %dma_wait3A_96 = tpu.memref_squeeze %dma_wait3A_95 : memref<1x1600xi32, #tpu.memory_space<vmem>> -> memref<1600xi32, #tpu.memory_space<vmem>>
    %dma_wait3A_97 = tpu.memref_slice %arg2[%multiple_of3A_89] : memref<12800000xi32, #tpu.memory_space<hbm>> -> memref<1600xi32, #tpu.memory_space<hbm>>
    tpu.wait_dma2 semaphore(%arg13 : memref<!tpu.dma_semaphore, #tpu.memory_space<semaphore_mem>>) src(%dma_wait3A_97 : memref<1600xi32, #tpu.memory_space<hbm>>) dst(%dma_wait3A_96 : memref<1600xi32, #tpu.memory_space<vmem>>)
    %add3A_98 = arith.constant 6400000 : i32
    %add3A_99 = arith.addi %multiple_of3A_89, %add3A_98 : i32
    %dma_wait3A_100 = arith.constant 0 : i32
    %dma_wait3A_101 = arith.constant 0 : i32
    %dma_wait3A_102 = tpu.memref_slice %arg8[%dma_wait3A_100, %dma_wait3A_101] : memref<3x1600xi32, #tpu.memory_space<vmem>> -> memref<1x1600xi32, #tpu.memory_space<vmem>>
    %dma_wait3A_103 = tpu.memref_squeeze %dma_wait3A_102 : memref<1x1600xi32, #tpu.memory_space<vmem>> -> memref<1600xi32, #tpu.memory_space<vmem>>
    %dma_wait3A_104 = tpu.memref_slice %arg2[%add3A_99] : memref<12800000xi32, #tpu.memory_space<hbm>> -> memref<1600xi32, #tpu.memory_space<hbm>>
    %dma_wait3A_105 = arith.constant 0 : i32
    %dma_wait3A_106 = tpu.memref_slice %arg8[%dma_wait3A_100, %dma_wait3A_105] : memref<3x1600xi32, #tpu.memory_space<vmem>> -> memref<1x1600xi32, #tpu.memory_space<vmem>>
    %dma_wait3A_107 = tpu.memref_squeeze %dma_wait3A_106 : memref<1x1600xi32, #tpu.memory_space<vmem>> -> memref<1600xi32, #tpu.memory_space<vmem>>
    %dma_wait3A_108 = tpu.memref_slice %arg2[%add3A_99] : memref<12800000xi32, #tpu.memory_space<hbm>> -> memref<1600xi32, #tpu.memory_space<hbm>>
    tpu.wait_dma2 semaphore(%arg16 : memref<!tpu.dma_semaphore, #tpu.memory_space<semaphore_mem>>) src(%dma_wait3A_108 : memref<1600xi32, #tpu.memory_space<hbm>>) dst(%dma_wait3A_107 : memref<1600xi32, #tpu.memory_space<vmem>>)
    %scan3A_109 = arith.constant 0 : i32
    %scan3A_110 = arith.constant 0 : i32
    %scan3A_111 = arith.constant 10 : i32
    %scan3A_112 = arith.addi %scan3A_110, %scan3A_111 : i32
    %scan3A_113 = arith.constant 1 : i32
    scf.for %scan3A_225 = %scan3A_110 to %scan3A_112 step %scan3A_113  : i32 {
      %mul3A_226 = arith.constant 160 : i32
      %mul3A_227 = arith.muli %scan3A_225, %mul3A_226 : i32
      %multiple_of3A_228 = tpu.assume_multiple %mul3A_227, 16 : i32
      %add3A_229 = arith.constant 0 : i32
      %add3A_230 = arith.addi %multiple_of3A_228, %add3A_229 : i32
      %get3A = arith.constant 0 : i32
      %get3A_231 = arith.index_cast %get3A : i32 to index
      %get3A_232 = arith.index_cast %add3A_230 : i32 to index
      %get3A_233 = tpu.vector_load %arg8[%get3A_231, %get3A_232] {strides = array<i32>} : memref<3x1600xi32, #tpu.memory_space<vmem>>, vector<16xi32>,
      %gather3A = tpu.vector_load_idx %arg6[%get3A_233] : memref<100352xf32, #tpu.memory_space<vmem>>[vector<16xi32>], vector<16xf32>,
      %swap3A = arith.constant 0 : i32
      %swap3A_234 = arith.index_cast %swap3A : i32 to index
      %swap3A_235 = arith.index_cast %add3A_230 : i32 to index
      %swap3A_236 = tpu.vector_load %arg9[%swap3A_234, %swap3A_235] {strides = array<i32>} : memref<3x1600xf32, #tpu.memory_space<vmem>>, vector<16xf32>,
      tpu.vector_store %arg9[%swap3A_234, %swap3A_235], %gather3A {strides = array<i32>} : memref<3x1600xf32, #tpu.memory_space<vmem>>, vector<16xf32>,
      %add3A_237 = arith.constant 16 : i32
      %add3A_238 = arith.addi %multiple_of3A_228, %add3A_237 : i32
      %get3A_239 = arith.constant 0 : i32
      %get3A_240 = arith.index_cast %get3A_239 : i32 to index
      %get3A_241 = arith.index_cast %add3A_238 : i32 to index
      %get3A_242 = tpu.vector_load %arg8[%get3A_240, %get3A_241] {strides = array<i32>} : memref<3x1600xi32, #tpu.memory_space<vmem>>, vector<16xi32>,
      %gather3A_243 = tpu.vector_load_idx %arg6[%get3A_242] : memref<100352xf32, #tpu.memory_space<vmem>>[vector<16xi32>], vector<16xf32>,
      %swap3A_244 = arith.constant 0 : i32
      %swap3A_245 = arith.index_cast %swap3A_244 : i32 to index
      %swap3A_246 = arith.index_cast %add3A_238 : i32 to index
      %swap3A_247 = tpu.vector_load %arg9[%swap3A_245, %swap3A_246] {strides = array<i32>} : memref<3x1600xf32, #tpu.memory_space<vmem>>, vector<16xf32>,
      tpu.vector_store %arg9[%swap3A_245, %swap3A_246], %gather3A_243 {strides = array<i32>} : memref<3x1600xf32, #tpu.memory_space<vmem>>, vector<16xf32>,
      %add3A_248 = arith.constant 32 : i32
      %add3A_249 = arith.addi %multiple_of3A_228, %add3A_248 : i32
      %get3A_250 = arith.constant 0 : i32
      %get3A_251 = arith.index_cast %get3A_250 : i32 to index
      %get3A_252 = arith.index_cast %add3A_249 : i32 to index
      %get3A_253 = tpu.vector_load %arg8[%get3A_251, %get3A_252] {strides = array<i32>} : memref<3x1600xi32, #tpu.memory_space<vmem>>, vector<16xi32>,
      %gather3A_254 = tpu.vector_load_idx %arg6[%get3A_253] : memref<100352xf32, #tpu.memory_space<vmem>>[vector<16xi32>], vector<16xf32>,
      %swap3A_255 = arith.constant 0 : i32
      %swap3A_256 = arith.index_cast %swap3A_255 : i32 to index
      %swap3A_257 = arith.index_cast %add3A_249 : i32 to index
      %swap3A_258 = tpu.vector_load %arg9[%swap3A_256, %swap3A_257] {strides = array<i32>} : memref<3x1600xf32, #tpu.memory_space<vmem>>, vector<16xf32>,
      tpu.vector_store %arg9[%swap3A_256, %swap3A_257], %gather3A_254 {strides = array<i32>} : memref<3x1600xf32, #tpu.memory_space<vmem>>, vector<16xf32>,
      %add3A_259 = arith.constant 48 : i32
      %add3A_260 = arith.addi %multiple_of3A_228, %add3A_259 : i32
      %get3A_261 = arith.constant 0 : i32
      %get3A_262 = arith.index_cast %get3A_261 : i32 to index
      %get3A_263 = arith.index_cast %add3A_260 : i32 to index
      %get3A_264 = tpu.vector_load %arg8[%get3A_262, %get3A_263] {strides = array<i32>} : memref<3x1600xi32, #tpu.memory_space<vmem>>, vector<16xi32>,
      %gather3A_265 = tpu.vector_load_idx %arg6[%get3A_264] : memref<100352xf32, #tpu.memory_space<vmem>>[vector<16xi32>], vector<16xf32>,
      %swap3A_266 = arith.constant 0 : i32
      %swap3A_267 = arith.index_cast %swap3A_266 : i32 to index
      %swap3A_268 = arith.index_cast %add3A_260 : i32 to index
      %swap3A_269 = tpu.vector_load %arg9[%swap3A_267, %swap3A_268] {strides = array<i32>} : memref<3x1600xf32, #tpu.memory_space<vmem>>, vector<16xf32>,
      tpu.vector_store %arg9[%swap3A_267, %swap3A_268], %gather3A_265 {strides = array<i32>} : memref<3x1600xf32, #tpu.memory_space<vmem>>, vector<16xf32>,
      %add3A_270 = arith.constant 64 : i32
      %add3A_271 = arith.addi %multiple_of3A_228, %add3A_270 : i32
      %get3A_272 = arith.constant 0 : i32
      %get3A_273 = arith.index_cast %get3A_272 : i32 to index
      %get3A_274 = arith.index_cast %add3A_271 : i32 to index
      %get3A_275 = tpu.vector_load %arg8[%get3A_273, %get3A_274] {strides = array<i32>} : memref<3x1600xi32, #tpu.memory_space<vmem>>, vector<16xi32>,
      %gather3A_276 = tpu.vector_load_idx %arg6[%get3A_275] : memref<100352xf32, #tpu.memory_space<vmem>>[vector<16xi32>], vector<16xf32>,
      %swap3A_277 = arith.constant 0 : i32
      %swap3A_278 = arith.index_cast %swap3A_277 : i32 to index
      %swap3A_279 = arith.index_cast %add3A_271 : i32 to index
      %swap3A_280 = tpu.vector_load %arg9[%swap3A_278, %swap3A_279] {strides = array<i32>} : memref<3x1600xf32, #tpu.memory_space<vmem>>, vector<16xf32>,
      tpu.vector_store %arg9[%swap3A_278, %swap3A_279], %gather3A_276 {strides = array<i32>} : memref<3x1600xf32, #tpu.memory_space<vmem>>, vector<16xf32>,
      %add3A_281 = arith.constant 80 : i32
      %add3A_282 = arith.addi %multiple_of3A_228, %add3A_281 : i32
      %get3A_283 = arith.constant 0 : i32
      %get3A_284 = arith.index_cast %get3A_283 : i32 to index
      %get3A_285 = arith.index_cast %add3A_282 : i32 to index
      %get3A_286 = tpu.vector_load %arg8[%get3A_284, %get3A_285] {strides = array<i32>} : memref<3x1600xi32, #tpu.memory_space<vmem>>, vector<16xi32>,
      %gather3A_287 = tpu.vector_load_idx %arg6[%get3A_286] : memref<100352xf32, #tpu.memory_space<vmem>>[vector<16xi32>], vector<16xf32>,
      %swap3A_288 = arith.constant 0 : i32
      %swap3A_289 = arith.index_cast %swap3A_288 : i32 to index
      %swap3A_290 = arith.index_cast %add3A_282 : i32 to index
      %swap3A_291 = tpu.vector_load %arg9[%swap3A_289, %swap3A_290] {strides = array<i32>} : memref<3x1600xf32, #tpu.memory_space<vmem>>, vector<16xf32>,
      tpu.vector_store %arg9[%swap3A_289, %swap3A_290], %gather3A_287 {strides = array<i32>} : memref<3x1600xf32, #tpu.memory_space<vmem>>, vector<16xf32>,
      %add3A_292 = arith.constant 96 : i32
      %add3A_293 = arith.addi %multiple_of3A_228, %add3A_292 : i32
      %get3A_294 = arith.constant 0 : i32
      %get3A_295 = arith.index_cast %get3A_294 : i32 to index
      %get3A_296 = arith.index_cast %add3A_293 : i32 to index
      %get3A_297 = tpu.vector_load %arg8[%get3A_295, %get3A_296] {strides = array<i32>} : memref<3x1600xi32, #tpu.memory_space<vmem>>, vector<16xi32>,
      %gather3A_298 = tpu.vector_load_idx %arg6[%get3A_297] : memref<100352xf32, #tpu.memory_space<vmem>>[vector<16xi32>], vector<16xf32>,
      %swap3A_299 = arith.constant 0 : i32
      %swap3A_300 = arith.index_cast %swap3A_299 : i32 to index
      %swap3A_301 = arith.index_cast %add3A_293 : i32 to index
      %swap3A_302 = tpu.vector_load %arg9[%swap3A_300, %swap3A_301] {strides = array<i32>} : memref<3x1600xf32, #tpu.memory_space<vmem>>, vector<16xf32>,
      tpu.vector_store %arg9[%swap3A_300, %swap3A_301], %gather3A_298 {strides = array<i32>} : memref<3x1600xf32, #tpu.memory_space<vmem>>, vector<16xf32>,
      %add3A_303 = arith.constant 112 : i32
      %add3A_304 = arith.addi %multiple_of3A_228, %add3A_303 : i32
      %get3A_305 = arith.constant 0 : i32
      %get3A_306 = arith.index_cast %get3A_305 : i32 to index
      %get3A_307 = arith.index_cast %add3A_304 : i32 to index
      %get3A_308 = tpu.vector_load %arg8[%get3A_306, %get3A_307] {strides = array<i32>} : memref<3x1600xi32, #tpu.memory_space<vmem>>, vector<16xi32>,
      %gather3A_309 = tpu.vector_load_idx %arg6[%get3A_308] : memref<100352xf32, #tpu.memory_space<vmem>>[vector<16xi32>], vector<16xf32>,
      %swap3A_310 = arith.constant 0 : i32
      %swap3A_311 = arith.index_cast %swap3A_310 : i32 to index
      %swap3A_312 = arith.index_cast %add3A_304 : i32 to index
      %swap3A_313 = tpu.vector_load %arg9[%swap3A_311, %swap3A_312] {strides = array<i32>} : memref<3x1600xf32, #tpu.memory_space<vmem>>, vector<16xf32>,
      tpu.vector_store %arg9[%swap3A_311, %swap3A_312], %gather3A_309 {strides = array<i32>} : memref<3x1600xf32, #tpu.memory_space<vmem>>, vector<16xf32>,
      %add3A_314 = arith.constant 128 : i32
      %add3A_315 = arith.addi %multiple_of3A_228, %add3A_314 : i32
      %get3A_316 = arith.constant 0 : i32
      %get3A_317 = arith.index_cast %get3A_316 : i32 to index
      %get3A_318 = arith.index_cast %add3A_315 : i32 to index
      %get3A_319 = tpu.vector_load %arg8[%get3A_317, %get3A_318] {strides = array<i32>} : memref<3x1600xi32, #tpu.memory_space<vmem>>, vector<16xi32>,
      %gather3A_320 = tpu.vector_load_idx %arg6[%get3A_319] : memref<100352xf32, #tpu.memory_space<vmem>>[vector<16xi32>], vector<16xf32>,
      %swap3A_321 = arith.constant 0 : i32
      %swap3A_322 = arith.index_cast %swap3A_321 : i32 to index
      %swap3A_323 = arith.index_cast %add3A_315 : i32 to index
      %swap3A_324 = tpu.vector_load %arg9[%swap3A_322, %swap3A_323] {strides = array<i32>} : memref<3x1600xf32, #tpu.memory_space<vmem>>, vector<16xf32>,
      tpu.vector_store %arg9[%swap3A_322, %swap3A_323], %gather3A_320 {strides = array<i32>} : memref<3x1600xf32, #tpu.memory_space<vmem>>, vector<16xf32>,
      %add3A_325 = arith.constant 144 : i32
      %add3A_326 = arith.addi %multiple_of3A_228, %add3A_325 : i32
      %get3A_327 = arith.constant 0 : i32
      %get3A_328 = arith.index_cast %get3A_327 : i32 to index
      %get3A_329 = arith.index_cast %add3A_326 : i32 to index
      %get3A_330 = tpu.vector_load %arg8[%get3A_328, %get3A_329] {strides = array<i32>} : memref<3x1600xi32, #tpu.memory_space<vmem>>, vector<16xi32>,
      %gather3A_331 = tpu.vector_load_idx %arg6[%get3A_330] : memref<100352xf32, #tpu.memory_space<vmem>>[vector<16xi32>], vector<16xf32>,
      %swap3A_332 = arith.constant 0 : i32
      %swap3A_333 = arith.index_cast %swap3A_332 : i32 to index
      %swap3A_334 = arith.index_cast %add3A_326 : i32 to index
      %swap3A_335 = tpu.vector_load %arg9[%swap3A_333, %swap3A_334] {strides = array<i32>} : memref<3x1600xf32, #tpu.memory_space<vmem>>, vector<16xf32>,
      tpu.vector_store %arg9[%swap3A_333, %swap3A_334], %gather3A_331 {strides = array<i32>} : memref<3x1600xf32, #tpu.memory_space<vmem>>, vector<16xf32>,
    }
    %scan3A_114 = arith.constant 10 : i32
    %dma_wait3A_115 = arith.constant 2 : i32
    %dma_wait3A_116 = arith.constant 2 : i32
    %dma_wait3A_117 = arith.constant 0 : i32
    %dma_wait3A_118 = tpu.memref_slice %arg9[%dma_wait3A_115, %dma_wait3A_117] : memref<3x1600xf32, #tpu.memory_space<vmem>> -> memref<1x1600xf32, #tpu.memory_space<vmem>>
    %dma_wait3A_119 = tpu.memref_squeeze %dma_wait3A_118 : memref<1x1600xf32, #tpu.memory_space<vmem>> -> memref<1600xf32, #tpu.memory_space<vmem>>
    %dma_wait3A_120 = arith.constant 0 : i32
    %dma_wait3A_121 = tpu.memref_slice %arg7[%dma_wait3A_116, %dma_wait3A_120] : memref<3x1600xi32, #tpu.memory_space<vmem>> -> memref<1x1600xi32, #tpu.memory_space<vmem>>
    %dma_wait3A_122 = tpu.memref_squeeze %dma_wait3A_121 : memref<1x1600xi32, #tpu.memory_space<vmem>> -> memref<1600xi32, #tpu.memory_space<vmem>>
    %dma_wait3A_123 = arith.constant 0 : i32
    %dma_wait3A_124 = tpu.memref_slice %arg11[%dma_wait3A_123] : memref<100352xf32, #tpu.memory_space<vmem_shared>> -> memref<100352xf32, #tpu.memory_space<vmem_shared>>
    tpu.wait_indirect_dma semaphore(%arg21 : memref<!tpu.dma_semaphore, #tpu.memory_space<semaphore_mem>>) src(%dma_wait3A_119 : memref<1600xf32, #tpu.memory_space<vmem>>) dst(%dma_wait3A_124 : memref<100352xf32, #tpu.memory_space<vmem_shared>>)
    %dma_wait3A_125 = arith.constant 2 : i32
    %dma_wait3A_126 = arith.constant 0 : i32
    %dma_wait3A_127 = tpu.memref_slice %arg7[%dma_wait3A_125, %dma_wait3A_126] : memref<3x1600xi32, #tpu.memory_space<vmem>> -> memref<1x1600xi32, #tpu.memory_space<vmem>>
    %dma_wait3A_128 = tpu.memref_squeeze %dma_wait3A_127 : memref<1x1600xi32, #tpu.memory_space<vmem>> -> memref<1600xi32, #tpu.memory_space<vmem>>
    %dma_wait3A_129 = arith.constant 0 : i32
    %dma_wait3A_130 = tpu.memref_slice %arg12[%dma_wait3A_129] : memref<100352xf32, #tpu.memory_space<vmem_shared>> -> memref<100352xf32, #tpu.memory_space<vmem_shared>>
    tpu.wait_indirect_dma semaphore(%arg24 : memref<!tpu.dma_semaphore, #tpu.memory_space<semaphore_mem>>) src(%arg10 : memref<1600xf32, #tpu.memory_space<vmem>>) dst(%dma_wait3A_130 : memref<100352xf32, #tpu.memory_space<vmem_shared>>)
    %dma_start3A_131 = arith.constant 0 : i32
    %dma_start3A_132 = arith.constant 0 : i32
    %dma_start3A_133 = arith.constant 0 : i32
    %dma_start3A_134 = tpu.memref_slice %arg9[%dma_start3A_131, %dma_start3A_133] : memref<3x1600xf32, #tpu.memory_space<vmem>> -> memref<1x1600xf32, #tpu.memory_space<vmem>>
    %dma_start3A_135 = tpu.memref_squeeze %dma_start3A_134 : memref<1x1600xf32, #tpu.memory_space<vmem>> -> memref<1600xf32, #tpu.memory_space<vmem>>
    %dma_start3A_136 = arith.constant 0 : i32
    %dma_start3A_137 = tpu.memref_slice %arg7[%dma_start3A_132, %dma_start3A_136] : memref<3x1600xi32, #tpu.memory_space<vmem>> -> memref<1x1600xi32, #tpu.memory_space<vmem>>
    %dma_start3A_138 = tpu.memref_squeeze %dma_start3A_137 : memref<1x1600xi32, #tpu.memory_space<vmem>> -> memref<1600xi32, #tpu.memory_space<vmem>>
    %dma_start3A_139 = arith.constant 0 : i32
    %dma_start3A_140 = tpu.memref_slice %arg11[%dma_start3A_139] : memref<100352xf32, #tpu.memory_space<vmem_shared>> -> memref<100352xf32, #tpu.memory_space<vmem_shared>>
    tpu.enqueue_indirect_dma source(%dma_start3A_135 : memref<1600xf32, #tpu.memory_space<vmem>>) target(%dma_start3A_140 : memref<100352xf32, #tpu.memory_space<vmem_shared>>) offsets(%dma_start3A_138 : memref<1600xi32, #tpu.memory_space<vmem>>) semaphore(%arg19 : memref<!tpu.dma_semaphore, #tpu.memory_space<semaphore_mem>>) {add = true}
    %dma_start3A_141 = arith.constant 0 : i32
    %dma_start3A_142 = arith.constant 0 : i32
    %dma_start3A_143 = tpu.memref_slice %arg7[%dma_start3A_141, %dma_start3A_142] : memref<3x1600xi32, #tpu.memory_space<vmem>> -> memref<1x1600xi32, #tpu.memory_space<vmem>>
    %dma_start3A_144 = tpu.memref_squeeze %dma_start3A_143 : memref<1x1600xi32, #tpu.memory_space<vmem>> -> memref<1600xi32, #tpu.memory_space<vmem>>
    %dma_start3A_145 = arith.constant 0 : i32
    %dma_start3A_146 = tpu.memref_slice %arg12[%dma_start3A_145] : memref<100352xf32, #tpu.memory_space<vmem_shared>> -> memref<100352xf32, #tpu.memory_space<vmem_shared>>
    tpu.enqueue_indirect_dma source(%arg10 : memref<1600xf32, #tpu.memory_space<vmem>>) target(%dma_start3A_146 : memref<100352xf32, #tpu.memory_space<vmem_shared>>) offsets(%dma_start3A_144 : memref<1600xi32, #tpu.memory_space<vmem>>) semaphore(%arg22 : memref<!tpu.dma_semaphore, #tpu.memory_space<semaphore_mem>>) {add = true}
    %add3A_147 = arith.constant 198400 : i32
    %add3A_148 = arith.addi %mul3A_35, %add3A_147 : i32
    %multiple_of3A_149 = tpu.assume_multiple %add3A_148, 8 : i32
    %dma_wait3A_150 = arith.constant 1 : i32
    %dma_wait3A_151 = arith.constant 0 : i32
    %dma_wait3A_152 = tpu.memref_slice %arg7[%dma_wait3A_150, %dma_wait3A_151] : memref<3x1600xi32, #tpu.memory_space<vmem>> -> memref<1x1600xi32, #tpu.memory_space<vmem>>
    %dma_wait3A_153 = tpu.memref_squeeze %dma_wait3A_152 : memref<1x1600xi32, #tpu.memory_space<vmem>> -> memref<1600xi32, #tpu.memory_space<vmem>>
    %dma_wait3A_154 = tpu.memref_slice %arg2[%multiple_of3A_149] : memref<12800000xi32, #tpu.memory_space<hbm>> -> memref<1600xi32, #tpu.memory_space<hbm>>
    %dma_wait3A_155 = arith.constant 0 : i32
    %dma_wait3A_156 = tpu.memref_slice %arg7[%dma_wait3A_150, %dma_wait3A_155] : memref<3x1600xi32, #tpu.memory_space<vmem>> -> memref<1x1600xi32, #tpu.memory_space<vmem>>
    %dma_wait3A_157 = tpu.memref_squeeze %dma_wait3A_156 : memref<1x1600xi32, #tpu.memory_space<vmem>> -> memref<1600xi32, #tpu.memory_space<vmem>>
    %dma_wait3A_158 = tpu.memref_slice %arg2[%multiple_of3A_149] : memref<12800000xi32, #tpu.memory_space<hbm>> -> memref<1600xi32, #tpu.memory_space<hbm>>
    tpu.wait_dma2 semaphore(%arg14 : memref<!tpu.dma_semaphore, #tpu.memory_space<semaphore_mem>>) src(%dma_wait3A_158 : memref<1600xi32, #tpu.memory_space<hbm>>) dst(%dma_wait3A_157 : memref<1600xi32, #tpu.memory_space<vmem>>)
    %add3A_159 = arith.constant 6400000 : i32
    %add3A_160 = arith.addi %multiple_of3A_149, %add3A_159 : i32
    %dma_wait3A_161 = arith.constant 1 : i32
    %dma_wait3A_162 = arith.constant 0 : i32
    %dma_wait3A_163 = tpu.memref_slice %arg8[%dma_wait3A_161, %dma_wait3A_162] : memref<3x1600xi32, #tpu.memory_space<vmem>> -> memref<1x1600xi32, #tpu.memory_space<vmem>>
    %dma_wait3A_164 = tpu.memref_squeeze %dma_wait3A_163 : memref<1x1600xi32, #tpu.memory_space<vmem>> -> memref<1600xi32, #tpu.memory_space<vmem>>
    %dma_wait3A_165 = tpu.memref_slice %arg2[%add3A_160] : memref<12800000xi32, #tpu.memory_space<hbm>> -> memref<1600xi32, #tpu.memory_space<hbm>>
    %dma_wait3A_166 = arith.constant 0 : i32
    %dma_wait3A_167 = tpu.memref_slice %arg8[%dma_wait3A_161, %dma_wait3A_166] : memref<3x1600xi32, #tpu.memory_space<vmem>> -> memref<1x1600xi32, #tpu.memory_space<vmem>>
    %dma_wait3A_168 = tpu.memref_squeeze %dma_wait3A_167 : memref<1x1600xi32, #tpu.memory_space<vmem>> -> memref<1600xi32, #tpu.memory_space<vmem>>
    %dma_wait3A_169 = tpu.memref_slice %arg2[%add3A_160] : memref<12800000xi32, #tpu.memory_space<hbm>> -> memref<1600xi32, #tpu.memory_space<hbm>>
    tpu.wait_dma2 semaphore(%arg17 : memref<!tpu.dma_semaphore, #tpu.memory_space<semaphore_mem>>) src(%dma_wait3A_169 : memref<1600xi32, #tpu.memory_space<hbm>>) dst(%dma_wait3A_168 : memref<1600xi32, #tpu.memory_space<vmem>>)
    %scan3A_170 = arith.constant 0 : i32
    %scan3A_171 = arith.constant 0 : i32
    %scan3A_172 = arith.constant 10 : i32
    %scan3A_173 = arith.addi %scan3A_171, %scan3A_172 : i32
    %scan3A_174 = arith.constant 1 : i32
    scf.for %scan3A_225 = %scan3A_171 to %scan3A_173 step %scan3A_174  : i32 {
      %mul3A_226 = arith.constant 160 : i32
      %mul3A_227 = arith.muli %scan3A_225, %mul3A_226 : i32
      %multiple_of3A_228 = tpu.assume_multiple %mul3A_227, 16 : i32
      %add3A_229 = arith.constant 0 : i32
      %add3A_230 = arith.addi %multiple_of3A_228, %add3A_229 : i32
      %get3A = arith.constant 1 : i32
      %get3A_231 = arith.index_cast %get3A : i32 to index
      %get3A_232 = arith.index_cast %add3A_230 : i32 to index
      %get3A_233 = tpu.vector_load %arg8[%get3A_231, %get3A_232] {strides = array<i32>} : memref<3x1600xi32, #tpu.memory_space<vmem>>, vector<16xi32>,
      %gather3A = tpu.vector_load_idx %arg6[%get3A_233] : memref<100352xf32, #tpu.memory_space<vmem>>[vector<16xi32>], vector<16xf32>,
      %swap3A = arith.constant 1 : i32
      %swap3A_234 = arith.index_cast %swap3A : i32 to index
      %swap3A_235 = arith.index_cast %add3A_230 : i32 to index
      %swap3A_236 = tpu.vector_load %arg9[%swap3A_234, %swap3A_235] {strides = array<i32>} : memref<3x1600xf32, #tpu.memory_space<vmem>>, vector<16xf32>,
      tpu.vector_store %arg9[%swap3A_234, %swap3A_235], %gather3A {strides = array<i32>} : memref<3x1600xf32, #tpu.memory_space<vmem>>, vector<16xf32>,
      %add3A_237 = arith.constant 16 : i32
      %add3A_238 = arith.addi %multiple_of3A_228, %add3A_237 : i32
      %get3A_239 = arith.constant 1 : i32
      %get3A_240 = arith.index_cast %get3A_239 : i32 to index
      %get3A_241 = arith.index_cast %add3A_238 : i32 to index
      %get3A_242 = tpu.vector_load %arg8[%get3A_240, %get3A_241] {strides = array<i32>} : memref<3x1600xi32, #tpu.memory_space<vmem>>, vector<16xi32>,
      %gather3A_243 = tpu.vector_load_idx %arg6[%get3A_242] : memref<100352xf32, #tpu.memory_space<vmem>>[vector<16xi32>], vector<16xf32>,
      %swap3A_244 = arith.constant 1 : i32
      %swap3A_245 = arith.index_cast %swap3A_244 : i32 to index
      %swap3A_246 = arith.index_cast %add3A_238 : i32 to index
      %swap3A_247 = tpu.vector_load %arg9[%swap3A_245, %swap3A_246] {strides = array<i32>} : memref<3x1600xf32, #tpu.memory_space<vmem>>, vector<16xf32>,
      tpu.vector_store %arg9[%swap3A_245, %swap3A_246], %gather3A_243 {strides = array<i32>} : memref<3x1600xf32, #tpu.memory_space<vmem>>, vector<16xf32>,
      %add3A_248 = arith.constant 32 : i32
      %add3A_249 = arith.addi %multiple_of3A_228, %add3A_248 : i32
      %get3A_250 = arith.constant 1 : i32
      %get3A_251 = arith.index_cast %get3A_250 : i32 to index
      %get3A_252 = arith.index_cast %add3A_249 : i32 to index
      %get3A_253 = tpu.vector_load %arg8[%get3A_251, %get3A_252] {strides = array<i32>} : memref<3x1600xi32, #tpu.memory_space<vmem>>, vector<16xi32>,
      %gather3A_254 = tpu.vector_load_idx %arg6[%get3A_253] : memref<100352xf32, #tpu.memory_space<vmem>>[vector<16xi32>], vector<16xf32>,
      %swap3A_255 = arith.constant 1 : i32
      %swap3A_256 = arith.index_cast %swap3A_255 : i32 to index
      %swap3A_257 = arith.index_cast %add3A_249 : i32 to index
      %swap3A_258 = tpu.vector_load %arg9[%swap3A_256, %swap3A_257] {strides = array<i32>} : memref<3x1600xf32, #tpu.memory_space<vmem>>, vector<16xf32>,
      tpu.vector_store %arg9[%swap3A_256, %swap3A_257], %gather3A_254 {strides = array<i32>} : memref<3x1600xf32, #tpu.memory_space<vmem>>, vector<16xf32>,
      %add3A_259 = arith.constant 48 : i32
      %add3A_260 = arith.addi %multiple_of3A_228, %add3A_259 : i32
      %get3A_261 = arith.constant 1 : i32
      %get3A_262 = arith.index_cast %get3A_261 : i32 to index
      %get3A_263 = arith.index_cast %add3A_260 : i32 to index
      %get3A_264 = tpu.vector_load %arg8[%get3A_262, %get3A_263] {strides = array<i32>} : memref<3x1600xi32, #tpu.memory_space<vmem>>, vector<16xi32>,
      %gather3A_265 = tpu.vector_load_idx %arg6[%get3A_264] : memref<100352xf32, #tpu.memory_space<vmem>>[vector<16xi32>], vector<16xf32>,
      %swap3A_266 = arith.constant 1 : i32
      %swap3A_267 = arith.index_cast %swap3A_266 : i32 to index
      %swap3A_268 = arith.index_cast %add3A_260 : i32 to index
      %swap3A_269 = tpu.vector_load %arg9[%swap3A_267, %swap3A_268] {strides = array<i32>} : memref<3x1600xf32, #tpu.memory_space<vmem>>, vector<16xf32>,
      tpu.vector_store %arg9[%swap3A_267, %swap3A_268], %gather3A_265 {strides = array<i32>} : memref<3x1600xf32, #tpu.memory_space<vmem>>, vector<16xf32>,
      %add3A_270 = arith.constant 64 : i32
      %add3A_271 = arith.addi %multiple_of3A_228, %add3A_270 : i32
      %get3A_272 = arith.constant 1 : i32
      %get3A_273 = arith.index_cast %get3A_272 : i32 to index
      %get3A_274 = arith.index_cast %add3A_271 : i32 to index
      %get3A_275 = tpu.vector_load %arg8[%get3A_273, %get3A_274] {strides = array<i32>} : memref<3x1600xi32, #tpu.memory_space<vmem>>, vector<16xi32>,
      %gather3A_276 = tpu.vector_load_idx %arg6[%get3A_275] : memref<100352xf32, #tpu.memory_space<vmem>>[vector<16xi32>], vector<16xf32>,
      %swap3A_277 = arith.constant 1 : i32
      %swap3A_278 = arith.index_cast %swap3A_277 : i32 to index
      %swap3A_279 = arith.index_cast %add3A_271 : i32 to index
      %swap3A_280 = tpu.vector_load %arg9[%swap3A_278, %swap3A_279] {strides = array<i32>} : memref<3x1600xf32, #tpu.memory_space<vmem>>, vector<16xf32>,
      tpu.vector_store %arg9[%swap3A_278, %swap3A_279], %gather3A_276 {strides = array<i32>} : memref<3x1600xf32, #tpu.memory_space<vmem>>, vector<16xf32>,
      %add3A_281 = arith.constant 80 : i32
      %add3A_282 = arith.addi %multiple_of3A_228, %add3A_281 : i32
      %get3A_283 = arith.constant 1 : i32
      %get3A_284 = arith.index_cast %get3A_283 : i32 to index
      %get3A_285 = arith.index_cast %add3A_282 : i32 to index
      %get3A_286 = tpu.vector_load %arg8[%get3A_284, %get3A_285] {strides = array<i32>} : memref<3x1600xi32, #tpu.memory_space<vmem>>, vector<16xi32>,
      %gather3A_287 = tpu.vector_load_idx %arg6[%get3A_286] : memref<100352xf32, #tpu.memory_space<vmem>>[vector<16xi32>], vector<16xf32>,
      %swap3A_288 = arith.constant 1 : i32
      %swap3A_289 = arith.index_cast %swap3A_288 : i32 to index
      %swap3A_290 = arith.index_cast %add3A_282 : i32 to index
      %swap3A_291 = tpu.vector_load %arg9[%swap3A_289, %swap3A_290] {strides = array<i32>} : memref<3x1600xf32, #tpu.memory_space<vmem>>, vector<16xf32>,
      tpu.vector_store %arg9[%swap3A_289, %swap3A_290], %gather3A_287 {strides = array<i32>} : memref<3x1600xf32, #tpu.memory_space<vmem>>, vector<16xf32>,
      %add3A_292 = arith.constant 96 : i32
      %add3A_293 = arith.addi %multiple_of3A_228, %add3A_292 : i32
      %get3A_294 = arith.constant 1 : i32
      %get3A_295 = arith.index_cast %get3A_294 : i32 to index
      %get3A_296 = arith.index_cast %add3A_293 : i32 to index
      %get3A_297 = tpu.vector_load %arg8[%get3A_295, %get3A_296] {strides = array<i32>} : memref<3x1600xi32, #tpu.memory_space<vmem>>, vector<16xi32>,
      %gather3A_298 = tpu.vector_load_idx %arg6[%get3A_297] : memref<100352xf32, #tpu.memory_space<vmem>>[vector<16xi32>], vector<16xf32>,
      %swap3A_299 = arith.constant 1 : i32
      %swap3A_300 = arith.index_cast %swap3A_299 : i32 to index
      %swap3A_301 = arith.index_cast %add3A_293 : i32 to index
      %swap3A_302 = tpu.vector_load %arg9[%swap3A_300, %swap3A_301] {strides = array<i32>} : memref<3x1600xf32, #tpu.memory_space<vmem>>, vector<16xf32>,
      tpu.vector_store %arg9[%swap3A_300, %swap3A_301], %gather3A_298 {strides = array<i32>} : memref<3x1600xf32, #tpu.memory_space<vmem>>, vector<16xf32>,
      %add3A_303 = arith.constant 112 : i32
      %add3A_304 = arith.addi %multiple_of3A_228, %add3A_303 : i32
      %get3A_305 = arith.constant 1 : i32
      %get3A_306 = arith.index_cast %get3A_305 : i32 to index
      %get3A_307 = arith.index_cast %add3A_304 : i32 to index
      %get3A_308 = tpu.vector_load %arg8[%get3A_306, %get3A_307] {strides = array<i32>} : memref<3x1600xi32, #tpu.memory_space<vmem>>, vector<16xi32>,
      %gather3A_309 = tpu.vector_load_idx %arg6[%get3A_308] : memref<100352xf32, #tpu.memory_space<vmem>>[vector<16xi32>], vector<16xf32>,
      %swap3A_310 = arith.constant 1 : i32
      %swap3A_311 = arith.index_cast %swap3A_310 : i32 to index
      %swap3A_312 = arith.index_cast %add3A_304 : i32 to index
      %swap3A_313 = tpu.vector_load %arg9[%swap3A_311, %swap3A_312] {strides = array<i32>} : memref<3x1600xf32, #tpu.memory_space<vmem>>, vector<16xf32>,
      tpu.vector_store %arg9[%swap3A_311, %swap3A_312], %gather3A_309 {strides = array<i32>} : memref<3x1600xf32, #tpu.memory_space<vmem>>, vector<16xf32>,
      %add3A_314 = arith.constant 128 : i32
      %add3A_315 = arith.addi %multiple_of3A_228, %add3A_314 : i32
      %get3A_316 = arith.constant 1 : i32
      %get3A_317 = arith.index_cast %get3A_316 : i32 to index
      %get3A_318 = arith.index_cast %add3A_315 : i32 to index
      %get3A_319 = tpu.vector_load %arg8[%get3A_317, %get3A_318] {strides = array<i32>} : memref<3x1600xi32, #tpu.memory_space<vmem>>, vector<16xi32>,
      %gather3A_320 = tpu.vector_load_idx %arg6[%get3A_319] : memref<100352xf32, #tpu.memory_space<vmem>>[vector<16xi32>], vector<16xf32>,
      %swap3A_321 = arith.constant 1 : i32
      %swap3A_322 = arith.index_cast %swap3A_321 : i32 to index
      %swap3A_323 = arith.index_cast %add3A_315 : i32 to index
      %swap3A_324 = tpu.vector_load %arg9[%swap3A_322, %swap3A_323] {strides = array<i32>} : memref<3x1600xf32, #tpu.memory_space<vmem>>, vector<16xf32>,
      tpu.vector_store %arg9[%swap3A_322, %swap3A_323], %gather3A_320 {strides = array<i32>} : memref<3x1600xf32, #tpu.memory_space<vmem>>, vector<16xf32>,
      %add3A_325 = arith.constant 144 : i32
      %add3A_326 = arith.addi %multiple_of3A_228, %add3A_325 : i32
      %get3A_327 = arith.constant 1 : i32
      %get3A_328 = arith.index_cast %get3A_327 : i32 to index
      %get3A_329 = arith.index_cast %add3A_326 : i32 to index
      %get3A_330 = tpu.vector_load %arg8[%get3A_328, %get3A_329] {strides = array<i32>} : memref<3x1600xi32, #tpu.memory_space<vmem>>, vector<16xi32>,
      %gather3A_331 = tpu.vector_load_idx %arg6[%get3A_330] : memref<100352xf32, #tpu.memory_space<vmem>>[vector<16xi32>], vector<16xf32>,
      %swap3A_332 = arith.constant 1 : i32
      %swap3A_333 = arith.index_cast %swap3A_332 : i32 to index
      %swap3A_334 = arith.index_cast %add3A_326 : i32 to index
      %swap3A_335 = tpu.vector_load %arg9[%swap3A_333, %swap3A_334] {strides = array<i32>} : memref<3x1600xf32, #tpu.memory_space<vmem>>, vector<16xf32>,
      tpu.vector_store %arg9[%swap3A_333, %swap3A_334], %gather3A_331 {strides = array<i32>} : memref<3x1600xf32, #tpu.memory_space<vmem>>, vector<16xf32>,
    }
    %scan3A_175 = arith.constant 10 : i32
    %dma_wait3A_176 = arith.constant 0 : i32
    %dma_wait3A_177 = arith.constant 0 : i32
    %dma_wait3A_178 = arith.constant 0 : i32
    %dma_wait3A_179 = tpu.memref_slice %arg9[%dma_wait3A_176, %dma_wait3A_178] : memref<3x1600xf32, #tpu.memory_space<vmem>> -> memref<1x1600xf32, #tpu.memory_space<vmem>>
    %dma_wait3A_180 = tpu.memref_squeeze %dma_wait3A_179 : memref<1x1600xf32, #tpu.memory_space<vmem>> -> memref<1600xf32, #tpu.memory_space<vmem>>
    %dma_wait3A_181 = arith.constant 0 : i32
    %dma_wait3A_182 = tpu.memref_slice %arg7[%dma_wait3A_177, %dma_wait3A_181] : memref<3x1600xi32, #tpu.memory_space<vmem>> -> memref<1x1600xi32, #tpu.memory_space<vmem>>
    %dma_wait3A_183 = tpu.memref_squeeze %dma_wait3A_182 : memref<1x1600xi32, #tpu.memory_space<vmem>> -> memref<1600xi32, #tpu.memory_space<vmem>>
    %dma_wait3A_184 = arith.constant 0 : i32
    %dma_wait3A_185 = tpu.memref_slice %arg11[%dma_wait3A_184] : memref<100352xf32, #tpu.memory_space<vmem_shared>> -> memref<100352xf32, #tpu.memory_space<vmem_shared>>
    tpu.wait_indirect_dma semaphore(%arg19 : memref<!tpu.dma_semaphore, #tpu.memory_space<semaphore_mem>>) src(%dma_wait3A_180 : memref<1600xf32, #tpu.memory_space<vmem>>) dst(%dma_wait3A_185 : memref<100352xf32, #tpu.memory_space<vmem_shared>>)
    %dma_wait3A_186 = arith.constant 0 : i32
    %dma_wait3A_187 = arith.constant 0 : i32
    %dma_wait3A_188 = tpu.memref_slice %arg7[%dma_wait3A_186, %dma_wait3A_187] : memref<3x1600xi32, #tpu.memory_space<vmem>> -> memref<1x1600xi32, #tpu.memory_space<vmem>>
    %dma_wait3A_189 = tpu.memref_squeeze %dma_wait3A_188 : memref<1x1600xi32, #tpu.memory_space<vmem>> -> memref<1600xi32, #tpu.memory_space<vmem>>
    %dma_wait3A_190 = arith.constant 0 : i32
    %dma_wait3A_191 = tpu.memref_slice %arg12[%dma_wait3A_190] : memref<100352xf32, #tpu.memory_space<vmem_shared>> -> memref<100352xf32, #tpu.memory_space<vmem_shared>>
    tpu.wait_indirect_dma semaphore(%arg22 : memref<!tpu.dma_semaphore, #tpu.memory_space<semaphore_mem>>) src(%arg10 : memref<1600xf32, #tpu.memory_space<vmem>>) dst(%dma_wait3A_191 : memref<100352xf32, #tpu.memory_space<vmem_shared>>)
    %dma_start3A_192 = arith.constant 1 : i32
    %dma_start3A_193 = arith.constant 1 : i32
    %dma_start3A_194 = arith.constant 0 : i32
    %dma_start3A_195 = tpu.memref_slice %arg9[%dma_start3A_192, %dma_start3A_194] : memref<3x1600xf32, #tpu.memory_space<vmem>> -> memref<1x1600xf32, #tpu.memory_space<vmem>>
    %dma_start3A_196 = tpu.memref_squeeze %dma_start3A_195 : memref<1x1600xf32, #tpu.memory_space<vmem>> -> memref<1600xf32, #tpu.memory_space<vmem>>
    %dma_start3A_197 = arith.constant 0 : i32
    %dma_start3A_198 = tpu.memref_slice %arg7[%dma_start3A_193, %dma_start3A_197] : memref<3x1600xi32, #tpu.memory_space<vmem>> -> memref<1x1600xi32, #tpu.memory_space<vmem>>
    %dma_start3A_199 = tpu.memref_squeeze %dma_start3A_198 : memref<1x1600xi32, #tpu.memory_space<vmem>> -> memref<1600xi32, #tpu.memory_space<vmem>>
    %dma_start3A_200 = arith.constant 0 : i32
    %dma_start3A_201 = tpu.memref_slice %arg11[%dma_start3A_200] : memref<100352xf32, #tpu.memory_space<vmem_shared>> -> memref<100352xf32, #tpu.memory_space<vmem_shared>>
    tpu.enqueue_indirect_dma source(%dma_start3A_196 : memref<1600xf32, #tpu.memory_space<vmem>>) target(%dma_start3A_201 : memref<100352xf32, #tpu.memory_space<vmem_shared>>) offsets(%dma_start3A_199 : memref<1600xi32, #tpu.memory_space<vmem>>) semaphore(%arg20 : memref<!tpu.dma_semaphore, #tpu.memory_space<semaphore_mem>>) {add = true}
    %dma_start3A_202 = arith.constant 1 : i32
    %dma_start3A_203 = arith.constant 0 : i32
    %dma_start3A_204 = tpu.memref_slice %arg7[%dma_start3A_202, %dma_start3A_203] : memref<3x1600xi32, #tpu.memory_space<vmem>> -> memref<1x1600xi32, #tpu.memory_space<vmem>>
    %dma_start3A_205 = tpu.memref_squeeze %dma_start3A_204 : memref<1x1600xi32, #tpu.memory_space<vmem>> -> memref<1600xi32, #tpu.memory_space<vmem>>
    %dma_start3A_206 = arith.constant 0 : i32
    %dma_start3A_207 = tpu.memref_slice %arg12[%dma_start3A_206] : memref<100352xf32, #tpu.memory_space<vmem_shared>> -> memref<100352xf32, #tpu.memory_space<vmem_shared>>
    tpu.enqueue_indirect_dma source(%arg10 : memref<1600xf32, #tpu.memory_space<vmem>>) target(%dma_start3A_207 : memref<100352xf32, #tpu.memory_space<vmem_shared>>) offsets(%dma_start3A_205 : memref<1600xi32, #tpu.memory_space<vmem>>) semaphore(%arg23 : memref<!tpu.dma_semaphore, #tpu.memory_space<semaphore_mem>>) {add = true}
    %dma_wait3A_208 = arith.constant 1 : i32
    %dma_wait3A_209 = arith.constant 1 : i32
    %dma_wait3A_210 = arith.constant 0 : i32
    %dma_wait3A_211 = tpu.memref_slice %arg9[%dma_wait3A_208, %dma_wait3A_210] : memref<3x1600xf32, #tpu.memory_space<vmem>> -> memref<1x1600xf32, #tpu.memory_space<vmem>>
    %dma_wait3A_212 = tpu.memref_squeeze %dma_wait3A_211 : memref<1x1600xf32, #tpu.memory_space<vmem>> -> memref<1600xf32, #tpu.memory_space<vmem>>
    %dma_wait3A_213 = arith.constant 0 : i32
    %dma_wait3A_214 = tpu.memref_slice %arg7[%dma_wait3A_209, %dma_wait3A_213] : memref<3x1600xi32, #tpu.memory_space<vmem>> -> memref<1x1600xi32, #tpu.memory_space<vmem>>
    %dma_wait3A_215 = tpu.memref_squeeze %dma_wait3A_214 : memref<1x1600xi32, #tpu.memory_space<vmem>> -> memref<1600xi32, #tpu.memory_space<vmem>>
    %dma_wait3A_216 = arith.constant 0 : i32
    %dma_wait3A_217 = tpu.memref_slice %arg11[%dma_wait3A_216] : memref<100352xf32, #tpu.memory_space<vmem_shared>> -> memref<100352xf32, #tpu.memory_space<vmem_shared>>
    tpu.wait_indirect_dma semaphore(%arg20 : memref<!tpu.dma_semaphore, #tpu.memory_space<semaphore_mem>>) src(%dma_wait3A_212 : memref<1600xf32, #tpu.memory_space<vmem>>) dst(%dma_wait3A_217 : memref<100352xf32, #tpu.memory_space<vmem_shared>>)
    %dma_wait3A_218 = arith.constant 1 : i32
    %dma_wait3A_219 = arith.constant 0 : i32
    %dma_wait3A_220 = tpu.memref_slice %arg7[%dma_wait3A_218, %dma_wait3A_219] : memref<3x1600xi32, #tpu.memory_space<vmem>> -> memref<1x1600xi32, #tpu.memory_space<vmem>>
    %dma_wait3A_221 = tpu.memref_squeeze %dma_wait3A_220 : memref<1x1600xi32, #tpu.memory_space<vmem>> -> memref<1600xi32, #tpu.memory_space<vmem>>
    %dma_wait3A_222 = arith.constant 0 : i32
    %dma_wait3A_223 = tpu.memref_slice %arg12[%dma_wait3A_222] : memref<100352xf32, #tpu.memory_space<vmem_shared>> -> memref<100352xf32, #tpu.memory_space<vmem_shared>>
    tpu.wait_indirect_dma semaphore(%arg23 : memref<!tpu.dma_semaphore, #tpu.memory_space<semaphore_mem>>) src(%arg10 : memref<1600xf32, #tpu.memory_space<vmem>>) dst(%dma_wait3A_223 : memref<100352xf32, #tpu.memory_space<vmem_shared>>)
    %barrier3A_224 = arith.constant 0 : index
    tpu.barrier barrier_id(%barrier3A_224)
    "tpu.region"() ({
      %run_scoped3A_225 = tpu.sem_alloc : memref<!tpu.dma_semaphore, #tpu.memory_space<semaphore_mem>>
      %dma_start3A_226 = tpu.memref_slice %arg4[%arg0, %multiple_of3A] : memref<2x100352xf32, #tpu.memory_space<hbm>> -> memref<1x6272xf32, #tpu.memory_space<hbm>>
      %dma_start3A_227 = tpu.memref_squeeze %dma_start3A_226 : memref<1x6272xf32, #tpu.memory_space<hbm>> -> memref<6272xf32, #tpu.memory_space<hbm>>
      %dma_start3A_228 = tpu.memref_slice %arg11[%multiple_of3A] : memref<100352xf32, #tpu.memory_space<vmem_shared>> -> memref<6272xf32, #tpu.memory_space<vmem_shared>>
      tpu.enqueue_dma source(%dma_start3A_228 : memref<6272xf32, #tpu.memory_space<vmem_shared>>) target(%dma_start3A_227 : memref<6272xf32, #tpu.memory_space<hbm>>) target_semaphore(%run_scoped3A_225 : memref<!tpu.dma_semaphore, #tpu.memory_space<semaphore_mem>>)
      %dma_wait3A_229 = tpu.memref_slice %arg4[%arg0, %multiple_of3A] : memref<2x100352xf32, #tpu.memory_space<hbm>> -> memref<1x6272xf32, #tpu.memory_space<hbm>>
      %dma_wait3A_230 = tpu.memref_squeeze %dma_wait3A_229 : memref<1x6272xf32, #tpu.memory_space<hbm>> -> memref<6272xf32, #tpu.memory_space<hbm>>
      %dma_wait3A_231 = tpu.memref_slice %arg11[%multiple_of3A] : memref<100352xf32, #tpu.memory_space<vmem_shared>> -> memref<6272xf32, #tpu.memory_space<vmem_shared>>
      tpu.wait_dma2 semaphore(%run_scoped3A_225 : memref<!tpu.dma_semaphore, #tpu.memory_space<semaphore_mem>>) src(%dma_wait3A_231 : memref<6272xf32, #tpu.memory_space<vmem_shared>>) dst(%dma_wait3A_230 : memref<6272xf32, #tpu.memory_space<hbm>>)
      tpu.yield
    }) : () -> ()
    "tpu.region"() ({
      %run_scoped3A_225 = tpu.sem_alloc : memref<!tpu.dma_semaphore, #tpu.memory_space<semaphore_mem>>
      %dma_start3A_226 = tpu.memref_slice %arg5[%arg0, %multiple_of3A] : memref<2x100352xf32, #tpu.memory_space<hbm>> -> memref<1x6272xf32, #tpu.memory_space<hbm>>
      %dma_start3A_227 = tpu.memref_squeeze %dma_start3A_226 : memref<1x6272xf32, #tpu.memory_space<hbm>> -> memref<6272xf32, #tpu.memory_space<hbm>>
      %dma_start3A_228 = tpu.memref_slice %arg12[%multiple_of3A] : memref<100352xf32, #tpu.memory_space<vmem_shared>> -> memref<6272xf32, #tpu.memory_space<vmem_shared>>
      tpu.enqueue_dma source(%dma_start3A_228 : memref<6272xf32, #tpu.memory_space<vmem_shared>>) target(%dma_start3A_227 : memref<6272xf32, #tpu.memory_space<hbm>>) target_semaphore(%run_scoped3A_225 : memref<!tpu.dma_semaphore, #tpu.memory_space<semaphore_mem>>)
      %dma_wait3A_229 = tpu.memref_slice %arg5[%arg0, %multiple_of3A] : memref<2x100352xf32, #tpu.memory_space<hbm>> -> memref<1x6272xf32, #tpu.memory_space<hbm>>
      %dma_wait3A_230 = tpu.memref_squeeze %dma_wait3A_229 : memref<1x6272xf32, #tpu.memory_space<hbm>> -> memref<6272xf32, #tpu.memory_space<hbm>>
      %dma_wait3A_231 = tpu.memref_slice %arg12[%multiple_of3A] : memref<100352xf32, #tpu.memory_space<vmem_shared>> -> memref<6272xf32, #tpu.memory_space<vmem_shared>>
      tpu.wait_dma2 semaphore(%run_scoped3A_225 : memref<!tpu.dma_semaphore, #tpu.memory_space<semaphore_mem>>) src(%dma_wait3A_231 : memref<6272xf32, #tpu.memory_space<vmem_shared>>) dst(%dma_wait3A_230 : memref<6272xf32, #tpu.memory_space<hbm>>)
      tpu.yield
    }) : () -> ()
    return
  }
}

module attributes {stable_mosaic.version = 14 : i64} {
  func.func @_fin_body(%arg0: memref<784x128xf32, #tpu.memory_space<vmem>>, %arg1: memref<2x784x128xf32, #tpu.memory_space<vmem>>, %arg2: memref<2x784x128xf32, #tpu.memory_space<vmem>>, %arg3: memref<784x128xf32, #tpu.memory_space<vmem>>) attributes {dimension_semantics = [], scalar_prefetch = 0 : i64, scratch_operands = 0 : i64, tpu.core_type = #tpu.core_type<tc>} {
    %get3A = arith.constant 0 : index
    %get3A_0 = arith.constant 0 : index
    %get3A_1 = vector.load %arg0[%get3A, %get3A_0] : memref<784x128xf32, #tpu.memory_space<vmem>>, vector<784x128xf32>
    %get3A_2 = arith.constant 0 : index
    %get3A_3 = arith.constant 0 : index
    %get3A_4 = arith.constant 0 : index
    %get3A_5 = vector.load %arg1[%get3A_2, %get3A_3, %get3A_4] : memref<2x784x128xf32, #tpu.memory_space<vmem>>, vector<2x784x128xf32>
    %get3A_6 = arith.constant 0 : index
    %get3A_7 = arith.constant 0 : index
    %get3A_8 = arith.constant 0 : index
    %get3A_9 = vector.load %arg2[%get3A_6, %get3A_7, %get3A_8] : memref<2x784x128xf32, #tpu.memory_space<vmem>>, vector<2x784x128xf32>
    %slice3A = vector.extract_strided_slice %get3A_5 {offsets = [0, 0, 0], sizes = [1, 784, 128], strides = [1, 1, 1]} : vector<2x784x128xf32> to vector<1x784x128xf32>
    %squeeze3A = vector.shape_cast %slice3A : vector<1x784x128xf32> to vector<784x128xf32>
    %slice3A_10 = vector.extract_strided_slice %get3A_5 {offsets = [1, 0, 0], sizes = [1, 784, 128], strides = [1, 1, 1]} : vector<2x784x128xf32> to vector<1x784x128xf32>
    %squeeze3A_11 = vector.shape_cast %slice3A_10 : vector<1x784x128xf32> to vector<784x128xf32>
    %add3A = arith.addf %squeeze3A, %squeeze3A_11 : vector<784x128xf32>
    %slice3A_12 = vector.extract_strided_slice %get3A_9 {offsets = [0, 0, 0], sizes = [1, 784, 128], strides = [1, 1, 1]} : vector<2x784x128xf32> to vector<1x784x128xf32>
    %squeeze3A_13 = vector.shape_cast %slice3A_12 : vector<1x784x128xf32> to vector<784x128xf32>
    %slice3A_14 = vector.extract_strided_slice %get3A_9 {offsets = [1, 0, 0], sizes = [1, 784, 128], strides = [1, 1, 1]} : vector<2x784x128xf32> to vector<1x784x128xf32>
    %squeeze3A_15 = vector.shape_cast %slice3A_14 : vector<1x784x128xf32> to vector<784x128xf32>
    %add3A_16 = arith.addf %squeeze3A_13, %squeeze3A_15 : vector<784x128xf32>
    %mul3A = arith.constant 5.000000e-01 : f32
    %mul3A_17 = vector.broadcast %mul3A : f32 to vector<784x128xf32>
    %mul3A_18 = arith.mulf %mul3A_17, %get3A_1 : vector<784x128xf32>
    %mul3A_19 = arith.mulf %add3A_16, %get3A_1 : vector<784x128xf32>
    %add3A_20 = arith.addf %mul3A_19, %add3A : vector<784x128xf32>
    %mul3A_21 = arith.constant 2.500000e-01 : f32
    %mul3A_22 = vector.broadcast %mul3A_21 : f32 to vector<784x128xf32>
    %mul3A_23 = arith.mulf %mul3A_22, %add3A_20 : vector<784x128xf32>
    %max3A = arith.constant 1.000000e+00 : f32
    %max3A_24 = vector.broadcast %max3A : f32 to vector<784x128xf32>
    %max3A_25 = arith.maximumf %add3A_16, %max3A_24 : vector<784x128xf32>
    %div3A = arith.divf %mul3A_23, %max3A_25 : vector<784x128xf32>
    %add3A_26 = arith.addf %mul3A_18, %div3A : vector<784x128xf32>
    %swap3A = arith.constant 0 : index
    %swap3A_27 = arith.constant 0 : index
    %swap3A_28 = vector.load %arg3[%swap3A, %swap3A_27] : memref<784x128xf32, #tpu.memory_space<vmem>>, vector<784x128xf32>
    tpu.vector_store %arg3[%swap3A, %swap3A_27], %add3A_26 {strides = array<i32>} : memref<784x128xf32, #tpu.memory_space<vmem>>, vector<784x128xf32>,
    return
  }
}

</mosaic_0001>

<sc_bundles>
// kernel: kernel.4.cloned.1.call-start
scs
__scs_entry_jumppad:
0x0: {  	(pc) =	sbr.rel $0x88, $3  }
0x1: {  	(tag) =	ssettag $0x0;
	lr =	simm.s32 $0x1  }
0x2: {  	[smem:$0x3F9F] =	sst lr;
	_ =	strace $0xD0000000  }
0x3: {  	_ = 	snop  }
0x4: {  	_ = 	snop  }
0x5: {  	_ = 	snop  }
0x6: {  	_ = 	snop  }
0x7: {  	_ = 	snop  }
__scs_overlays_trampoline_lowered:
0x8: {  	[smem:$0x3FAE] =	sst s0  }
0x9: {  	[smem:$0x3FAF] =	sst s1  }
0xa: {  	[smem:$0x3FB0] =	sst s2  }
0xb: {  	[smem:$0x3FB1] =	sst s3  }
0xc: {  	[smem:$0x3FB2] =	sst s4  }
0xd: {  	[smem:$0x3FB3] =	sst s5  }
0xe: {  	[smem:$0x3FB4] =	sst s6  }
0xf: {  	[smem:$0x3FB5] =	sst s7  }
0x10: {  	[smem:$0x3FB6] =	sst s8  }
0x11: {  	[smem:$0x3FB7] =	sst s9;
	s0 =	simm.s32 @!p0 $0x0  }
0x12: {  	s1 =	sld [smem:$0x3F9D];
	s0 =	simm.s32 @p0 $0x1  }
0x13: {  	[smem:$0x3FB8] =	sst s0;
	s0 =	simm.s32 @!p1 $0x0  }
0x14: {  	s2 =	sld [smem:$0x3F9C];
	s0 =	simm.s32 @p1 $0x1  }
0x15: {  	[smem:$0x3FB9] =	sst s0;
	s0 =	simm.s32 @!p2 $0x0  }
0x16: {  	s3 =	sld [smem:$0x3FDB];
	s0 =	simm.s32 @p2 $0x1  }
0x17: {  	s4 =	simm.s32 $0x1BF5;
	[smem:$0x3FBB] =	sst s0  }
0x18: {  	s0 =	sld [smem:$0x3F9E];
	_ =	swait.ge [sflag:s4], $0x0  }
0x19: {  	s7 =	sld [smem:$0x3F9F]  }
0x1a: {  	s8 =	sadd.s32 $0xFFFFE003, lr  }
0x1b: {  	s9 =	sadd.s32 $0xFFFFFEF7, lr;
	s5 =	simm.s32 $0xFFFFFFFF;
	p2 =	slt.u32 s8, $0xFFFFF086  }
0x1c: {  	p1 =	slt.u32 s9, $0xF7A;
	s5 =	simm.s32 @!p2 $0x0  }
0x1d: {  	s5 =	simm.s32 @p1 $0x1;
	p0 =	seq.s32 s7, s2  }
0x1e: {  	s7 =	smul.u32 @!p0 $0xF7A, s2;
	p2 =	seq.s32 @!p0 s5, $0x0  }
0x1f: {  	s9 =	smul.u32 $0xF7A, s1;
	s8 =	simm.s32 @!p0 $0x1BF5;
	p2 =	por !p2, p0  }
0x20: {  	[sflag:s8] =	ssyncset.s32 @!p0 $0xFFFFF086;
	s6 =	sadd.s32 @!p0 s3, s7;
	s7 =	simm.s32 @!p0 $0x108  }
0x21: {  	s3 =	sadd.s32 s3, s9;
	s6 =	sadd.s32 @!p0 $0x88, s6;
	s7 =	simm.s32 @p2 $0x1082  }
0x22: {  	[simem:s7], [sflag:s8] =	dma.local @!p0 [hbm:s6], $0xF7A  }
0x23: {  	s9 =	sor.u32 $0xD0000000, s2;
	s6 =	simm.s32 $0x108;
	_ =	swait.ge @!p0 [sflag:s8], $0x0  }
0x24: {  	s3 =	sadd.s32 $0x88, s3;
	s6 =	simm.s32 @!p1 $0x1082;
	[sflag:s4] =	ssyncset.s32 $0xFFFFF086  }
0x25: {  	[simem:s6], [sflag:s4] =	dma.local [hbm:s3], $0xF7A  }
0x26: {  	[smem:$0x3F9F] =	sst s1;
	(tag) =	ssettag s2;
	_ =	strace s9  }
0x27: {  	s1 =	sld [smem:$0x3FAF]  }
0x28: {  	s2 =	sld [smem:$0x3FB0]  }
0x29: {  	s4 =	sld [smem:$0x3FB2]  }
0x2a: {  	p0 =	seq.s32 s5, $0x0;
	s5 =	sld [smem:$0x3FB3]  }
0x2b: {  	s6 =	sld [smem:$0x3FB4]  }
0x2c: {  	s7 =	sld [smem:$0x3FB5]  }
0x2d: {  	s3 =	simm.s32 $0x108;
	s8 =	sld [smem:$0x3FB6]  }
0x2e: {  	s3 =	simm.s32 @!p0 $0x1082;
	s9 =	sld [smem:$0x3FB7]  }
0x2f: {  	lr =	sadd.s32 s0, s3;
	s0 =	sld [smem:$0x3FAE]  }
0x30: {  	s3 =	sld [smem:$0x3FB1]  }
0x31: {  	[smem:$0x3FBA] =	sst s10  }
0x32: {  	s10 =	sld [smem:$0x3FB8];
	_ =	sdelay $0x3  }
0x33: {  	p0 =	seq.s32 s10, $0x1;
	s10 =	sld [smem:$0x3FBA];
	_ =	sdelay $0x3  }
0x34: {  	[smem:$0x3FBA] =	sst s10  }
0x35: {  	s10 =	sld [smem:$0x3FB9];
	_ =	sdelay $0x3  }
0x36: {  	p1 =	seq.s32 s10, $0x1;
	s10 =	sld [smem:$0x3FBA];
	_ =	sdelay $0x3  }
0x37: {  	[smem:$0x3FBA] =	sst s10  }
0x38: {  	s10 =	sld [smem:$0x3FBB]  }
0x39: {  	_ = 	snop;
	(pc) =	sbr.ind lr, $3  }
0x3a: {  	_ = 	snop  }
0x3b: {  	_ = 	snop  }
0x3c: {  	p2 =	seq.s32 s10, $0x1;
	s10 =	sld [smem:$0x3FBA]  }
0x3d: {  	_ =	shalt  }
0x3e: {  	_ =	shalt  }
0x3f: {  	_ =	shalt  }
0x40: {  	_ =	shalt  }
0x41: {  	_ =	shalt  }
0x42: {  	_ =	shalt  }
0x43: {  	_ =	shalt  }
0x44: {  	_ =	shalt  }
0x45: {  	_ =	shalt  }
0x46: {  	_ =	shalt  }
0x47: {  	_ =	shalt  }
0x48: {  	_ =	shalt  }
0x49: {  	_ =	shalt  }
0x4a: {  	_ =	shalt  }
0x4b: {  	_ =	shalt  }
0x4c: {  	_ =	shalt  }
0x4d: {  	_ =	shalt  }
0x4e: {  	_ =	shalt  }
0x4f: {  	_ =	shalt  }
0x50: {  	_ =	shalt  }
0x51: {  	_ =	shalt  }
0x52: {  	_ =	shalt  }
0x53: {  	_ =	shalt  }
0x54: {  	_ =	shalt  }
0x55: {  	_ =	shalt  }
0x56: {  	_ =	shalt  }
0x57: {  	_ =	shalt  }
0x58: {  	_ =	shalt  }
0x59: {  	_ =	shalt  }
0x5a: {  	_ =	shalt  }
0x5b: {  	_ =	shalt  }
0x5c: {  	_ =	shalt  }
0x5d: {  	_ =	shalt  }
0x5e: {  	_ =	shalt  }
0x5f: {  	_ =	shalt  }
0x60: {  	_ =	shalt  }
0x61: {  	_ =	shalt  }
0x62: {  	_ =	shalt  }
0x63: {  	_ =	shalt  }
0x64: {  	_ =	shalt  }
0x65: {  	_ =	shalt  }
0x66: {  	_ =	shalt  }
0x67: {  	_ =	shalt  }
0x68: {  	_ =	shalt  }
0x69: {  	_ =	shalt  }
0x6a: {  	_ =	shalt  }
0x6b: {  	_ =	shalt  }
0x6c: {  	_ =	shalt  }
0x6d: {  	_ =	shalt  }
0x6e: {  	_ =	shalt  }
0x6f: {  	_ =	shalt  }
0x70: {  	_ =	shalt  }
0x71: {  	_ =	shalt  }
0x72: {  	_ =	shalt  }
0x73: {  	_ =	shalt  }
0x74: {  	_ =	shalt  }
0x75: {  	_ =	shalt  }
0x76: {  	_ =	shalt  }
0x77: {  	_ =	shalt  }
0x78: {  	_ =	shalt  }
0x79: {  	_ =	shalt  }
0x7a: {  	_ =	shalt  }
0x7b: {  	_ =	shalt  }
0x7c: {  	_ =	shalt  }
0x7d: {  	_ =	shalt  }
0x7e: {  	_ =	shalt  }
0x7f: {  	_ =	shalt  }
0x80: {  	_ =	shalt  }
0x81: {  	_ =	shalt  }
0x82: {  	_ =	shalt  }
0x83: {  	_ =	shalt  }
0x84: {  	_ =	shalt  }
0x85: {  	_ =	shalt  }
0x86: {  	_ =	shalt  }
0x87: {  	_ =	shalt  }
.Lfunc_end0:
.L_simem_size_0:
called_computation.1_lowered:
.L_overlay_start_0:
0x88: {  	s2 =	sld [smem:$0x3FD9]  }
0x89: {  	s3 =	sld [smem:$0x3FFE];
	_ =	sdelay $0x1  }
0x8a: {  	s1 =	srdreg.scid  }
0x8b: {  	s0 =	sand.u32 $0x1, s1  }
0x8c: {  	s16 =	sshll.u32 s0, $0xA;
	s2 =	sadd.s32 s3, s2  }
0x8d: {  	s2 =	sadd.s32 s2, s16  }
0x8e: {  	[smem:$0x3FC6] =	sst s2  }
0x8f: {  	_ = 	snop  }
0x90: {  	(tm) =	ssettm $0x1  }
0x91: {  	s17 =	sld [smem:$0x3FFB];
	_ =	sdelay $0x3  }
0x92: {  	_ =	strace s17  }
0x93: {  	s2 =	sld [smem:$0x3FFC];
	_ =	sdelay $0x3  }
0x94: {  	_ =	strace s2  }
0x95: {  	s2 =	sld [smem:$0x3FFD];
	_ =	sdelay $0x3  }
0x96: {  	_ =	strace s2  }
0x97: {  	_ =	strace $0x8FFFFFFF  }
0x98: {  	s18 =	sld [smem:$0x3FDB];
	_ =	sdelay $0x1  }
0x99: {  	s19 =	simm.s32 $_scs_section_size  }
0x9a: {  	s4 =	simm.s32 $_size__tile_overlayer_lowered;
	s5 =	simm.s32 $_tile_overlayer_lowered  }
0x9b: {  	s22 =	simm.s32 $0x1BFF;
	s21 =	sshll.u32 s5, $0x1;
	s2 =	sadd.s32 s19, s18  }
0x9c: {  	s6 =	simm.s32 $0x0;
	s20 =	sshll.u32 s4, $0x1;
	s4 =	sadd.s32 s21, s2  }
0x9d: {  	[timem:s6], [sflag:s22] =	dma.local [hbm:s4], s20  }
0x9e: {  	_ =	swait.ge [sflag:s22], s20  }
0x9f: {  	s3 =	ssub.s32 $0x0, s20;
	[sflag:s22] =	ssyncset.done $0x0  }
0xa0: {  	[sflag:s22] =	ssyncadd.s32 s3;
	_ =	sdelay $0x1  }
0xa1: {  	s23 =	simm.s32 $0x1B8B  }
0xa2: {  	_ =	swait.ge [sflag:s23], $0x1  }
0xa3: {  	[sflag:s23] =	ssyncset.done $0x0  }
0xa4: {  	s25 =	simm.s32 $0x1B8E;
	s24 =	sld [smem:$0x3FFE];
	[sflag:s23] =	ssyncadd.s32 $0xFFFFFFFF  }
0xa5: {  	s26 =	simm.s32 $execute0_lowered;
	[smem:$0x3FD2] =	sst s25  }
0xa6: {  	s4 =	sshll.u32 s26, $0x1;
	_ =	strace $0x80000049;
	[dreg:$0x1] =	wrdreg $0xFFFFFFFF  }
0xa7: {  	s28 =	simm.s32 $_size_execute0_lowered;
	s2 =	sadd.s32 s2, s4;
	[dreg:$0x0] =	wrdreg $0x0  }
0xa8: {  	s4 =	sshll.u32 s28, $0x1;
	[dreg:$0x2] =	wrdreg s2  }
0xa9: {  	[dreg:$0x3] =	wrdreg s4  }
0xaa: {  	[dreg:$0x4] =	wrdreg $0xC0  }
0xab: {  	_ =	task [dreg:s6], $0x5FFFF  }
0xac: {  	[dreg:$0x1] =	wrdreg $0xFFFFFFFF  }
0xad: {  	[dreg:$0x0] =	wrdreg $0x60  }
0xae: {  	[dreg:$0x2] =	wrdreg s24  }
0xaf: {  	[dreg:$0x3] =	wrdreg $0x1C6800  }
0xb0: {  	[dreg:$0x4] =	wrdreg $0x1DF000  }
0xb1: {  	[dreg:$0x5] =	wrdreg $0x9  }
0xb2: {  	_ =	task.clear_ibuf [dreg:s6], $0x6FFFF;
	_ =	strace $0x90000049  }
0xb3: {  	s29 =	simm.s32 $0x9;
	_ =	strace $0x8000004B  }
0xb4: {  	_ =	swait.ge [sflag:s29], $0x1  }
0xb5: {  	[sflag:s29] =	ssyncadd.s32 $0xFFFFFFFF  }
0xb6: {  	_ =	strace $0x9000004B  }
0xb7: {  	_ =	sfence  }
0xb8: {  	s30 =	sld [smem:$0x0];
	_ =	sdelay $0x2  }
0xb9: {  	s31 =	sshll.u32 s1, $0xD;
	s1 =	sshrl.u32 s1, $0x2  }
0xba: {  	s3 =	sand.u32 $0x4000, s31;
	s1 =	sadd.s32 s1, s30  }
0xbb: {  	s0 =	sor.u32 s3, s0;
	s1 =	sshll.u32 s1, $0x11  }
0xbc: {  	s0 =	sor.u32 s1, s0  }
0xbd: {  	s0 =	sadd.s32 $0x8F2B, s0  }
0xbe: {  	[sflag:s0] =	ssyncadd.remote.s32 $0x1  }
0xbf: {  	_ =	sfence.sel $0xFFFF  }
0xc0: {  	[dreg:$0x0] =	wrdreg $0xFFFFFFFF;
	(pc) =	sbr.abs _section_cstart, $3  }
0xc1: {  	[dreg:$0x1] =	wrdreg $0xFFFFFFFF  }
0xc2: {  	_ =	task.clear_ibuf [dreg:s6], $0x2FFFF;
	_ =	strace $0x9FFFFFFF  }
0xc3: {  	(tm) =	ssettm $0x7FFFFFFF  }
tec
execute0_lowered:
.L_overlay_start_1:
0x0: {  	(tag) =	ssettag $0x1  }
0x1: {  	s0 =	rddreg [dreg:$0x0]  }
0x2: {  	s2 =	rddreg [dreg:$0x1]  }
0x3: {  	s3 =	rddreg [dreg:$0x2];
	s1 =	srdreg.scid  }
0x4: {  	s12 =	stileid.u32;
	s4 =	simm.s32 $0x0;
	s28 =	simm.s32 $0x18E40  }
0x5: {  	s29 =	simm.s32 $0x1A100;
	s30 =	simm.s32 $0x1;
	s31 =	simm.s32 $0x4  }
0x6: {  	s1 =	sand.u32 $0x1, s1;
	s6 =	smul.u32 $0x1880, s12;
	[smem:$0x7FF] =	sst s4  }
0x7: {  	s9 =	sadd.s32 $0x187A00, s0;
	s18 =	sshll.u32 s12, $0x1;
	s12 =	smul.u32 $0x61A80, s12  }
0x8: {  	s5 =	sadd.s32 $0x1000, s0;
	s7 =	smul.u32 $0x18800, s1;
	_ =	strace $0x8000004A  }
0x9: {  	s8 =	ssub.s32 $0x2, s1;
	[dreg:$0xb] =	wrdreg s9;
	s10 =	sor.u32 s1, s18  }
0xa: {  	s1 =	smul.u32 $0x30D40, s1;
	s17 =	sshrl.u32 s8, $0x1;
	s20 =	sadd.s32 s6, s2  }
0xb: {  	s11 =	sadd.s32 $0x640, s6;
	s19 =	sadd.s32 s6, s3;
	s10 =	smul.u32 $0x30D40, s10  }
0xc: {  	s23 =	sadd.s32 $0xC80, s6;
	[dreg:$0xc] =	wrdreg s19;
	s21 =	sadd.s32 s11, s2  }
0xd: {  	s7 =	sadd.s32 s6, s7;
	s22 =	sadd.s32 s11, s3;
	[dreg:$0xd] =	wrdreg s21  }
0xe: {  	s9 =	ssub.s32 s8, s17;
	s24 =	sadd.s32 s23, s2;
	[dreg:$0xe] =	wrdreg s22  }
0xf: {  	s6 =	sadd.s32 $0x12C0, s6;
	s25 =	sadd.s32 s23, s3;
	[dreg:$0xf] =	wrdreg s24  }
0x10: {  	s1 =	sadd.s32 s1, s12;
	s7 =	sshrl.u32 s7, $0x3;
	[dreg:$0x10] =	wrdreg s25  }
0x11: {  	s26 =	sadd.s32 s6, s2;
	s10 =	sshrl.u32 s10, $0x3;
	s12 =	sadd.s32 $0x1900, s1  }
0x12: {  	s6 =	sadd.s32 s6, s3;
	s13 =	sadd.s32 $0x61C100, s1;
	s16 =	sadd.s32 $0x61BAC0, s1  }
0x13: {  	s18 =	sadd.s32 $0xC80, s1;
	s19 =	sadd.s32 $0x61B480, s1;
	[dreg:$0x11] =	wrdreg s26  }
0x14: {  	s24 =	smax.u32 s9, $0x1;
	s25 =	simm.s32 $0x1A740;
	[dreg:$0x12] =	wrdreg s6  }
0x15: {  	s1 =	sadd.s32 $0x12C0, s1;
	s9 =	simm.s32 $0x2;
	[dreg:$0x19] =	wrdreg s24  }
0x16: {  	s0 =	sadd.s32 s7, s0;
	s8 =	sadd.s32 s5, s10;
	[dreg:$0x1a] =	wrdreg s1  }
0x17: {  	s6 =	sshrl.u32 s12, $0x3;
	s17 =	sshrl.u32 s16, $0x3;
	[dreg:$0x9] =	wrdreg s25  }
0x18: {  	s22 =	sshrl.u32 s19, $0x3;
	s26 =	simm.s32 $0x1BA00;
	[dreg:$0x13] =	wrdreg s8  }
0x19: {  	s24 =	simm.s32 $0x1AD80;
	s10 =	sadd.s32 $0xC3500, s8;
	[dreg:$0xa] =	wrdreg s26  }
0x1a: {  	s25 =	simm.s32 $0x18800;
	s11 =	sadd.s32 $0xC8, s8;
	[dreg:$0x14] =	wrdreg s10  }
0x1b: {  	s1 =	simm.s32 $0x640;
	s7 =	sadd.s32 $0xC35C8, s8;
	[dreg:$0x15] =	wrdreg s11  }
0x1c: {  	s12 =	simm.s32 $0xA;
	s14 =	sadd.s32 $0x18AC00, s0;
	[dreg:$0x16] =	wrdreg s7  }
0x1d: {  	s16 =	simm.s32 $0x6;
	s6 =	sadd.s32 s6, s5;
	[dreg:$0x17] =	wrdreg s14  }
0x1e: {  	s0 =	sadd.s32 $0x190E00, s0;
	s23 =	sadd.s32 s22, s5;
	[dreg:$0x4] =	wrdreg s6  }
0x1f: {  	s26 =	simm.s32 $0x19AC0;
	s10 =	sshrl.u32 s13, $0x3;
	[dreg:$0x18] =	wrdreg s0  }
0x20: {  	s6 =	sadd.s32 s17, s5;
	[dreg:$0x8] =	wrdreg s23;
	s23 =	simm.s32 $0xD  }
0x21: {  	s0 =	simm.s32 $0x19480;
	s11 =	simm.s32 $0x7;
	s13 =	simm.s32 $0x1B3C0  }
0x22: {  	s14 =	simm.s32 $0x3;
	s17 =	simm.s32 $0x8;
	s15 =	sadd.s32 s10, s5  }
0x23: {  	s10 =	sshrl.u32 s18, $0x3;
	[dreg:$0x6] =	wrdreg s6;
	s6 =	simm.s32 $0x1C040  }
0x24: {  	s18 =	simm.s32 $0xB;
	[dreg:$0x5] =	wrdreg s15;
	s21 =	sadd.s32 s10, s5  }
0x25: {  	v0 =	vimm.f32 $0.0e+00;
	v1 =	vimm.f32 $1.000000000e+00;
	s10 =	simm.s32 $0x5;
	[dreg:$0x7] =	wrdreg s21;
	s21 =	simm.s32 $0x0  }
.LBB2_1:
0x26: {  	s7 =	rddreg [dreg:$0xb]  }
0x27: {  	[tilespmem:s4], [sflag:$0xD] =	stream.linear.gather [hbm4b:s7+s4], $0x18800, $0x38;
	[tilespmem:$0x1F780] =	vst v63  }
0x28: {  	_ =	swait.ge [sflag:s23], $0x18800  }
0x29: {  	[sflag:s23] =	ssyncset.done $0x0  }
0x2a: {  	s15 =	simm.s32 $0x40;
	s22 =	simm.s32 $0x0;
	[sflag:s23] =	ssyncadd.s32 $0xFFFE7800  }
.LBB2_2:
0x2b: {  	p0 =	sne.s32 s15, $0x18C0;
	[tilespmem:s22+$0x1AD80] =	vst v0;
	s19 =	smov.u32 s15;
	s15 =	sadd.s32 $0x40, s15  }
.Ltmp0:
0x2c: {  	[tilespmem:s22+$0x1C040] =	vst v1;
	(pc) =	sbr.rel @p0 .LBB2_2-.Ltmp0, $2  }
0x2d: {  	_ =	sdelay $0x2  }
0x2e: {  	s22 =	sshra.s32 s19, $0x2  }
0x2f: {  	[tilespmem:s22+$0x1AD80] =	vst v0  }
0x30: {  	[tilespmem:s22+$0x1C040] =	vst v1  }
0x31: {  	[spmem:s20] =	stream.linear.scatter [tilespmem:s24], [sflag:$0xD], $0x640, $0x38;
	[tilespmem:$0x1F780] =	vst v63  }
0x32: {  	_ =	swait.ge [sflag:s23], $0x640  }
0x33: {  	[sflag:s23] =	ssyncset.done $0x0  }
0x34: {  	s7 =	rddreg [dreg:$0xc];
	[sflag:s23] =	ssyncadd.s32 $0xFFFFF9C0  }
0x35: {  	[spmem:s7] =	stream.linear.scatter [tilespmem:s24], [sflag:$0xD], $0x640, $0x38;
	[tilespmem:$0x1F780] =	vst v63  }
0x36: {  	_ =	swait.ge [sflag:s23], $0x640  }
0x37: {  	[sflag:s23] =	ssyncset.done $0x0  }
0x38: {  	s15 =	rddreg [dreg:$0xd];
	[sflag:s23] =	ssyncadd.s32 $0xFFFFF9C0  }
0x39: {  	[spmem:s15] =	stream.linear.scatter [tilespmem:s24], [sflag:$0xD], $0x640, $0x38;
	[tilespmem:$0x1F780] =	vst v63  }
0x3a: {  	_ =	swait.ge [sflag:s23], $0x640  }
0x3b: {  	[sflag:s23] =	ssyncset.done $0x0  }
0x3c: {  	s19 =	rddreg [dreg:$0xe];
	[sflag:s23] =	ssyncadd.s32 $0xFFFFF9C0  }
0x3d: {  	[spmem:s19] =	stream.linear.scatter [tilespmem:s24], [sflag:$0xD], $0x640, $0x38;
	[tilespmem:$0x1F780] =	vst v63  }
0x3e: {  	_ =	swait.ge [sflag:s23], $0x640  }
0x3f: {  	[sflag:s23] =	ssyncset.done $0x0  }
0x40: {  	s8 =	smov.u32 s20;
	s20 =	rddreg [dreg:$0xf];
	[sflag:s23] =	ssyncadd.s32 $0xFFFFF9C0  }
0x41: {  	[spmem:s20] =	stream.linear.scatter [tilespmem:s24], [sflag:$0xD], $0x640, $0x38;
	[tilespmem:$0x1F780] =	vst v63  }
0x42: {  	_ =	swait.ge [sflag:s23], $0x640  }
0x43: {  	[sflag:s23] =	ssyncset.done $0x0  }
0x44: {  	s22 =	rddreg [dreg:$0x10];
	[sflag:s23] =	ssyncadd.s32 $0xFFFFF9C0  }
0x45: {  	[spmem:s22] =	stream.linear.scatter [tilespmem:s24], [sflag:$0xD], $0x640, $0x38;
	[tilespmem:$0x1F780] =	vst v63  }
0x46: {  	_ =	swait.ge [sflag:s23], $0x640  }
0x47: {  	[sflag:s23] =	ssyncset.done $0x0  }
0x48: {  	s15 =	rddreg [dreg:$0x11];
	[sflag:s23] =	ssyncadd.s32 $0xFFFFF9C0  }
0x49: {  	[spmem:s15] =	stream.linear.scatter [tilespmem:s24], [sflag:$0xD], $0x5C0, $0x38;
	[tilespmem:$0x1F780] =	vst v63  }
0x4a: {  	_ =	swait.ge [sflag:s23], $0x5C0  }
0x4b: {  	[sflag:s23] =	ssyncset.done $0x0  }
0x4c: {  	s19 =	rddreg [dreg:$0x12];
	[sflag:s23] =	ssyncadd.s32 $0xFFFFFA40  }
0x4d: {  	[spmem:s19] =	stream.linear.scatter [tilespmem:s24], [sflag:$0xD], $0x5C0, $0x38;
	[tilespmem:$0x1F780] =	vst v63  }
0x4e: {  	_ =	swait.ge [sflag:s23], $0x5C0  }
0x4f: {  	[sflag:s23] =	ssyncset.done $0x0  }
0x50: {  	[sflag:s23] =	ssyncadd.s32 $0xFFFFFA40  }
0x51: {  	[bflag:$0x0] =	sbarrier.arrive $0xFFFF  }
0x52: {  	s20 =	rddreg [dreg:$0x13]  }
0x53: {  	s22 =	simm.s32 $0x0;
	s15 =	rddreg [dreg:$0x14]  }
0x54: {  	[tilespmem:s25], [sflag:$0x1] =	stream.linear.gather [hbm4b:s20+s22], $0x640, $0x38;
	[tilespmem:$0x1F780] =	vst v63  }
0x55: {  	s19 =	rddreg [dreg:$0x15]  }
0x56: {  	[tilespmem:s26], [sflag:$0x4] =	stream.linear.gather [hbm4b:s15+s22], $0x640, $0x38;
	[tilespmem:$0x1F780] =	vst v63  }
0x57: {  	s20 =	rddreg [dreg:$0x16]  }
0x58: {  	[tilespmem:s28], [sflag:$0x2] =	stream.linear.gather [hbm4b:s19+s22], $0x640, $0x38;
	[tilespmem:$0x1F780] =	vst v63  }
0x59: {  	s15 =	rddreg [dreg:$0x1a]  }
0x5a: {  	[tilespmem:s29], [sflag:$0x5] =	stream.linear.gather [hbm4b:s20+s22], $0x640, $0x38;
	[tilespmem:$0x1F780] =	vst v63  }
.LBB2_4:
0x5b: {  	_ =	swait.ge [sflag:s30], $0x640  }
0x5c: {  	[sflag:s30] =	ssyncset.done $0x0  }
0x5d: {  	[sflag:s30] =	ssyncadd.s32 $0xFFFFF9C0  }
0x5e: {  	_ =	swait.ge [sflag:s31], $0x640  }
0x5f: {  	[sflag:s31] =	ssyncset.done $0x0  }
0x60: {  	[sflag:s31] =	ssyncadd.s32 $0xFFFFF9C0  }
0x61: {  	v2 =	vld [tilespmem:$0x19AC0];
	_ =	sdelay $0x5  }
0x62: {  	v3 =	vld [tilespmem:$0x19AD0];
	_ =	sdelay $0x1  }
0x63: {  	v2 =	vld.idx.msk [tilespmem:v2+s4+$0x0], $0xffff;
	_ =	sdelay $0x3  }
0x64: {  	v4 =	vld [tilespmem:$0x19AE0]  }
0x65: {  	[tilespmem:$0x1AD80] =	vst v2  }
0x66: {  	v2 =	vld.idx.msk [tilespmem:v3+s4+$0x0], $0xffff;
	_ =	sdelay $0x3  }
0x67: {  	v3 =	vld [tilespmem:$0x19AF0]  }
0x68: {  	[tilespmem:$0x1AD90] =	vst v2  }
0x69: {  	v2 =	vld.idx.msk [tilespmem:v4+s4+$0x0], $0xffff;
	_ =	sdelay $0x3  }
0x6a: {  	v30 =	vld [tilespmem:$0x19B00]  }
0x6b: {  	[tilespmem:$0x1ADA0] =	vst v2  }
0x6c: {  	v2 =	vld.idx.msk [tilespmem:v3+s4+$0x0], $0xffff;
	_ =	sdelay $0x3  }
0x6d: {  	v3 =	vld [tilespmem:$0x19B10]  }
0x6e: {  	[tilespmem:$0x1ADB0] =	vst v2  }
0x6f: {  	v2 =	vld.idx.msk [tilespmem:v30+s4+$0x0], $0xffff;
	_ =	sdelay $0x3  }
0x70: {  	v31 =	vld [tilespmem:$0x19B20]  }
0x71: {  	[tilespmem:$0x1ADC0] =	vst v2  }
0x72: {  	v2 =	vld.idx.msk [tilespmem:v3+s4+$0x0], $0xffff;
	_ =	sdelay $0x3  }
0x73: {  	v3 =	vld [tilespmem:$0x19B30]  }
0x74: {  	[tilespmem:$0x1ADD0] =	vst v2  }
0x75: {  	v2 =	vld.idx.msk [tilespmem:v31+s4+$0x0], $0xffff;
	_ =	sdelay $0x3  }
0x76: {  	v32 =	vld [tilespmem:$0x19B40]  }
0x77: {  	[tilespmem:$0x1ADE0] =	vst v2  }
0x78: {  	v2 =	vld.idx.msk [tilespmem:v3+s4+$0x0], $0xffff;
	_ =	sdelay $0x3  }
0x79: {  	v3 =	vld [tilespmem:$0x19B50]  }
0x7a: {  	[tilespmem:$0x1ADF0] =	vst v2  }
0x7b: {  	v2 =	vld.idx.msk [tilespmem:v32+s4+$0x0], $0xffff;
	_ =	sdelay $0x3  }
0x7c: {  	v33 =	vld [tilespmem:$0x19B60]  }
0x7d: {  	[tilespmem:$0x1AE00] =	vst v2  }
0x7e: {  	v2 =	vld.idx.msk [tilespmem:v3+s4+$0x0], $0xffff;
	_ =	sdelay $0x3  }
0x7f: {  	v3 =	vld [tilespmem:$0x19B70]  }
0x80: {  	[tilespmem:$0x1AE10] =	vst v2  }
0x81: {  	v2 =	vld.idx.msk [tilespmem:v33+s4+$0x0], $0xffff;
	_ =	sdelay $0x3  }
0x82: {  	v34 =	vld [tilespmem:$0x19B80]  }
0x83: {  	[tilespmem:$0x1AE20] =	vst v2  }
0x84: {  	v2 =	vld.idx.msk [tilespmem:v3+s4+$0x0], $0xffff;
	_ =	sdelay $0x3  }
0x85: {  	v3 =	vld [tilespmem:$0x19B90]  }
0x86: {  	[tilespmem:$0x1AE30] =	vst v2  }
0x87: {  	v2 =	vld.idx.msk [tilespmem:v34+s4+$0x0], $0xffff;
	_ =	sdelay $0x3  }
0x88: {  	v35 =	vld [tilespmem:$0x19BA0]  }
0x89: {  	[tilespmem:$0x1AE40] =	vst v2  }
0x8a: {  	v2 =	vld.idx.msk [tilespmem:v3+s4+$0x0], $0xffff;
	_ =	sdelay $0x3  }
0x8b: {  	v3 =	vld [tilespmem:$0x19BB0]  }
0x8c: {  	[tilespmem:$0x1AE50] =	vst v2  }
0x8d: {  	v2 =	vld.idx.msk [tilespmem:v35+s4+$0x0], $0xffff;
	_ =	sdelay $0x3  }
0x8e: {  	v36 =	vld [tilespmem:$0x19BC0]  }
0x8f: {  	[tilespmem:$0x1AE60] =	vst v2  }
0x90: {  	v2 =	vld.idx.msk [tilespmem:v3+s4+$0x0], $0xffff;
	_ =	sdelay $0x3  }
0x91: {  	v3 =	vld [tilespmem:$0x19BD0]  }
0x92: {  	[tilespmem:$0x1AE70] =	vst v2  }
0x93: {  	v2 =	vld.idx.msk [tilespmem:v36+s4+$0x0], $0xffff;
	_ =	sdelay $0x3  }
0x94: {  	v37 =	vld [tilespmem:$0x19BE0]  }
0x95: {  	[tilespmem:$0x1AE80] =	vst v2  }
0x96: {  	v2 =	vld.idx.msk [tilespmem:v3+s4+$0x0], $0xffff;
	_ =	sdelay $0x3  }
0x97: {  	v3 =	vld [tilespmem:$0x19BF0]  }
0x98: {  	[tilespmem:$0x1AE90] =	vst v2  }
0x99: {  	v2 =	vld.idx.msk [tilespmem:v37+s4+$0x0], $0xffff;
	_ =	sdelay $0x3  }
0x9a: {  	v38 =	vld [tilespmem:$0x19C00]  }
0x9b: {  	[tilespmem:$0x1AEA0] =	vst v2  }
0x9c: {  	v2 =	vld.idx.msk [tilespmem:v3+s4+$0x0], $0xffff;
	_ =	sdelay $0x3  }
0x9d: {  	v3 =	vld [tilespmem:$0x19C10]  }
0x9e: {  	[tilespmem:$0x1AEB0] =	vst v2  }
0x9f: {  	v2 =	vld.idx.msk [tilespmem:v38+s4+$0x0], $0xffff;
	_ =	sdelay $0x3  }
0xa0: {  	v39 =	vld [tilespmem:$0x19C20]  }
0xa1: {  	[tilespmem:$0x1AEC0] =	vst v2  }
0xa2: {  	v2 =	vld.idx.msk [tilespmem:v3+s4+$0x0], $0xffff;
	_ =	sdelay $0x3  }
0xa3: {  	v3 =	vld [tilespmem:$0x19C30]  }
0xa4: {  	[tilespmem:$0x1AED0] =	vst v2  }
0xa5: {  	v2 =	vld.idx.msk [tilespmem:v39+s4+$0x0], $0xffff;
	_ =	sdelay $0x3  }
0xa6: {  	v40 =	vld [tilespmem:$0x19C40]  }
0xa7: {  	[tilespmem:$0x1AEE0] =	vst v2  }
0xa8: {  	v2 =	vld.idx.msk [tilespmem:v3+s4+$0x0], $0xffff;
	_ =	sdelay $0x3  }
0xa9: {  	v3 =	vld [tilespmem:$0x19C50]  }
0xaa: {  	[tilespmem:$0x1AEF0] =	vst v2  }
0xab: {  	v2 =	vld.idx.msk [tilespmem:v40+s4+$0x0], $0xffff;
	_ =	sdelay $0x3  }
0xac: {  	v41 =	vld [tilespmem:$0x19C60]  }
0xad: {  	[tilespmem:$0x1AF00] =	vst v2  }
0xae: {  	v2 =	vld.idx.msk [tilespmem:v3+s4+$0x0], $0xffff;
	_ =	sdelay $0x3  }
0xaf: {  	v3 =	vld [tilespmem:$0x19C70]  }
0xb0: {  	[tilespmem:$0x1AF10] =	vst v2  }
0xb1: {  	v2 =	vld.idx.msk [tilespmem:v41+s4+$0x0], $0xffff;
	_ =	sdelay $0x3  }
0xb2: {  	v42 =	vld [tilespmem:$0x19C80]  }
0xb3: {  	[tilespmem:$0x1AF20] =	vst v2  }
0xb4: {  	v2 =	vld.idx.msk [tilespmem:v3+s4+$0x0], $0xffff;
	_ =	sdelay $0x3  }
0xb5: {  	v3 =	vld [tilespmem:$0x19C90]  }
0xb6: {  	[tilespmem:$0x1AF30] =	vst v2  }
0xb7: {  	v2 =	vld.idx.msk [tilespmem:v42+s4+$0x0], $0xffff;
	_ =	sdelay $0x3  }
0xb8: {  	v43 =	vld [tilespmem:$0x19CA0]  }
0xb9: {  	[tilespmem:$0x1AF40] =	vst v2  }
0xba: {  	v2 =	vld.idx.msk [tilespmem:v3+s4+$0x0], $0xffff;
	_ =	sdelay $0x3  }
0xbb: {  	v3 =	vld [tilespmem:$0x19CB0]  }
0xbc: {  	[tilespmem:$0x1AF50] =	vst v2  }
0xbd: {  	v2 =	vld.idx.msk [tilespmem:v43+s4+$0x0], $0xffff;
	_ =	sdelay $0x3  }
0xbe: {  	v44 =	vld [tilespmem:$0x19CC0]  }
0xbf: {  	[tilespmem:$0x1AF60] =	vst v2  }
0xc0: {  	v2 =	vld.idx.msk [tilespmem:v3+s4+$0x0], $0xffff;
	_ =	sdelay $0x3  }
0xc1: {  	v3 =	vld [tilespmem:$0x19CD0]  }
0xc2: {  	[tilespmem:$0x1AF70] =	vst v2  }
0xc3: {  	v2 =	vld.idx.msk [tilespmem:v44+s4+$0x0], $0xffff;
	_ =	sdelay $0x3  }
0xc4: {  	v45 =	vld [tilespmem:$0x19CE0]  }
0xc5: {  	[tilespmem:$0x1AF80] =	vst v2  }
0xc6: {  	v2 =	vld.idx.msk [tilespmem:v3+s4+$0x0], $0xffff;
	_ =	sdelay $0x3  }
0xc7: {  	v3 =	vld [tilespmem:$0x19CF0]  }
0xc8: {  	[tilespmem:$0x1AF90] =	vst v2  }
0xc9: {  	v2 =	vld.idx.msk [tilespmem:v45+s4+$0x0], $0xffff;
	_ =	sdelay $0x3  }
0xca: {  	v46 =	vld [tilespmem:$0x19D00]  }
0xcb: {  	[tilespmem:$0x1AFA0] =	vst v2  }
0xcc: {  	v2 =	vld.idx.msk [tilespmem:v3+s4+$0x0], $0xffff;
	_ =	sdelay $0x3  }
0xcd: {  	v3 =	vld [tilespmem:$0x19D10]  }
0xce: {  	[tilespmem:$0x1AFB0] =	vst v2  }
0xcf: {  	v2 =	vld.idx.msk [tilespmem:v46+s4+$0x0], $0xffff;
	_ =	sdelay $0x3  }
0xd0: {  	v47 =	vld [tilespmem:$0x19D20]  }
0xd1: {  	[tilespmem:$0x1AFC0] =	vst v2  }
0xd2: {  	v2 =	vld.idx.msk [tilespmem:v3+s4+$0x0], $0xffff;
	_ =	sdelay $0x3  }
0xd3: {  	v3 =	vld [tilespmem:$0x19D30]  }
0xd4: {  	[tilespmem:$0x1AFD0] =	vst v2  }
0xd5: {  	v2 =	vld.idx.msk [tilespmem:v47+s4+$0x0], $0xffff;
	_ =	sdelay $0x3  }
0xd6: {  	v48 =	vld [tilespmem:$0x19D40]  }
0xd7: {  	[tilespmem:$0x1AFE0] =	vst v2  }
0xd8: {  	v2 =	vld.idx.msk [tilespmem:v3+s4+$0x0], $0xffff;
	_ =	sdelay $0x3  }
0xd9: {  	v3 =	vld [tilespmem:$0x19D50]  }
0xda: {  	[tilespmem:$0x1AFF0] =	vst v2  }
0xdb: {  	v2 =	vld.idx.msk [tilespmem:v48+s4+$0x0], $0xffff;
	_ =	sdelay $0x3  }
0xdc: {  	v49 =	vld [tilespmem:$0x19D60]  }
0xdd: {  	[tilespmem:$0x1B000] =	vst v2  }
0xde: {  	v2 =	vld.idx.msk [tilespmem:v3+s4+$0x0], $0xffff;
	_ =	sdelay $0x3  }
0xdf: {  	v3 =	vld [tilespmem:$0x19D70]  }
0xe0: {  	[tilespmem:$0x1B010] =	vst v2  }
0xe1: {  	v2 =	vld.idx.msk [tilespmem:v49+s4+$0x0], $0xffff;
	_ =	sdelay $0x3  }
0xe2: {  	v50 =	vld [tilespmem:$0x19D80]  }
0xe3: {  	[tilespmem:$0x1B020] =	vst v2  }
0xe4: {  	v2 =	vld.idx.msk [tilespmem:v3+s4+$0x0], $0xffff;
	_ =	sdelay $0x3  }
0xe5: {  	v3 =	vld [tilespmem:$0x19D90]  }
0xe6: {  	[tilespmem:$0x1B030] =	vst v2  }
0xe7: {  	v2 =	vld.idx.msk [tilespmem:v50+s4+$0x0], $0xffff;
	_ =	sdelay $0x3  }
0xe8: {  	v51 =	vld [tilespmem:$0x19DA0]  }
0xe9: {  	[tilespmem:$0x1B040] =	vst v2  }
0xea: {  	v2 =	vld.idx.msk [tilespmem:v3+s4+$0x0], $0xffff;
	_ =	sdelay $0x3  }
0xeb: {  	v3 =	vld [tilespmem:$0x19DB0]  }
0xec: {  	[tilespmem:$0x1B050] =	vst v2  }
0xed: {  	v2 =	vld.idx.msk [tilespmem:v51+s4+$0x0], $0xffff;
	_ =	sdelay $0x3  }
0xee: {  	v52 =	vld [tilespmem:$0x19DC0]  }
0xef: {  	[tilespmem:$0x1B060] =	vst v2  }
0xf0: {  	v2 =	vld.idx.msk [tilespmem:v3+s4+$0x0], $0xffff;
	_ =	sdelay $0x3  }
0xf1: {  	v3 =	vld [tilespmem:$0x19DD0]  }
0xf2: {  	[tilespmem:$0x1B070] =	vst v2  }
0xf3: {  	v2 =	vld.idx.msk [tilespmem:v52+s4+$0x0], $0xffff;
	_ =	sdelay $0x3  }
0xf4: {  	v53 =	vld [tilespmem:$0x19DE0]  }
0xf5: {  	[tilespmem:$0x1B080] =	vst v2  }
0xf6: {  	v2 =	vld.idx.msk [tilespmem:v3+s4+$0x0], $0xffff;
	_ =	sdelay $0x3  }
0xf7: {  	v3 =	vld [tilespmem:$0x19DF0]  }
0xf8: {  	[tilespmem:$0x1B090] =	vst v2  }
0xf9: {  	v2 =	vld.idx.msk [tilespmem:v53+s4+$0x0], $0xffff;
	_ =	sdelay $0x3  }
0xfa: {  	v54 =	vld [tilespmem:$0x19E00]  }
0xfb: {  	[tilespmem:$0x1B0A0] =	vst v2  }
0xfc: {  	v2 =	vld.idx.msk [tilespmem:v3+s4+$0x0], $0xffff;
	_ =	sdelay $0x3  }
0xfd: {  	v3 =	vld [tilespmem:$0x19E10]  }
0xfe: {  	[tilespmem:$0x1B0B0] =	vst v2  }
0xff: {  	v2 =	vld.idx.msk [tilespmem:v54+s4+$0x0], $0xffff;
	_ =	sdelay $0x3  }
0x100: {  	v55 =	vld [tilespmem:$0x19E20]  }
0x101: {  	[tilespmem:$0x1B0C0] =	vst v2  }
0x102: {  	v2 =	vld.idx.msk [tilespmem:v3+s4+$0x0], $0xffff;
	_ =	sdelay $0x3  }
0x103: {  	v3 =	vld [tilespmem:$0x19E30]  }
0x104: {  	[tilespmem:$0x1B0D0] =	vst v2  }
0x105: {  	v2 =	vld.idx.msk [tilespmem:v55+s4+$0x0], $0xffff;
	_ =	sdelay $0x3  }
0x106: {  	v56 =	vld [tilespmem:$0x19E40]  }
0x107: {  	[tilespmem:$0x1B0E0] =	vst v2  }
0x108: {  	v2 =	vld.idx.msk [tilespmem:v3+s4+$0x0], $0xffff;
	_ =	sdelay $0x3  }
0x109: {  	v3 =	vld [tilespmem:$0x19E50]  }
0x10a: {  	[tilespmem:$0x1B0F0] =	vst v2  }
0x10b: {  	v2 =	vld.idx.msk [tilespmem:v56+s4+$0x0], $0xffff;
	_ =	sdelay $0x3  }
0x10c: {  	v57 =	vld [tilespmem:$0x19E60]  }
0x10d: {  	[tilespmem:$0x1B100] =	vst v2  }
0x10e: {  	v2 =	vld.idx.msk [tilespmem:v3+s4+$0x0], $0xffff;
	_ =	sdelay $0x3  }
0x10f: {  	v3 =	vld [tilespmem:$0x19E70]  }
0x110: {  	[tilespmem:$0x1B110] =	vst v2  }
0x111: {  	v2 =	vld.idx.msk [tilespmem:v57+s4+$0x0], $0xffff;
	_ =	sdelay $0x3  }
0x112: {  	v58 =	vld [tilespmem:$0x19E80]  }
0x113: {  	[tilespmem:$0x1B120] =	vst v2  }
0x114: {  	v2 =	vld.idx.msk [tilespmem:v3+s4+$0x0], $0xffff;
	_ =	sdelay $0x3  }
0x115: {  	v3 =	vld [tilespmem:$0x19E90]  }
0x116: {  	[tilespmem:$0x1B130] =	vst v2  }
0x117: {  	v2 =	vld.idx.msk [tilespmem:v58+s4+$0x0], $0xffff;
	_ =	sdelay $0x3  }
0x118: {  	v59 =	vld [tilespmem:$0x19EA0]  }
0x119: {  	[tilespmem:$0x1B140] =	vst v2  }
0x11a: {  	v2 =	vld.idx.msk [tilespmem:v3+s4+$0x0], $0xffff;
	_ =	sdelay $0x3  }
0x11b: {  	v3 =	vld [tilespmem:$0x19EB0]  }
0x11c: {  	[tilespmem:$0x1B150] =	vst v2  }
0x11d: {  	v2 =	vld.idx.msk [tilespmem:v59+s4+$0x0], $0xffff;
	_ =	sdelay $0x3  }
0x11e: {  	v60 =	vld [tilespmem:$0x19EC0]  }
0x11f: {  	[tilespmem:$0x1B160] =	vst v2  }
0x120: {  	v2 =	vld.idx.msk [tilespmem:v3+s4+$0x0], $0xffff;
	_ =	sdelay $0x3  }
0x121: {  	v3 =	vld [tilespmem:$0x19ED0]  }
0x122: {  	[tilespmem:$0x1B170] =	vst v2  }
0x123: {  	v2 =	vld.idx.msk [tilespmem:v60+s4+$0x0], $0xffff;
	_ =	sdelay $0x3  }
0x124: {  	v61 =	vld [tilespmem:$0x19EE0]  }
0x125: {  	[tilespmem:$0x1B180] =	vst v2  }
0x126: {  	v2 =	vld.idx.msk [tilespmem:v3+s4+$0x0], $0xffff;
	_ =	sdelay $0x3  }
0x127: {  	v3 =	vld [tilespmem:$0x19EF0]  }
0x128: {  	[tilespmem:$0x1B190] =	vst v2  }
0x129: {  	v2 =	vld.idx.msk [tilespmem:v61+s4+$0x0], $0xffff;
	_ =	sdelay $0x3  }
0x12a: {  	v62 =	vld [tilespmem:$0x19F00]  }
0x12b: {  	[tilespmem:$0x1B1A0] =	vst v2  }
0x12c: {  	v2 =	vld.idx.msk [tilespmem:v3+s4+$0x0], $0xffff;
	_ =	sdelay $0x3  }
0x12d: {  	v3 =	vld [tilespmem:$0x19F10]  }
0x12e: {  	[tilespmem:$0x1B1B0] =	vst v2  }
0x12f: {  	v2 =	vld.idx.msk [tilespmem:v62+s4+$0x0], $0xffff;
	_ =	sdelay $0x3  }
0x130: {  	v63 =	vld [tilespmem:$0x19F20]  }
0x131: {  	[tilespmem:$0x1B1C0] =	vst v2  }
0x132: {  	v2 =	vld.idx.msk [tilespmem:v3+s4+$0x0], $0xffff;
	_ =	sdelay $0x3  }
0x133: {  	v3 =	vld [tilespmem:$0x19F30]  }
0x134: {  	[tilespmem:$0x1B1D0] =	vst v2  }
0x135: {  	v2 =	vld.idx.msk [tilespmem:v63+s4+$0x0], $0xffff;
	_ =	sdelay $0x3  }
0x136: {  	v8 =	vld [tilespmem:$0x19F40]  }
0x137: {  	[tilespmem:$0x1B1E0] =	vst v2  }
0x138: {  	v2 =	vld.idx.msk [tilespmem:v3+s4+$0x0], $0xffff;
	_ =	sdelay $0x3  }
0x139: {  	v3 =	vld [tilespmem:$0x19F50]  }
0x13a: {  	[tilespmem:$0x1B1F0] =	vst v2  }
0x13b: {  	v2 =	vld.idx.msk [tilespmem:v8+s4+$0x0], $0xffff;
	_ =	sdelay $0x3  }
0x13c: {  	v9 =	vld [tilespmem:$0x19F60]  }
0x13d: {  	[tilespmem:$0x1B200] =	vst v2  }
0x13e: {  	v2 =	vld.idx.msk [tilespmem:v3+s4+$0x0], $0xffff;
	_ =	sdelay $0x3  }
0x13f: {  	v3 =	vld [tilespmem:$0x19F70]  }
0x140: {  	[tilespmem:$0x1B210] =	vst v2  }
0x141: {  	v2 =	vld.idx.msk [tilespmem:v9+s4+$0x0], $0xffff;
	_ =	sdelay $0x3  }
0x142: {  	v10 =	vld [tilespmem:$0x19F80]  }
0x143: {  	[tilespmem:$0x1B220] =	vst v2  }
0x144: {  	v2 =	vld.idx.msk [tilespmem:v3+s4+$0x0], $0xffff;
	_ =	sdelay $0x3  }
0x145: {  	v3 =	vld [tilespmem:$0x19F90]  }
0x146: {  	[tilespmem:$0x1B230] =	vst v2  }
0x147: {  	v2 =	vld.idx.msk [tilespmem:v10+s4+$0x0], $0xffff;
	_ =	sdelay $0x3  }
0x148: {  	v11 =	vld [tilespmem:$0x19FA0]  }
0x149: {  	[tilespmem:$0x1B240] =	vst v2  }
0x14a: {  	v2 =	vld.idx.msk [tilespmem:v3+s4+$0x0], $0xffff;
	_ =	sdelay $0x3  }
0x14b: {  	v3 =	vld [tilespmem:$0x19FB0]  }
0x14c: {  	[tilespmem:$0x1B250] =	vst v2  }
0x14d: {  	v2 =	vld.idx.msk [tilespmem:v11+s4+$0x0], $0xffff;
	_ =	sdelay $0x3  }
0x14e: {  	v12 =	vld [tilespmem:$0x19FC0]  }
0x14f: {  	[tilespmem:$0x1B260] =	vst v2  }
0x150: {  	v2 =	vld.idx.msk [tilespmem:v3+s4+$0x0], $0xffff;
	_ =	sdelay $0x3  }
0x151: {  	v3 =	vld [tilespmem:$0x19FD0]  }
0x152: {  	[tilespmem:$0x1B270] =	vst v2  }
0x153: {  	v2 =	vld.idx.msk [tilespmem:v12+s4+$0x0], $0xffff;
	_ =	sdelay $0x3  }
0x154: {  	v13 =	vld [tilespmem:$0x19FE0]  }
0x155: {  	[tilespmem:$0x1B280] =	vst v2  }
0x156: {  	v2 =	vld.idx.msk [tilespmem:v3+s4+$0x0], $0xffff;
	_ =	sdelay $0x3  }
0x157: {  	v3 =	vld [tilespmem:$0x19FF0]  }
0x158: {  	[tilespmem:$0x1B290] =	vst v2  }
0x159: {  	v2 =	vld.idx.msk [tilespmem:v13+s4+$0x0], $0xffff;
	_ =	sdelay $0x3  }
0x15a: {  	v14 =	vld [tilespmem:$0x1A000]  }
0x15b: {  	[tilespmem:$0x1B2A0] =	vst v2  }
0x15c: {  	v2 =	vld.idx.msk [tilespmem:v3+s4+$0x0], $0xffff;
	_ =	sdelay $0x3  }
0x15d: {  	v3 =	vld [tilespmem:$0x1A010]  }
0x15e: {  	[tilespmem:$0x1B2B0] =	vst v2  }
0x15f: {  	v2 =	vld.idx.msk [tilespmem:v14+s4+$0x0], $0xffff;
	_ =	sdelay $0x3  }
0x160: {  	v15 =	vld [tilespmem:$0x1A020]  }
0x161: {  	[tilespmem:$0x1B2C0] =	vst v2  }
0x162: {  	v2 =	vld.idx.msk [tilespmem:v3+s4+$0x0], $0xffff;
	_ =	sdelay $0x3  }
0x163: {  	v3 =	vld [tilespmem:$0x1A030]  }
0x164: {  	[tilespmem:$0x1B2D0] =	vst v2  }
0x165: {  	v2 =	vld.idx.msk [tilespmem:v15+s4+$0x0], $0xffff;
	_ =	sdelay $0x3  }
0x166: {  	v16 =	vld [tilespmem:$0x1A040]  }
0x167: {  	[tilespmem:$0x1B2E0] =	vst v2  }
0x168: {  	v2 =	vld.idx.msk [tilespmem:v3+s4+$0x0], $0xffff;
	_ =	sdelay $0x3  }
0x169: {  	v3 =	vld [tilespmem:$0x1A050]  }
0x16a: {  	[tilespmem:$0x1B2F0] =	vst v2  }
0x16b: {  	v2 =	vld.idx.msk [tilespmem:v16+s4+$0x0], $0xffff;
	_ =	sdelay $0x3  }
0x16c: {  	v17 =	vld [tilespmem:$0x1A060]  }
0x16d: {  	[tilespmem:$0x1B300] =	vst v2  }
0x16e: {  	v2 =	vld.idx.msk [tilespmem:v3+s4+$0x0], $0xffff;
	_ =	sdelay $0x3  }
0x16f: {  	v3 =	vld [tilespmem:$0x1A070]  }
0x170: {  	[tilespmem:$0x1B310] =	vst v2  }
0x171: {  	v2 =	vld.idx.msk [tilespmem:v17+s4+$0x0], $0xffff;
	_ =	sdelay $0x3  }
0x172: {  	v18 =	vld [tilespmem:$0x1A080]  }
0x173: {  	[tilespmem:$0x1B320] =	vst v2  }
0x174: {  	v2 =	vld.idx.msk [tilespmem:v3+s4+$0x0], $0xffff;
	_ =	sdelay $0x3  }
0x175: {  	v3 =	vld [tilespmem:$0x1A090]  }
0x176: {  	[tilespmem:$0x1B330] =	vst v2  }
0x177: {  	v2 =	vld.idx.msk [tilespmem:v18+s4+$0x0], $0xffff;
	_ =	sdelay $0x3  }
0x178: {  	v19 =	vld [tilespmem:$0x1A0A0]  }
0x179: {  	[tilespmem:$0x1B340] =	vst v2  }
0x17a: {  	v2 =	vld.idx.msk [tilespmem:v3+s4+$0x0], $0xffff;
	_ =	sdelay $0x3  }
0x17b: {  	v3 =	vld [tilespmem:$0x1A0B0]  }
0x17c: {  	[tilespmem:$0x1B350] =	vst v2  }
0x17d: {  	v2 =	vld.idx.msk [tilespmem:v19+s4+$0x0], $0xffff;
	_ =	sdelay $0x3  }
0x17e: {  	v20 =	vld [tilespmem:$0x1A0C0]  }
0x17f: {  	[tilespmem:$0x1B360] =	vst v2  }
0x180: {  	v2 =	vld.idx.msk [tilespmem:v3+s4+$0x0], $0xffff;
	_ =	sdelay $0x3  }
0x181: {  	v3 =	vld [tilespmem:$0x1A0D0]  }
0x182: {  	[tilespmem:$0x1B370] =	vst v2  }
0x183: {  	v2 =	vld.idx.msk [tilespmem:v20+s4+$0x0], $0xffff;
	_ =	sdelay $0x3  }
0x184: {  	v21 =	vld [tilespmem:$0x1A0E0]  }
0x185: {  	[tilespmem:$0x1B380] =	vst v2  }
0x186: {  	v2 =	vld.idx.msk [tilespmem:v3+s4+$0x0], $0xffff;
	_ =	sdelay $0x3  }
0x187: {  	v3 =	vld [tilespmem:$0x1A0F0]  }
0x188: {  	[tilespmem:$0x1B390] =	vst v2  }
0x189: {  	v2 =	vld.idx.msk [tilespmem:v21+s4+$0x0], $0xffff;
	_ =	sdelay $0x4  }
0x18a: {  	[tilespmem:$0x1B3A0] =	vst v2  }
0x18b: {  	v2 =	vld.idx.msk [tilespmem:v3+s4+$0x0], $0xffff;
	_ =	sdelay $0x3  }
0x18c: {  	p0 =	seq.s32 s22, $0x0  }
0x18d: {  	s19 =	simm.s32 @!p0 $0x9;
	[tilespmem:$0x1B3B0] =	vst v2  }
0x18e: {  	_ =	swait.ge @!p0 [sflag:s19], $0x640  }
0x18f: {  	[sflag:s19] =	ssyncset.done @!p0 $0x0  }
0x190: {  	[sflag:s19] =	ssyncadd.s32 @!p0 $0xFFFFF9C0;
	s19 =	simm.s32 @!p0 $0xC  }
0x191: {  	_ =	swait.ge @!p0 [sflag:s19], $0x640  }
0x192: {  	s20 =	rddreg [dreg:$0x7];
	[sflag:s19] =	ssyncset.done @!p0 $0x0  }
0x193: {  	s7 =	rddreg [dreg:$0x8];
	[sflag:s19] =	ssyncadd.s32 @!p0 $0xFFFFF9C0;
	s19 =	sadd.s32 s22, s20  }
0x194: {  	[tilespmem:s0], [sflag:$0x3] =	stream.linear.gather [hbm4b:s19+s4], $0x640, $0x38;
	[tilespmem:$0x1F780] =	vst v63  }
0x195: {  	s20 =	rddreg [dreg:$0x9];
	s7 =	sadd.s32 s22, s7  }
0x196: {  	[tilespmem:s20], [sflag:$0x6] =	stream.linear.gather [hbm4b:s7+s4], $0x640, $0x38;
	[tilespmem:$0x1F780] =	vst v63  }
0x197: {  	_ = 	snop  }
0x198: {  	[spmem:s2] =	stream.indirect.scatter.add.f32 [tilespmem:s24], [sflag:$0x7], $0x1, s25, s1, $0xb8;
	[tilespmem:$0x1F780] =	vst v63  }
0x199: {  	_ = 	snop  }
0x19a: {  	[spmem:s3] =	stream.indirect.scatter.add.f32 [tilespmem:s6], [sflag:$0xA], $0x1, s25, s1, $0xb8;
	[tilespmem:$0x1F780] =	vst v63  }
0x19b: {  	_ =	swait.ge [sflag:s9], $0x640  }
0x19c: {  	[sflag:s9] =	ssyncset.done $0x0  }
0x19d: {  	[sflag:s9] =	ssyncadd.s32 $0xFFFFF9C0  }
0x19e: {  	_ =	swait.ge [sflag:s10], $0x640  }
0x19f: {  	[sflag:s10] =	ssyncset.done $0x0  }
0x1a0: {  	[sflag:s10] =	ssyncadd.s32 $0xFFFFF9C0  }
0x1a1: {  	v2 =	vld [tilespmem:$0x1A100];
	_ =	sdelay $0x5  }
0x1a2: {  	v3 =	vld [tilespmem:$0x1A110];
	_ =	sdelay $0x1  }
0x1a3: {  	v2 =	vld.idx.msk [tilespmem:v2+s4+$0x0], $0xffff;
	_ =	sdelay $0x3  }
0x1a4: {  	v22 =	vld [tilespmem:$0x1A120]  }
0x1a5: {  	[tilespmem:$0x1B3C0] =	vst v2  }
0x1a6: {  	v2 =	vld.idx.msk [tilespmem:v3+s4+$0x0], $0xffff;
	_ =	sdelay $0x3  }
0x1a7: {  	v3 =	vld [tilespmem:$0x1A130]  }
0x1a8: {  	[tilespmem:$0x1B3D0] =	vst v2  }
0x1a9: {  	v2 =	vld.idx.msk [tilespmem:v22+s4+$0x0], $0xffff;
	_ =	sdelay $0x3  }
0x1aa: {  	v23 =	vld [tilespmem:$0x1A140]  }
0x1ab: {  	[tilespmem:$0x1B3E0] =	vst v2  }
0x1ac: {  	v2 =	vld.idx.msk [tilespmem:v3+s4+$0x0], $0xffff;
	_ =	sdelay $0x3  }
0x1ad: {  	v3 =	vld [tilespmem:$0x1A150]  }
0x1ae: {  	[tilespmem:$0x1B3F0] =	vst v2  }
0x1af: {  	v2 =	vld.idx.msk [tilespmem:v23+s4+$0x0], $0xffff;
	_ =	sdelay $0x3  }
0x1b0: {  	v24 =	vld [tilespmem:$0x1A160]  }
0x1b1: {  	[tilespmem:$0x1B400] =	vst v2  }
0x1b2: {  	v2 =	vld.idx.msk [tilespmem:v3+s4+$0x0], $0xffff;
	_ =	sdelay $0x3  }
0x1b3: {  	v3 =	vld [tilespmem:$0x1A170]  }
0x1b4: {  	[tilespmem:$0x1B410] =	vst v2  }
0x1b5: {  	v2 =	vld.idx.msk [tilespmem:v24+s4+$0x0], $0xffff;
	_ =	sdelay $0x3  }
0x1b6: {  	v25 =	vld [tilespmem:$0x1A180]  }
0x1b7: {  	[tilespmem:$0x1B420] =	vst v2  }
0x1b8: {  	v2 =	vld.idx.msk [tilespmem:v3+s4+$0x0], $0xffff;
	_ =	sdelay $0x3  }
0x1b9: {  	v3 =	vld [tilespmem:$0x1A190]  }
0x1ba: {  	[tilespmem:$0x1B430] =	vst v2  }
0x1bb: {  	v2 =	vld.idx.msk [tilespmem:v25+s4+$0x0], $0xffff;
	_ =	sdelay $0x3  }
0x1bc: {  	v26 =	vld [tilespmem:$0x1A1A0]  }
0x1bd: {  	[tilespmem:$0x1B440] =	vst v2  }
0x1be: {  	v2 =	vld.idx.msk [tilespmem:v3+s4+$0x0], $0xffff;
	_ =	sdelay $0x3  }
0x1bf: {  	v3 =	vld [tilespmem:$0x1A1B0]  }
0x1c0: {  	[tilespmem:$0x1B450] =	vst v2  }
0x1c1: {  	v2 =	vld.idx.msk [tilespmem:v26+s4+$0x0], $0xffff;
	_ =	sdelay $0x3  }
0x1c2: {  	v27 =	vld [tilespmem:$0x1A1C0]  }
0x1c3: {  	[tilespmem:$0x1B460] =	vst v2  }
0x1c4: {  	v2 =	vld.idx.msk [tilespmem:v3+s4+$0x0], $0xffff;
	_ =	sdelay $0x3  }
0x1c5: {  	v3 =	vld [tilespmem:$0x1A1D0]  }
0x1c6: {  	[tilespmem:$0x1B470] =	vst v2  }
0x1c7: {  	v2 =	vld.idx.msk [tilespmem:v27+s4+$0x0], $0xffff;
	_ =	sdelay $0x3  }
0x1c8: {  	v28 =	vld [tilespmem:$0x1A1E0]  }
0x1c9: {  	[tilespmem:$0x1B480] =	vst v2  }
0x1ca: {  	v2 =	vld.idx.msk [tilespmem:v3+s4+$0x0], $0xffff;
	_ =	sdelay $0x3  }
0x1cb: {  	v3 =	vld [tilespmem:$0x1A1F0]  }
0x1cc: {  	[tilespmem:$0x1B490] =	vst v2  }
0x1cd: {  	v2 =	vld.idx.msk [tilespmem:v28+s4+$0x0], $0xffff;
	_ =	sdelay $0x3  }
0x1ce: {  	v29 =	vld [tilespmem:$0x1A200]  }
0x1cf: {  	[tilespmem:$0x1B4A0] =	vst v2  }
0x1d0: {  	v2 =	vld.idx.msk [tilespmem:v3+s4+$0x0], $0xffff;
	_ =	sdelay $0x3  }
0x1d1: {  	v3 =	vld [tilespmem:$0x1A210]  }
0x1d2: {  	[tilespmem:$0x1B4B0] =	vst v2  }
0x1d3: {  	v2 =	vld.idx.msk [tilespmem:v29+s4+$0x0], $0xffff;
	_ =	sdelay $0x3  }
0x1d4: {  	v30 =	vld [tilespmem:$0x1A220]  }
0x1d5: {  	[tilespmem:$0x1B4C0] =	vst v2  }
0x1d6: {  	v2 =	vld.idx.msk [tilespmem:v3+s4+$0x0], $0xffff;
	_ =	sdelay $0x3  }
0x1d7: {  	v3 =	vld [tilespmem:$0x1A230]  }
0x1d8: {  	[tilespmem:$0x1B4D0] =	vst v2  }
0x1d9: {  	v2 =	vld.idx.msk [tilespmem:v30+s4+$0x0], $0xffff;
	_ =	sdelay $0x3  }
0x1da: {  	v31 =	vld [tilespmem:$0x1A240]  }
0x1db: {  	[tilespmem:$0x1B4E0] =	vst v2  }
0x1dc: {  	v2 =	vld.idx.msk [tilespmem:v3+s4+$0x0], $0xffff;
	_ =	sdelay $0x3  }
0x1dd: {  	v3 =	vld [tilespmem:$0x1A250]  }
0x1de: {  	[tilespmem:$0x1B4F0] =	vst v2  }
0x1df: {  	v2 =	vld.idx.msk [tilespmem:v31+s4+$0x0], $0xffff;
	_ =	sdelay $0x3  }
0x1e0: {  	v32 =	vld [tilespmem:$0x1A260]  }
0x1e1: {  	[tilespmem:$0x1B500] =	vst v2  }
0x1e2: {  	v2 =	vld.idx.msk [tilespmem:v3+s4+$0x0], $0xffff;
	_ =	sdelay $0x3  }
0x1e3: {  	v3 =	vld [tilespmem:$0x1A270]  }
0x1e4: {  	[tilespmem:$0x1B510] =	vst v2  }
0x1e5: {  	v2 =	vld.idx.msk [tilespmem:v32+s4+$0x0], $0xffff;
	_ =	sdelay $0x3  }
0x1e6: {  	v33 =	vld [tilespmem:$0x1A280]  }
0x1e7: {  	[tilespmem:$0x1B520] =	vst v2  }
0x1e8: {  	v2 =	vld.idx.msk [tilespmem:v3+s4+$0x0], $0xffff;
	_ =	sdelay $0x3  }
0x1e9: {  	v3 =	vld [tilespmem:$0x1A290]  }
0x1ea: {  	[tilespmem:$0x1B530] =	vst v2  }
0x1eb: {  	v2 =	vld.idx.msk [tilespmem:v33+s4+$0x0], $0xffff;
	_ =	sdelay $0x3  }
0x1ec: {  	v34 =	vld [tilespmem:$0x1A2A0]  }
0x1ed: {  	[tilespmem:$0x1B540] =	vst v2  }
0x1ee: {  	v2 =	vld.idx.msk [tilespmem:v3+s4+$0x0], $0xffff;
	_ =	sdelay $0x3  }
0x1ef: {  	v3 =	vld [tilespmem:$0x1A2B0]  }
0x1f0: {  	[tilespmem:$0x1B550] =	vst v2  }
0x1f1: {  	v2 =	vld.idx.msk [tilespmem:v34+s4+$0x0], $0xffff;
	_ =	sdelay $0x3  }
0x1f2: {  	v35 =	vld [tilespmem:$0x1A2C0]  }
0x1f3: {  	[tilespmem:$0x1B560] =	vst v2  }
0x1f4: {  	v2 =	vld.idx.msk [tilespmem:v3+s4+$0x0], $0xffff;
	_ =	sdelay $0x3  }
0x1f5: {  	v3 =	vld [tilespmem:$0x1A2D0]  }
0x1f6: {  	[tilespmem:$0x1B570] =	vst v2  }
0x1f7: {  	v2 =	vld.idx.msk [tilespmem:v35+s4+$0x0], $0xffff;
	_ =	sdelay $0x3  }
0x1f8: {  	v36 =	vld [tilespmem:$0x1A2E0]  }
0x1f9: {  	[tilespmem:$0x1B580] =	vst v2  }
0x1fa: {  	v2 =	vld.idx.msk [tilespmem:v3+s4+$0x0], $0xffff;
	_ =	sdelay $0x3  }
0x1fb: {  	v3 =	vld [tilespmem:$0x1A2F0]  }
0x1fc: {  	[tilespmem:$0x1B590] =	vst v2  }
0x1fd: {  	v2 =	vld.idx.msk [tilespmem:v36+s4+$0x0], $0xffff;
	_ =	sdelay $0x3  }
0x1fe: {  	v37 =	vld [tilespmem:$0x1A300]  }
0x1ff: {  	[tilespmem:$0x1B5A0] =	vst v2  }
0x200: {  	v2 =	vld.idx.msk [tilespmem:v3+s4+$0x0], $0xffff;
	_ =	sdelay $0x3  }
0x201: {  	v3 =	vld [tilespmem:$0x1A310]  }
0x202: {  	[tilespmem:$0x1B5B0] =	vst v2  }
0x203: {  	v2 =	vld.idx.msk [tilespmem:v37+s4+$0x0], $0xffff;
	_ =	sdelay $0x3  }
0x204: {  	v38 =	vld [tilespmem:$0x1A320]  }
0x205: {  	[tilespmem:$0x1B5C0] =	vst v2  }
0x206: {  	v2 =	vld.idx.msk [tilespmem:v3+s4+$0x0], $0xffff;
	_ =	sdelay $0x3  }
0x207: {  	v3 =	vld [tilespmem:$0x1A330]  }
0x208: {  	[tilespmem:$0x1B5D0] =	vst v2  }
0x209: {  	v2 =	vld.idx.msk [tilespmem:v38+s4+$0x0], $0xffff;
	_ =	sdelay $0x3  }
0x20a: {  	v39 =	vld [tilespmem:$0x1A340]  }
0x20b: {  	[tilespmem:$0x1B5E0] =	vst v2  }
0x20c: {  	v2 =	vld.idx.msk [tilespmem:v3+s4+$0x0], $0xffff;
	_ =	sdelay $0x3  }
0x20d: {  	v3 =	vld [tilespmem:$0x1A350]  }
0x20e: {  	[tilespmem:$0x1B5F0] =	vst v2  }
0x20f: {  	v2 =	vld.idx.msk [tilespmem:v39+s4+$0x0], $0xffff;
	_ =	sdelay $0x3  }
0x210: {  	v40 =	vld [tilespmem:$0x1A360]  }
0x211: {  	[tilespmem:$0x1B600] =	vst v2  }
0x212: {  	v2 =	vld.idx.msk [tilespmem:v3+s4+$0x0], $0xffff;
	_ =	sdelay $0x3  }
0x213: {  	v3 =	vld [tilespmem:$0x1A370]  }
0x214: {  	[tilespmem:$0x1B610] =	vst v2  }
0x215: {  	v2 =	vld.idx.msk [tilespmem:v40+s4+$0x0], $0xffff;
	_ =	sdelay $0x3  }
0x216: {  	v41 =	vld [tilespmem:$0x1A380]  }
0x217: {  	[tilespmem:$0x1B620] =	vst v2  }
0x218: {  	v2 =	vld.idx.msk [tilespmem:v3+s4+$0x0], $0xffff;
	_ =	sdelay $0x3  }
0x219: {  	v3 =	vld [tilespmem:$0x1A390]  }
0x21a: {  	[tilespmem:$0x1B630] =	vst v2  }
0x21b: {  	v2 =	vld.idx.msk [tilespmem:v41+s4+$0x0], $0xffff;
	_ =	sdelay $0x4  }
0x21c: {  	[tilespmem:$0x1B640] =	vst v2  }
0x21d: {  	v2 =	vld.idx.msk [tilespmem:v3+s4+$0x0], $0xffff  }
0x21e: {  	v3 =	vld [tilespmem:$0x1A3A0];
	_ =	sdelay $0x5  }
0x21f: {  	v42 =	vld [tilespmem:$0x1A3B0]  }
0x220: {  	[tilespmem:$0x1B650] =	vst v2  }
0x221: {  	v2 =	vld.idx.msk [tilespmem:v3+s4+$0x0], $0xffff;
	_ =	sdelay $0x3  }
0x222: {  	v3 =	vld [tilespmem:$0x1A3C0]  }
0x223: {  	[tilespmem:$0x1B660] =	vst v2  }
0x224: {  	v2 =	vld.idx.msk [tilespmem:v42+s4+$0x0], $0xffff;
	_ =	sdelay $0x3  }
0x225: {  	v43 =	vld [tilespmem:$0x1A3D0]  }
0x226: {  	[tilespmem:$0x1B670] =	vst v2  }
0x227: {  	v2 =	vld.idx.msk [tilespmem:v3+s4+$0x0], $0xffff;
	_ =	sdelay $0x3  }
0x228: {  	v3 =	vld [tilespmem:$0x1A3E0]  }
0x229: {  	[tilespmem:$0x1B680] =	vst v2  }
0x22a: {  	v2 =	vld.idx.msk [tilespmem:v43+s4+$0x0], $0xffff;
	_ =	sdelay $0x3  }
0x22b: {  	v44 =	vld [tilespmem:$0x1A3F0]  }
0x22c: {  	[tilespmem:$0x1B690] =	vst v2  }
0x22d: {  	v2 =	vld.idx.msk [tilespmem:v3+s4+$0x0], $0xffff;
	_ =	sdelay $0x3  }
0x22e: {  	v3 =	vld [tilespmem:$0x1A400]  }
0x22f: {  	[tilespmem:$0x1B6A0] =	vst v2  }
0x230: {  	v2 =	vld.idx.msk [tilespmem:v44+s4+$0x0], $0xffff;
	_ =	sdelay $0x3  }
0x231: {  	v45 =	vld [tilespmem:$0x1A410]  }
0x232: {  	[tilespmem:$0x1B6B0] =	vst v2  }
0x233: {  	v2 =	vld.idx.msk [tilespmem:v3+s4+$0x0], $0xffff;
	_ =	sdelay $0x3  }
0x234: {  	v3 =	vld [tilespmem:$0x1A420]  }
0x235: {  	[tilespmem:$0x1B6C0] =	vst v2  }
0x236: {  	v2 =	vld.idx.msk [tilespmem:v45+s4+$0x0], $0xffff;
	_ =	sdelay $0x3  }
0x237: {  	v46 =	vld [tilespmem:$0x1A430]  }
0x238: {  	[tilespmem:$0x1B6D0] =	vst v2  }
0x239: {  	v2 =	vld.idx.msk [tilespmem:v3+s4+$0x0], $0xffff;
	_ =	sdelay $0x3  }
0x23a: {  	v3 =	vld [tilespmem:$0x1A440]  }
0x23b: {  	[tilespmem:$0x1B6E0] =	vst v2  }
0x23c: {  	v2 =	vld.idx.msk [tilespmem:v46+s4+$0x0], $0xffff;
	_ =	sdelay $0x3  }
0x23d: {  	v47 =	vld [tilespmem:$0x1A450]  }
0x23e: {  	[tilespmem:$0x1B6F0] =	vst v2  }
0x23f: {  	v2 =	vld.idx.msk [tilespmem:v3+s4+$0x0], $0xffff;
	_ =	sdelay $0x3  }
0x240: {  	v3 =	vld [tilespmem:$0x1A460]  }
0x241: {  	[tilespmem:$0x1B700] =	vst v2  }
0x242: {  	v2 =	vld.idx.msk [tilespmem:v47+s4+$0x0], $0xffff;
	_ =	sdelay $0x3  }
0x243: {  	v48 =	vld [tilespmem:$0x1A470]  }
0x244: {  	[tilespmem:$0x1B710] =	vst v2  }
0x245: {  	v2 =	vld.idx.msk [tilespmem:v3+s4+$0x0], $0xffff;
	_ =	sdelay $0x3  }
0x246: {  	v3 =	vld [tilespmem:$0x1A480]  }
0x247: {  	[tilespmem:$0x1B720] =	vst v2  }
0x248: {  	v2 =	vld.idx.msk [tilespmem:v48+s4+$0x0], $0xffff;
	_ =	sdelay $0x3  }
0x249: {  	v49 =	vld [tilespmem:$0x1A490]  }
0x24a: {  	[tilespmem:$0x1B730] =	vst v2  }
0x24b: {  	v2 =	vld.idx.msk [tilespmem:v3+s4+$0x0], $0xffff;
	_ =	sdelay $0x3  }
0x24c: {  	v3 =	vld [tilespmem:$0x1A4A0]  }
0x24d: {  	[tilespmem:$0x1B740] =	vst v2  }
0x24e: {  	v2 =	vld.idx.msk [tilespmem:v49+s4+$0x0], $0xffff;
	_ =	sdelay $0x3  }
0x24f: {  	v50 =	vld [tilespmem:$0x1A4B0]  }
0x250: {  	[tilespmem:$0x1B750] =	vst v2  }
0x251: {  	v2 =	vld.idx.msk [tilespmem:v3+s4+$0x0], $0xffff;
	_ =	sdelay $0x3  }
0x252: {  	v3 =	vld [tilespmem:$0x1A4C0]  }
0x253: {  	[tilespmem:$0x1B760] =	vst v2  }
0x254: {  	v2 =	vld.idx.msk [tilespmem:v50+s4+$0x0], $0xffff;
	_ =	sdelay $0x3  }
0x255: {  	v51 =	vld [tilespmem:$0x1A4D0]  }
0x256: {  	[tilespmem:$0x1B770] =	vst v2  }
0x257: {  	v2 =	vld.idx.msk [tilespmem:v3+s4+$0x0], $0xffff;
	_ =	sdelay $0x3  }
0x258: {  	v3 =	vld [tilespmem:$0x1A4E0]  }
0x259: {  	[tilespmem:$0x1B780] =	vst v2  }
0x25a: {  	v2 =	vld.idx.msk [tilespmem:v51+s4+$0x0], $0xffff;
	_ =	sdelay $0x3  }
0x25b: {  	v52 =	vld [tilespmem:$0x1A4F0]  }
0x25c: {  	[tilespmem:$0x1B790] =	vst v2  }
0x25d: {  	v2 =	vld.idx.msk [tilespmem:v3+s4+$0x0], $0xffff;
	_ =	sdelay $0x3  }
0x25e: {  	v3 =	vld [tilespmem:$0x1A500]  }
0x25f: {  	[tilespmem:$0x1B7A0] =	vst v2  }
0x260: {  	v2 =	vld.idx.msk [tilespmem:v52+s4+$0x0], $0xffff;
	_ =	sdelay $0x3  }
0x261: {  	v53 =	vld [tilespmem:$0x1A510]  }
0x262: {  	[tilespmem:$0x1B7B0] =	vst v2  }
0x263: {  	v2 =	vld.idx.msk [tilespmem:v3+s4+$0x0], $0xffff;
	_ =	sdelay $0x3  }
0x264: {  	v3 =	vld [tilespmem:$0x1A520]  }
0x265: {  	[tilespmem:$0x1B7C0] =	vst v2  }
0x266: {  	v2 =	vld.idx.msk [tilespmem:v53+s4+$0x0], $0xffff;
	_ =	sdelay $0x3  }
0x267: {  	v54 =	vld [tilespmem:$0x1A530]  }
0x268: {  	[tilespmem:$0x1B7D0] =	vst v2  }
0x269: {  	v2 =	vld.idx.msk [tilespmem:v3+s4+$0x0], $0xffff;
	_ =	sdelay $0x3  }
0x26a: {  	v3 =	vld [tilespmem:$0x1A540]  }
0x26b: {  	[tilespmem:$0x1B7E0] =	vst v2  }
0x26c: {  	v2 =	vld.idx.msk [tilespmem:v54+s4+$0x0], $0xffff;
	_ =	sdelay $0x3  }
0x26d: {  	v55 =	vld [tilespmem:$0x1A550]  }
0x26e: {  	[tilespmem:$0x1B7F0] =	vst v2  }
0x26f: {  	v2 =	vld.idx.msk [tilespmem:v3+s4+$0x0], $0xffff;
	_ =	sdelay $0x3  }
0x270: {  	v3 =	vld [tilespmem:$0x1A560]  }
0x271: {  	[tilespmem:$0x1B800] =	vst v2  }
0x272: {  	v2 =	vld.idx.msk [tilespmem:v55+s4+$0x0], $0xffff;
	_ =	sdelay $0x3  }
0x273: {  	v56 =	vld [tilespmem:$0x1A570]  }
0x274: {  	[tilespmem:$0x1B810] =	vst v2  }
0x275: {  	v2 =	vld.idx.msk [tilespmem:v3+s4+$0x0], $0xffff;
	_ =	sdelay $0x3  }
0x276: {  	v3 =	vld [tilespmem:$0x1A580]  }
0x277: {  	[tilespmem:$0x1B820] =	vst v2  }
0x278: {  	v2 =	vld.idx.msk [tilespmem:v56+s4+$0x0], $0xffff;
	_ =	sdelay $0x3  }
0x279: {  	v57 =	vld [tilespmem:$0x1A590]  }
0x27a: {  	[tilespmem:$0x1B830] =	vst v2  }
0x27b: {  	v2 =	vld.idx.msk [tilespmem:v3+s4+$0x0], $0xffff;
	_ =	sdelay $0x3  }
0x27c: {  	v3 =	vld [tilespmem:$0x1A5A0]  }
0x27d: {  	[tilespmem:$0x1B840] =	vst v2  }
0x27e: {  	v2 =	vld.idx.msk [tilespmem:v57+s4+$0x0], $0xffff;
	_ =	sdelay $0x3  }
0x27f: {  	v58 =	vld [tilespmem:$0x1A5B0]  }
0x280: {  	[tilespmem:$0x1B850] =	vst v2  }
0x281: {  	v2 =	vld.idx.msk [tilespmem:v3+s4+$0x0], $0xffff;
	_ =	sdelay $0x3  }
0x282: {  	v3 =	vld [tilespmem:$0x1A5C0]  }
0x283: {  	[tilespmem:$0x1B860] =	vst v2  }
0x284: {  	v2 =	vld.idx.msk [tilespmem:v58+s4+$0x0], $0xffff;
	_ =	sdelay $0x3  }
0x285: {  	v59 =	vld [tilespmem:$0x1A5D0]  }
0x286: {  	[tilespmem:$0x1B870] =	vst v2  }
0x287: {  	v2 =	vld.idx.msk [tilespmem:v3+s4+$0x0], $0xffff;
	_ =	sdelay $0x3  }
0x288: {  	v3 =	vld [tilespmem:$0x1A5E0]  }
0x289: {  	[tilespmem:$0x1B880] =	vst v2  }
0x28a: {  	v2 =	vld.idx.msk [tilespmem:v59+s4+$0x0], $0xffff;
	_ =	sdelay $0x3  }
0x28b: {  	v60 =	vld [tilespmem:$0x1A5F0]  }
0x28c: {  	[tilespmem:$0x1B890] =	vst v2  }
0x28d: {  	v2 =	vld.idx.msk [tilespmem:v3+s4+$0x0], $0xffff;
	_ =	sdelay $0x3  }
0x28e: {  	v3 =	vld [tilespmem:$0x1A600]  }
0x28f: {  	[tilespmem:$0x1B8A0] =	vst v2  }
0x290: {  	v2 =	vld.idx.msk [tilespmem:v60+s4+$0x0], $0xffff;
	_ =	sdelay $0x3  }
0x291: {  	v61 =	vld [tilespmem:$0x1A610]  }
0x292: {  	[tilespmem:$0x1B8B0] =	vst v2  }
0x293: {  	v2 =	vld.idx.msk [tilespmem:v3+s4+$0x0], $0xffff;
	_ =	sdelay $0x3  }
0x294: {  	v3 =	vld [tilespmem:$0x1A620]  }
0x295: {  	[tilespmem:$0x1B8C0] =	vst v2  }
0x296: {  	v2 =	vld.idx.msk [tilespmem:v61+s4+$0x0], $0xffff;
	_ =	sdelay $0x3  }
0x297: {  	v62 =	vld [tilespmem:$0x1A630]  }
0x298: {  	[tilespmem:$0x1B8D0] =	vst v2  }
0x299: {  	v2 =	vld.idx.msk [tilespmem:v3+s4+$0x0], $0xffff;
	_ =	sdelay $0x3  }
0x29a: {  	v3 =	vld [tilespmem:$0x1A640]  }
0x29b: {  	[tilespmem:$0x1B8E0] =	vst v2  }
0x29c: {  	v2 =	vld.idx.msk [tilespmem:v62+s4+$0x0], $0xffff;
	_ =	sdelay $0x3  }
0x29d: {  	v63 =	vld [tilespmem:$0x1A650]  }
0x29e: {  	[tilespmem:$0x1B8F0] =	vst v2  }
0x29f: {  	v2 =	vld.idx.msk [tilespmem:v3+s4+$0x0], $0xffff;
	_ =	sdelay $0x3  }
0x2a0: {  	v3 =	vld [tilespmem:$0x1A660]  }
0x2a1: {  	[tilespmem:$0x1B900] =	vst v2  }
0x2a2: {  	v2 =	vld.idx.msk [tilespmem:v63+s4+$0x0], $0xffff;
	_ =	sdelay $0x3  }
0x2a3: {  	v8 =	vld [tilespmem:$0x1A670]  }
0x2a4: {  	[tilespmem:$0x1B910] =	vst v2  }
0x2a5: {  	v2 =	vld.idx.msk [tilespmem:v3+s4+$0x0], $0xffff;
	_ =	sdelay $0x3  }
0x2a6: {  	v3 =	vld [tilespmem:$0x1A680]  }
0x2a7: {  	[tilespmem:$0x1B920] =	vst v2  }
0x2a8: {  	v2 =	vld.idx.msk [tilespmem:v8+s4+$0x0], $0xffff;
	_ =	sdelay $0x3  }
0x2a9: {  	v9 =	vld [tilespmem:$0x1A690]  }
0x2aa: {  	[tilespmem:$0x1B930] =	vst v2  }
0x2ab: {  	v2 =	vld.idx.msk [tilespmem:v3+s4+$0x0], $0xffff;
	_ =	sdelay $0x3  }
0x2ac: {  	v3 =	vld [tilespmem:$0x1A6A0]  }
0x2ad: {  	[tilespmem:$0x1B940] =	vst v2  }
0x2ae: {  	v2 =	vld.idx.msk [tilespmem:v9+s4+$0x0], $0xffff;
	_ =	sdelay $0x3  }
0x2af: {  	v10 =	vld [tilespmem:$0x1A6B0]  }
0x2b0: {  	[tilespmem:$0x1B950] =	vst v2  }
0x2b1: {  	v2 =	vld.idx.msk [tilespmem:v3+s4+$0x0], $0xffff;
	_ =	sdelay $0x3  }
0x2b2: {  	v3 =	vld [tilespmem:$0x1A6C0]  }
0x2b3: {  	[tilespmem:$0x1B960] =	vst v2  }
0x2b4: {  	v2 =	vld.idx.msk [tilespmem:v10+s4+$0x0], $0xffff;
	_ =	sdelay $0x3  }
0x2b5: {  	v11 =	vld [tilespmem:$0x1A6D0]  }
0x2b6: {  	[tilespmem:$0x1B970] =	vst v2  }
0x2b7: {  	v2 =	vld.idx.msk [tilespmem:v3+s4+$0x0], $0xffff;
	_ =	sdelay $0x3  }
0x2b8: {  	v3 =	vld [tilespmem:$0x1A6E0]  }
0x2b9: {  	[tilespmem:$0x1B980] =	vst v2  }
0x2ba: {  	v2 =	vld.idx.msk [tilespmem:v11+s4+$0x0], $0xffff;
	_ =	sdelay $0x3  }
0x2bb: {  	v12 =	vld [tilespmem:$0x1A6F0]  }
0x2bc: {  	[tilespmem:$0x1B990] =	vst v2  }
0x2bd: {  	v2 =	vld.idx.msk [tilespmem:v3+s4+$0x0], $0xffff;
	_ =	sdelay $0x3  }
0x2be: {  	v3 =	vld [tilespmem:$0x1A700]  }
0x2bf: {  	[tilespmem:$0x1B9A0] =	vst v2  }
0x2c0: {  	v2 =	vld.idx.msk [tilespmem:v12+s4+$0x0], $0xffff;
	_ =	sdelay $0x3  }
0x2c1: {  	v13 =	vld [tilespmem:$0x1A710]  }
0x2c2: {  	[tilespmem:$0x1B9B0] =	vst v2  }
0x2c3: {  	v2 =	vld.idx.msk [tilespmem:v3+s4+$0x0], $0xffff;
	_ =	sdelay $0x3  }
0x2c4: {  	v3 =	vld [tilespmem:$0x1A720]  }
0x2c5: {  	[tilespmem:$0x1B9C0] =	vst v2  }
0x2c6: {  	v2 =	vld.idx.msk [tilespmem:v13+s4+$0x0], $0xffff;
	_ =	sdelay $0x3  }
0x2c7: {  	v14 =	vld [tilespmem:$0x1A730]  }
0x2c8: {  	[tilespmem:$0x1B9D0] =	vst v2  }
0x2c9: {  	v2 =	vld.idx.msk [tilespmem:v3+s4+$0x0], $0xffff;
	_ =	sdelay $0x4  }
0x2ca: {  	[tilespmem:$0x1B9E0] =	vst v2  }
0x2cb: {  	v2 =	vld.idx.msk [tilespmem:v14+s4+$0x0], $0xffff;
	_ =	sdelay $0x4  }
0x2cc: {  	[tilespmem:$0x1B9F0] =	vst v2  }
0x2cd: {  	_ =	swait.ge [sflag:s11], $0x640  }
0x2ce: {  	[sflag:s11] =	ssyncset.done $0x0  }
0x2cf: {  	[sflag:s11] =	ssyncadd.s32 $0xFFFFF9C0  }
0x2d0: {  	_ =	swait.ge [sflag:s12], $0x640  }
0x2d1: {  	s19 =	sshrl.u32 s15, $0x3;
	[sflag:s12] =	ssyncset.done $0x0  }
0x2d2: {  	s7 =	sadd.s32 s5, s19;
	s20 =	rddreg [dreg:$0x6];
	[sflag:s12] =	ssyncadd.s32 $0xFFFFF9C0  }
0x2d3: {  	[tilespmem:s25], [sflag:$0x1] =	stream.linear.gather [hbm4b:s7+s4], $0x640, $0x38;
	[tilespmem:$0x1F780] =	vst v63  }
0x2d4: {  	s20 =	sadd.s32 s22, s20  }
0x2d5: {  	[tilespmem:s26], [sflag:$0x4] =	stream.linear.gather [hbm4b:s20+s4], $0x640, $0x38;
	[tilespmem:$0x1F780] =	vst v63  }
0x2d6: {  	_ = 	snop  }
0x2d7: {  	[spmem:s2] =	stream.indirect.scatter.add.f32 [tilespmem:s13], [sflag:$0x8], $0x1, s28, s1, $0xb8;
	[tilespmem:$0x1F780] =	vst v63  }
0x2d8: {  	_ = 	snop  }
0x2d9: {  	[spmem:s3] =	stream.indirect.scatter.add.f32 [tilespmem:s6], [sflag:$0xB], $0x1, s28, s1, $0xb8;
	[tilespmem:$0x1F780] =	vst v63  }
0x2da: {  	_ =	swait.ge [sflag:s14], $0x640  }
0x2db: {  	[sflag:s14] =	ssyncset.done $0x0  }
0x2dc: {  	[sflag:s14] =	ssyncadd.s32 $0xFFFFF9C0  }
0x2dd: {  	_ =	swait.ge [sflag:s16], $0x640  }
0x2de: {  	[sflag:s16] =	ssyncset.done $0x0  }
0x2df: {  	[sflag:s16] =	ssyncadd.s32 $0xFFFFF9C0  }
0x2e0: {  	v2 =	vld [tilespmem:$0x1A740];
	_ =	sdelay $0x5  }
0x2e1: {  	v3 =	vld [tilespmem:$0x1A750];
	_ =	sdelay $0x1  }
0x2e2: {  	v2 =	vld.idx.msk [tilespmem:v2+s4+$0x0], $0xffff;
	_ =	sdelay $0x3  }
0x2e3: {  	v15 =	vld [tilespmem:$0x1A760]  }
0x2e4: {  	[tilespmem:$0x1BA00] =	vst v2  }
0x2e5: {  	v2 =	vld.idx.msk [tilespmem:v3+s4+$0x0], $0xffff;
	_ =	sdelay $0x3  }
0x2e6: {  	v3 =	vld [tilespmem:$0x1A770]  }
0x2e7: {  	[tilespmem:$0x1BA10] =	vst v2  }
0x2e8: {  	v2 =	vld.idx.msk [tilespmem:v15+s4+$0x0], $0xffff;
	_ =	sdelay $0x3  }
0x2e9: {  	v16 =	vld [tilespmem:$0x1A780]  }
0x2ea: {  	[tilespmem:$0x1BA20] =	vst v2  }
0x2eb: {  	v2 =	vld.idx.msk [tilespmem:v3+s4+$0x0], $0xffff;
	_ =	sdelay $0x3  }
0x2ec: {  	v3 =	vld [tilespmem:$0x1A790]  }
0x2ed: {  	[tilespmem:$0x1BA30] =	vst v2  }
0x2ee: {  	v2 =	vld.idx.msk [tilespmem:v16+s4+$0x0], $0xffff;
	_ =	sdelay $0x3  }
0x2ef: {  	v17 =	vld [tilespmem:$0x1A7A0]  }
0x2f0: {  	[tilespmem:$0x1BA40] =	vst v2  }
0x2f1: {  	v2 =	vld.idx.msk [tilespmem:v3+s4+$0x0], $0xffff;
	_ =	sdelay $0x3  }
0x2f2: {  	v3 =	vld [tilespmem:$0x1A7B0]  }
0x2f3: {  	[tilespmem:$0x1BA50] =	vst v2  }
0x2f4: {  	v2 =	vld.idx.msk [tilespmem:v17+s4+$0x0], $0xffff;
	_ =	sdelay $0x3  }
0x2f5: {  	v18 =	vld [tilespmem:$0x1A7C0]  }
0x2f6: {  	[tilespmem:$0x1BA60] =	vst v2  }
0x2f7: {  	v2 =	vld.idx.msk [tilespmem:v3+s4+$0x0], $0xffff;
	_ =	sdelay $0x3  }
0x2f8: {  	v3 =	vld [tilespmem:$0x1A7D0]  }
0x2f9: {  	[tilespmem:$0x1BA70] =	vst v2  }
0x2fa: {  	v2 =	vld.idx.msk [tilespmem:v18+s4+$0x0], $0xffff;
	_ =	sdelay $0x3  }
0x2fb: {  	v19 =	vld [tilespmem:$0x1A7E0]  }
0x2fc: {  	[tilespmem:$0x1BA80] =	vst v2  }
0x2fd: {  	v2 =	vld.idx.msk [tilespmem:v3+s4+$0x0], $0xffff;
	_ =	sdelay $0x3  }
0x2fe: {  	v3 =	vld [tilespmem:$0x1A7F0]  }
0x2ff: {  	[tilespmem:$0x1BA90] =	vst v2  }
0x300: {  	v2 =	vld.idx.msk [tilespmem:v19+s4+$0x0], $0xffff;
	_ =	sdelay $0x3  }
0x301: {  	v20 =	vld [tilespmem:$0x1A800]  }
0x302: {  	[tilespmem:$0x1BAA0] =	vst v2  }
0x303: {  	v2 =	vld.idx.msk [tilespmem:v3+s4+$0x0], $0xffff;
	_ =	sdelay $0x3  }
0x304: {  	v3 =	vld [tilespmem:$0x1A810]  }
0x305: {  	[tilespmem:$0x1BAB0] =	vst v2  }
0x306: {  	v2 =	vld.idx.msk [tilespmem:v20+s4+$0x0], $0xffff;
	_ =	sdelay $0x3  }
0x307: {  	v21 =	vld [tilespmem:$0x1A820]  }
0x308: {  	[tilespmem:$0x1BAC0] =	vst v2  }
0x309: {  	v2 =	vld.idx.msk [tilespmem:v3+s4+$0x0], $0xffff;
	_ =	sdelay $0x3  }
0x30a: {  	v3 =	vld [tilespmem:$0x1A830]  }
0x30b: {  	[tilespmem:$0x1BAD0] =	vst v2  }
0x30c: {  	v2 =	vld.idx.msk [tilespmem:v21+s4+$0x0], $0xffff;
	_ =	sdelay $0x3  }
0x30d: {  	v22 =	vld [tilespmem:$0x1A840]  }
0x30e: {  	[tilespmem:$0x1BAE0] =	vst v2  }
0x30f: {  	v2 =	vld.idx.msk [tilespmem:v3+s4+$0x0], $0xffff;
	_ =	sdelay $0x3  }
0x310: {  	v3 =	vld [tilespmem:$0x1A850]  }
0x311: {  	[tilespmem:$0x1BAF0] =	vst v2  }
0x312: {  	v2 =	vld.idx.msk [tilespmem:v22+s4+$0x0], $0xffff;
	_ =	sdelay $0x3  }
0x313: {  	v23 =	vld [tilespmem:$0x1A860]  }
0x314: {  	[tilespmem:$0x1BB00] =	vst v2  }
0x315: {  	v2 =	vld.idx.msk [tilespmem:v3+s4+$0x0], $0xffff;
	_ =	sdelay $0x3  }
0x316: {  	v3 =	vld [tilespmem:$0x1A870]  }
0x317: {  	[tilespmem:$0x1BB10] =	vst v2  }
0x318: {  	v2 =	vld.idx.msk [tilespmem:v23+s4+$0x0], $0xffff;
	_ =	sdelay $0x3  }
0x319: {  	v24 =	vld [tilespmem:$0x1A880]  }
0x31a: {  	[tilespmem:$0x1BB20] =	vst v2  }
0x31b: {  	v2 =	vld.idx.msk [tilespmem:v3+s4+$0x0], $0xffff;
	_ =	sdelay $0x3  }
0x31c: {  	v3 =	vld [tilespmem:$0x1A890]  }
0x31d: {  	[tilespmem:$0x1BB30] =	vst v2  }
0x31e: {  	v2 =	vld.idx.msk [tilespmem:v24+s4+$0x0], $0xffff;
	_ =	sdelay $0x3  }
0x31f: {  	v25 =	vld [tilespmem:$0x1A8A0]  }
0x320: {  	[tilespmem:$0x1BB40] =	vst v2  }
0x321: {  	v2 =	vld.idx.msk [tilespmem:v3+s4+$0x0], $0xffff;
	_ =	sdelay $0x3  }
0x322: {  	v3 =	vld [tilespmem:$0x1A8B0]  }
0x323: {  	[tilespmem:$0x1BB50] =	vst v2  }
0x324: {  	v2 =	vld.idx.msk [tilespmem:v25+s4+$0x0], $0xffff;
	_ =	sdelay $0x3  }
0x325: {  	v26 =	vld [tilespmem:$0x1A8C0]  }
0x326: {  	[tilespmem:$0x1BB60] =	vst v2  }
0x327: {  	v2 =	vld.idx.msk [tilespmem:v3+s4+$0x0], $0xffff;
	_ =	sdelay $0x3  }
0x328: {  	v3 =	vld [tilespmem:$0x1A8D0]  }
0x329: {  	[tilespmem:$0x1BB70] =	vst v2  }
0x32a: {  	v2 =	vld.idx.msk [tilespmem:v26+s4+$0x0], $0xffff;
	_ =	sdelay $0x3  }
0x32b: {  	v27 =	vld [tilespmem:$0x1A8E0]  }
0x32c: {  	[tilespmem:$0x1BB80] =	vst v2  }
0x32d: {  	v2 =	vld.idx.msk [tilespmem:v3+s4+$0x0], $0xffff;
	_ =	sdelay $0x3  }
0x32e: {  	v3 =	vld [tilespmem:$0x1A8F0]  }
0x32f: {  	[tilespmem:$0x1BB90] =	vst v2  }
0x330: {  	v2 =	vld.idx.msk [tilespmem:v27+s4+$0x0], $0xffff;
	_ =	sdelay $0x3  }
0x331: {  	v28 =	vld [tilespmem:$0x1A900]  }
0x332: {  	[tilespmem:$0x1BBA0] =	vst v2  }
0x333: {  	v2 =	vld.idx.msk [tilespmem:v3+s4+$0x0], $0xffff;
	_ =	sdelay $0x3  }
0x334: {  	v3 =	vld [tilespmem:$0x1A910]  }
0x335: {  	[tilespmem:$0x1BBB0] =	vst v2  }
0x336: {  	v2 =	vld.idx.msk [tilespmem:v28+s4+$0x0], $0xffff;
	_ =	sdelay $0x3  }
0x337: {  	v29 =	vld [tilespmem:$0x1A920]  }
0x338: {  	[tilespmem:$0x1BBC0] =	vst v2  }
0x339: {  	v2 =	vld.idx.msk [tilespmem:v3+s4+$0x0], $0xffff;
	_ =	sdelay $0x3  }
0x33a: {  	v3 =	vld [tilespmem:$0x1A930]  }
0x33b: {  	[tilespmem:$0x1BBD0] =	vst v2  }
0x33c: {  	v2 =	vld.idx.msk [tilespmem:v29+s4+$0x0], $0xffff;
	_ =	sdelay $0x3  }
0x33d: {  	v30 =	vld [tilespmem:$0x1A940]  }
0x33e: {  	[tilespmem:$0x1BBE0] =	vst v2  }
0x33f: {  	v2 =	vld.idx.msk [tilespmem:v3+s4+$0x0], $0xffff;
	_ =	sdelay $0x3  }
0x340: {  	v3 =	vld [tilespmem:$0x1A950]  }
0x341: {  	[tilespmem:$0x1BBF0] =	vst v2  }
0x342: {  	v2 =	vld.idx.msk [tilespmem:v30+s4+$0x0], $0xffff;
	_ =	sdelay $0x3  }
0x343: {  	v31 =	vld [tilespmem:$0x1A960]  }
0x344: {  	[tilespmem:$0x1BC00] =	vst v2  }
0x345: {  	v2 =	vld.idx.msk [tilespmem:v3+s4+$0x0], $0xffff;
	_ =	sdelay $0x3  }
0x346: {  	v3 =	vld [tilespmem:$0x1A970]  }
0x347: {  	[tilespmem:$0x1BC10] =	vst v2  }
0x348: {  	v2 =	vld.idx.msk [tilespmem:v31+s4+$0x0], $0xffff;
	_ =	sdelay $0x3  }
0x349: {  	v32 =	vld [tilespmem:$0x1A980]  }
0x34a: {  	[tilespmem:$0x1BC20] =	vst v2  }
0x34b: {  	v2 =	vld.idx.msk [tilespmem:v3+s4+$0x0], $0xffff;
	_ =	sdelay $0x3  }
0x34c: {  	v3 =	vld [tilespmem:$0x1A990]  }
0x34d: {  	[tilespmem:$0x1BC30] =	vst v2  }
0x34e: {  	v2 =	vld.idx.msk [tilespmem:v32+s4+$0x0], $0xffff;
	_ =	sdelay $0x3  }
0x34f: {  	v33 =	vld [tilespmem:$0x1A9A0]  }
0x350: {  	[tilespmem:$0x1BC40] =	vst v2  }
0x351: {  	v2 =	vld.idx.msk [tilespmem:v3+s4+$0x0], $0xffff;
	_ =	sdelay $0x3  }
0x352: {  	v3 =	vld [tilespmem:$0x1A9B0]  }
0x353: {  	[tilespmem:$0x1BC50] =	vst v2  }
0x354: {  	v2 =	vld.idx.msk [tilespmem:v33+s4+$0x0], $0xffff;
	_ =	sdelay $0x3  }
0x355: {  	v34 =	vld [tilespmem:$0x1A9C0]  }
0x356: {  	[tilespmem:$0x1BC60] =	vst v2  }
0x357: {  	v2 =	vld.idx.msk [tilespmem:v3+s4+$0x0], $0xffff;
	_ =	sdelay $0x3  }
0x358: {  	v3 =	vld [tilespmem:$0x1A9D0]  }
0x359: {  	[tilespmem:$0x1BC70] =	vst v2  }
0x35a: {  	v2 =	vld.idx.msk [tilespmem:v34+s4+$0x0], $0xffff;
	_ =	sdelay $0x3  }
0x35b: {  	v35 =	vld [tilespmem:$0x1A9E0]  }
0x35c: {  	[tilespmem:$0x1BC80] =	vst v2  }
0x35d: {  	v2 =	vld.idx.msk [tilespmem:v3+s4+$0x0], $0xffff;
	_ =	sdelay $0x3  }
0x35e: {  	v3 =	vld [tilespmem:$0x1A9F0]  }
0x35f: {  	[tilespmem:$0x1BC90] =	vst v2  }
0x360: {  	v2 =	vld.idx.msk [tilespmem:v35+s4+$0x0], $0xffff;
	_ =	sdelay $0x3  }
0x361: {  	v36 =	vld [tilespmem:$0x1AA00]  }
0x362: {  	[tilespmem:$0x1BCA0] =	vst v2  }
0x363: {  	v2 =	vld.idx.msk [tilespmem:v3+s4+$0x0], $0xffff;
	_ =	sdelay $0x3  }
0x364: {  	v3 =	vld [tilespmem:$0x1AA10]  }
0x365: {  	[tilespmem:$0x1BCB0] =	vst v2  }
0x366: {  	v2 =	vld.idx.msk [tilespmem:v36+s4+$0x0], $0xffff;
	_ =	sdelay $0x3  }
0x367: {  	v37 =	vld [tilespmem:$0x1AA20]  }
0x368: {  	[tilespmem:$0x1BCC0] =	vst v2  }
0x369: {  	v2 =	vld.idx.msk [tilespmem:v3+s4+$0x0], $0xffff;
	_ =	sdelay $0x3  }
0x36a: {  	v3 =	vld [tilespmem:$0x1AA30]  }
0x36b: {  	[tilespmem:$0x1BCD0] =	vst v2  }
0x36c: {  	v2 =	vld.idx.msk [tilespmem:v37+s4+$0x0], $0xffff;
	_ =	sdelay $0x3  }
0x36d: {  	v38 =	vld [tilespmem:$0x1AA40]  }
0x36e: {  	[tilespmem:$0x1BCE0] =	vst v2  }
0x36f: {  	v2 =	vld.idx.msk [tilespmem:v3+s4+$0x0], $0xffff;
	_ =	sdelay $0x3  }
0x370: {  	v3 =	vld [tilespmem:$0x1AA50]  }
0x371: {  	[tilespmem:$0x1BCF0] =	vst v2  }
0x372: {  	v2 =	vld.idx.msk [tilespmem:v38+s4+$0x0], $0xffff;
	_ =	sdelay $0x3  }
0x373: {  	v39 =	vld [tilespmem:$0x1AA60]  }
0x374: {  	[tilespmem:$0x1BD00] =	vst v2  }
0x375: {  	v2 =	vld.idx.msk [tilespmem:v3+s4+$0x0], $0xffff;
	_ =	sdelay $0x3  }
0x376: {  	v3 =	vld [tilespmem:$0x1AA70]  }
0x377: {  	[tilespmem:$0x1BD10] =	vst v2  }
0x378: {  	v2 =	vld.idx.msk [tilespmem:v39+s4+$0x0], $0xffff;
	_ =	sdelay $0x3  }
0x379: {  	v40 =	vld [tilespmem:$0x1AA80]  }
0x37a: {  	[tilespmem:$0x1BD20] =	vst v2  }
0x37b: {  	v2 =	vld.idx.msk [tilespmem:v3+s4+$0x0], $0xffff;
	_ =	sdelay $0x3  }
0x37c: {  	v3 =	vld [tilespmem:$0x1AA90]  }
0x37d: {  	[tilespmem:$0x1BD30] =	vst v2  }
0x37e: {  	v2 =	vld.idx.msk [tilespmem:v40+s4+$0x0], $0xffff;
	_ =	sdelay $0x3  }
0x37f: {  	v41 =	vld [tilespmem:$0x1AAA0]  }
0x380: {  	[tilespmem:$0x1BD40] =	vst v2  }
0x381: {  	v2 =	vld.idx.msk [tilespmem:v3+s4+$0x0], $0xffff;
	_ =	sdelay $0x3  }
0x382: {  	v3 =	vld [tilespmem:$0x1AAB0]  }
0x383: {  	[tilespmem:$0x1BD50] =	vst v2  }
0x384: {  	v2 =	vld.idx.msk [tilespmem:v41+s4+$0x0], $0xffff;
	_ =	sdelay $0x3  }
0x385: {  	v42 =	vld [tilespmem:$0x1AAC0]  }
0x386: {  	[tilespmem:$0x1BD60] =	vst v2  }
0x387: {  	v2 =	vld.idx.msk [tilespmem:v3+s4+$0x0], $0xffff;
	_ =	sdelay $0x3  }
0x388: {  	v3 =	vld [tilespmem:$0x1AAD0]  }
0x389: {  	[tilespmem:$0x1BD70] =	vst v2  }
0x38a: {  	v2 =	vld.idx.msk [tilespmem:v42+s4+$0x0], $0xffff;
	_ =	sdelay $0x3  }
0x38b: {  	v43 =	vld [tilespmem:$0x1AAE0]  }
0x38c: {  	[tilespmem:$0x1BD80] =	vst v2  }
0x38d: {  	v2 =	vld.idx.msk [tilespmem:v3+s4+$0x0], $0xffff;
	_ =	sdelay $0x3  }
0x38e: {  	v3 =	vld [tilespmem:$0x1AAF0]  }
0x38f: {  	[tilespmem:$0x1BD90] =	vst v2  }
0x390: {  	v2 =	vld.idx.msk [tilespmem:v43+s4+$0x0], $0xffff;
	_ =	sdelay $0x3  }
0x391: {  	v44 =	vld [tilespmem:$0x1AB00]  }
0x392: {  	[tilespmem:$0x1BDA0] =	vst v2  }
0x393: {  	v2 =	vld.idx.msk [tilespmem:v3+s4+$0x0], $0xffff;
	_ =	sdelay $0x3  }
0x394: {  	v3 =	vld [tilespmem:$0x1AB10]  }
0x395: {  	[tilespmem:$0x1BDB0] =	vst v2  }
0x396: {  	v2 =	vld.idx.msk [tilespmem:v44+s4+$0x0], $0xffff;
	_ =	sdelay $0x3  }
0x397: {  	v45 =	vld [tilespmem:$0x1AB20]  }
0x398: {  	[tilespmem:$0x1BDC0] =	vst v2  }
0x399: {  	v2 =	vld.idx.msk [tilespmem:v3+s4+$0x0], $0xffff;
	_ =	sdelay $0x3  }
0x39a: {  	v3 =	vld [tilespmem:$0x1AB30]  }
0x39b: {  	[tilespmem:$0x1BDD0] =	vst v2  }
0x39c: {  	v2 =	vld.idx.msk [tilespmem:v45+s4+$0x0], $0xffff;
	_ =	sdelay $0x3  }
0x39d: {  	v46 =	vld [tilespmem:$0x1AB40]  }
0x39e: {  	[tilespmem:$0x1BDE0] =	vst v2  }
0x39f: {  	v2 =	vld.idx.msk [tilespmem:v3+s4+$0x0], $0xffff;
	_ =	sdelay $0x3  }
0x3a0: {  	v3 =	vld [tilespmem:$0x1AB50]  }
0x3a1: {  	[tilespmem:$0x1BDF0] =	vst v2  }
0x3a2: {  	v2 =	vld.idx.msk [tilespmem:v46+s4+$0x0], $0xffff;
	_ =	sdelay $0x3  }
0x3a3: {  	v47 =	vld [tilespmem:$0x1AB60]  }
0x3a4: {  	[tilespmem:$0x1BE00] =	vst v2  }
0x3a5: {  	v2 =	vld.idx.msk [tilespmem:v3+s4+$0x0], $0xffff;
	_ =	sdelay $0x3  }
0x3a6: {  	v3 =	vld [tilespmem:$0x1AB70]  }
0x3a7: {  	[tilespmem:$0x1BE10] =	vst v2  }
0x3a8: {  	v2 =	vld.idx.msk [tilespmem:v47+s4+$0x0], $0xffff;
	_ =	sdelay $0x3  }
0x3a9: {  	v48 =	vld [tilespmem:$0x1AB80]  }
0x3aa: {  	[tilespmem:$0x1BE20] =	vst v2  }
0x3ab: {  	v2 =	vld.idx.msk [tilespmem:v3+s4+$0x0], $0xffff;
	_ =	sdelay $0x3  }
0x3ac: {  	v3 =	vld [tilespmem:$0x1AB90]  }
0x3ad: {  	[tilespmem:$0x1BE30] =	vst v2  }
0x3ae: {  	v2 =	vld.idx.msk [tilespmem:v48+s4+$0x0], $0xffff;
	_ =	sdelay $0x3  }
0x3af: {  	v49 =	vld [tilespmem:$0x1ABA0]  }
0x3b0: {  	[tilespmem:$0x1BE40] =	vst v2  }
0x3b1: {  	v2 =	vld.idx.msk [tilespmem:v3+s4+$0x0], $0xffff;
	_ =	sdelay $0x3  }
0x3b2: {  	v3 =	vld [tilespmem:$0x1ABB0]  }
0x3b3: {  	[tilespmem:$0x1BE50] =	vst v2  }
0x3b4: {  	v2 =	vld.idx.msk [tilespmem:v49+s4+$0x0], $0xffff;
	_ =	sdelay $0x3  }
0x3b5: {  	v50 =	vld [tilespmem:$0x1ABC0]  }
0x3b6: {  	[tilespmem:$0x1BE60] =	vst v2  }
0x3b7: {  	v2 =	vld.idx.msk [tilespmem:v3+s4+$0x0], $0xffff;
	_ =	sdelay $0x3  }
0x3b8: {  	v3 =	vld [tilespmem:$0x1ABD0]  }
0x3b9: {  	[tilespmem:$0x1BE70] =	vst v2  }
0x3ba: {  	v2 =	vld.idx.msk [tilespmem:v50+s4+$0x0], $0xffff;
	_ =	sdelay $0x3  }
0x3bb: {  	v51 =	vld [tilespmem:$0x1ABE0]  }
0x3bc: {  	[tilespmem:$0x1BE80] =	vst v2  }
0x3bd: {  	v2 =	vld.idx.msk [tilespmem:v3+s4+$0x0], $0xffff;
	_ =	sdelay $0x3  }
0x3be: {  	v3 =	vld [tilespmem:$0x1ABF0]  }
0x3bf: {  	[tilespmem:$0x1BE90] =	vst v2  }
0x3c0: {  	v2 =	vld.idx.msk [tilespmem:v51+s4+$0x0], $0xffff;
	_ =	sdelay $0x3  }
0x3c1: {  	v52 =	vld [tilespmem:$0x1AC00]  }
0x3c2: {  	[tilespmem:$0x1BEA0] =	vst v2  }
0x3c3: {  	v2 =	vld.idx.msk [tilespmem:v3+s4+$0x0], $0xffff;
	_ =	sdelay $0x3  }
0x3c4: {  	v3 =	vld [tilespmem:$0x1AC10]  }
0x3c5: {  	[tilespmem:$0x1BEB0] =	vst v2  }
0x3c6: {  	v2 =	vld.idx.msk [tilespmem:v52+s4+$0x0], $0xffff;
	_ =	sdelay $0x3  }
0x3c7: {  	v53 =	vld [tilespmem:$0x1AC20]  }
0x3c8: {  	[tilespmem:$0x1BEC0] =	vst v2  }
0x3c9: {  	v2 =	vld.idx.msk [tilespmem:v3+s4+$0x0], $0xffff;
	_ =	sdelay $0x3  }
0x3ca: {  	v3 =	vld [tilespmem:$0x1AC30]  }
0x3cb: {  	[tilespmem:$0x1BED0] =	vst v2  }
0x3cc: {  	v2 =	vld.idx.msk [tilespmem:v53+s4+$0x0], $0xffff;
	_ =	sdelay $0x3  }
0x3cd: {  	v54 =	vld [tilespmem:$0x1AC40]  }
0x3ce: {  	[tilespmem:$0x1BEE0] =	vst v2  }
0x3cf: {  	v2 =	vld.idx.msk [tilespmem:v3+s4+$0x0], $0xffff;
	_ =	sdelay $0x3  }
0x3d0: {  	v3 =	vld [tilespmem:$0x1AC50]  }
0x3d1: {  	[tilespmem:$0x1BEF0] =	vst v2  }
0x3d2: {  	v2 =	vld.idx.msk [tilespmem:v54+s4+$0x0], $0xffff;
	_ =	sdelay $0x3  }
0x3d3: {  	v55 =	vld [tilespmem:$0x1AC60]  }
0x3d4: {  	[tilespmem:$0x1BF00] =	vst v2  }
0x3d5: {  	v2 =	vld.idx.msk [tilespmem:v3+s4+$0x0], $0xffff;
	_ =	sdelay $0x3  }
0x3d6: {  	v3 =	vld [tilespmem:$0x1AC70]  }
0x3d7: {  	[tilespmem:$0x1BF10] =	vst v2  }
0x3d8: {  	v2 =	vld.idx.msk [tilespmem:v55+s4+$0x0], $0xffff;
	_ =	sdelay $0x3  }
0x3d9: {  	v56 =	vld [tilespmem:$0x1AC80]  }
0x3da: {  	[tilespmem:$0x1BF20] =	vst v2  }
0x3db: {  	v2 =	vld.idx.msk [tilespmem:v3+s4+$0x0], $0xffff;
	_ =	sdelay $0x3  }
0x3dc: {  	v3 =	vld [tilespmem:$0x1AC90]  }
0x3dd: {  	[tilespmem:$0x1BF30] =	vst v2  }
0x3de: {  	v2 =	vld.idx.msk [tilespmem:v56+s4+$0x0], $0xffff;
	_ =	sdelay $0x3  }
0x3df: {  	v57 =	vld [tilespmem:$0x1ACA0]  }
0x3e0: {  	[tilespmem:$0x1BF40] =	vst v2  }
0x3e1: {  	v2 =	vld.idx.msk [tilespmem:v3+s4+$0x0], $0xffff;
	_ =	sdelay $0x3  }
0x3e2: {  	v3 =	vld [tilespmem:$0x1ACB0]  }
0x3e3: {  	[tilespmem:$0x1BF50] =	vst v2  }
0x3e4: {  	v2 =	vld.idx.msk [tilespmem:v57+s4+$0x0], $0xffff;
	_ =	sdelay $0x3  }
0x3e5: {  	v58 =	vld [tilespmem:$0x1ACC0]  }
0x3e6: {  	[tilespmem:$0x1BF60] =	vst v2  }
0x3e7: {  	v2 =	vld.idx.msk [tilespmem:v3+s4+$0x0], $0xffff;
	_ =	sdelay $0x3  }
0x3e8: {  	v3 =	vld [tilespmem:$0x1ACD0]  }
0x3e9: {  	[tilespmem:$0x1BF70] =	vst v2  }
0x3ea: {  	v2 =	vld.idx.msk [tilespmem:v58+s4+$0x0], $0xffff;
	_ =	sdelay $0x3  }
0x3eb: {  	v59 =	vld [tilespmem:$0x1ACE0]  }
0x3ec: {  	[tilespmem:$0x1BF80] =	vst v2  }
0x3ed: {  	v2 =	vld.idx.msk [tilespmem:v3+s4+$0x0], $0xffff;
	_ =	sdelay $0x3  }
0x3ee: {  	v3 =	vld [tilespmem:$0x1ACF0]  }
0x3ef: {  	[tilespmem:$0x1BF90] =	vst v2  }
0x3f0: {  	v2 =	vld.idx.msk [tilespmem:v59+s4+$0x0], $0xffff;
	_ =	sdelay $0x3  }
0x3f1: {  	v60 =	vld [tilespmem:$0x1AD00]  }
0x3f2: {  	[tilespmem:$0x1BFA0] =	vst v2  }
0x3f3: {  	v2 =	vld.idx.msk [tilespmem:v3+s4+$0x0], $0xffff;
	_ =	sdelay $0x3  }
0x3f4: {  	v3 =	vld [tilespmem:$0x1AD10]  }
0x3f5: {  	[tilespmem:$0x1BFB0] =	vst v2  }
0x3f6: {  	v2 =	vld.idx.msk [tilespmem:v60+s4+$0x0], $0xffff;
	_ =	sdelay $0x3  }
0x3f7: {  	v61 =	vld [tilespmem:$0x1AD20]  }
0x3f8: {  	[tilespmem:$0x1BFC0] =	vst v2  }
0x3f9: {  	v2 =	vld.idx.msk [tilespmem:v3+s4+$0x0], $0xffff;
	_ =	sdelay $0x3  }
0x3fa: {  	v3 =	vld [tilespmem:$0x1AD30]  }
0x3fb: {  	[tilespmem:$0x1BFD0] =	vst v2  }
0x3fc: {  	v2 =	vld.idx.msk [tilespmem:v61+s4+$0x0], $0xffff;
	_ =	sdelay $0x3  }
0x3fd: {  	v62 =	vld [tilespmem:$0x1AD40]  }
0x3fe: {  	[tilespmem:$0x1BFE0] =	vst v2  }
0x3ff: {  	v2 =	vld.idx.msk [tilespmem:v3+s4+$0x0], $0xffff;
	_ =	sdelay $0x3  }
0x400: {  	v3 =	vld [tilespmem:$0x1AD50]  }
0x401: {  	[tilespmem:$0x1BFF0] =	vst v2  }
0x402: {  	v2 =	vld.idx.msk [tilespmem:v62+s4+$0x0], $0xffff;
	_ =	sdelay $0x3  }
0x403: {  	v63 =	vld [tilespmem:$0x1AD60]  }
0x404: {  	[tilespmem:$0x1C000] =	vst v2  }
0x405: {  	v2 =	vld.idx.msk [tilespmem:v3+s4+$0x0], $0xffff;
	_ =	sdelay $0x3  }
0x406: {  	v3 =	vld [tilespmem:$0x1AD70]  }
0x407: {  	[tilespmem:$0x1C010] =	vst v2  }
0x408: {  	v2 =	vld.idx.msk [tilespmem:v63+s4+$0x0], $0xffff;
	_ =	sdelay $0x4  }
0x409: {  	[tilespmem:$0x1C020] =	vst v2  }
0x40a: {  	v2 =	vld.idx.msk [tilespmem:v3+s4+$0x0], $0xffff;
	_ =	sdelay $0x4  }
0x40b: {  	[tilespmem:$0x1C030] =	vst v2  }
0x40c: {  	_ =	swait.ge [sflag:s17], $0x640  }
0x40d: {  	[sflag:s17] =	ssyncset.done $0x0  }
0x40e: {  	[sflag:s17] =	ssyncadd.s32 $0xFFFFF9C0  }
0x40f: {  	_ =	swait.ge [sflag:s18], $0x640  }
0x410: {  	s19 =	rddreg [dreg:$0x4];
	[sflag:s18] =	ssyncset.done $0x0  }
0x411: {  	s20 =	rddreg [dreg:$0x5];
	[sflag:s18] =	ssyncadd.s32 $0xFFFFF9C0  }
0x412: {  	s7 =	sadd.s32 s22, s19;
	s19 =	sadd.s32 s22, s20;
	s22 =	sadd.s32 $0x258, s22  }
0x413: {  	[tilespmem:s28], [sflag:$0x2] =	stream.linear.gather [hbm4b:s7+s4], $0x640, $0x38;
	[tilespmem:$0x1F780] =	vst v63  }
0x414: {  	p0 =	sne.s32 s22, $0x6018  }
0x415: {  	[tilespmem:s29], [sflag:$0x5] =	stream.linear.gather [hbm4b:s19+s4], $0x640, $0x38;
	[tilespmem:$0x1F780] =	vst v63  }
.Ltmp1:
0x416: {  	_ = 	snop;
	(pc) =	sbr.rel @p0 .LBB2_4-.Ltmp1, $4  }
0x417: {  	s20 =	rddreg [dreg:$0xa]  }
0x418: {  	[spmem:s2] =	stream.indirect.scatter.add.f32 [tilespmem:s20], [sflag:$0x9], $0x1, s0, s1, $0xb8;
	[tilespmem:$0x1F780] =	vst v63  }
0x419: {  	s15 =	sadd.s32 $0x12C0, s15  }
0x41a: {  	[spmem:s3] =	stream.indirect.scatter.add.f32 [tilespmem:s6], [sflag:$0xC], $0x1, s0, s1, $0xb8;
	[tilespmem:$0x1F780] =	vst v63  }
0x41b: {  	_ =	swait.ge [sflag:s30], $0x640  }
0x41c: {  	[sflag:s30] =	ssyncset.done $0x0  }
0x41d: {  	[sflag:s30] =	ssyncadd.s32 $0xFFFFF9C0  }
0x41e: {  	_ =	swait.ge [sflag:s31], $0x640  }
0x41f: {  	[sflag:s31] =	ssyncset.done $0x0  }
0x420: {  	[sflag:s31] =	ssyncadd.s32 $0xFFFFF9C0  }
0x421: {  	v2 =	vld [tilespmem:$0x19AC0];
	_ =	sdelay $0x5  }
0x422: {  	v3 =	vld [tilespmem:$0x19AD0];
	_ =	sdelay $0x1  }
0x423: {  	v2 =	vld.idx.msk [tilespmem:v2+s4+$0x0], $0xffff;
	_ =	sdelay $0x3  }
0x424: {  	v4 =	vld [tilespmem:$0x19AE0]  }
0x425: {  	[tilespmem:$0x1AD80] =	vst v2  }
0x426: {  	v2 =	vld.idx.msk [tilespmem:v3+s4+$0x0], $0xffff;
	_ =	sdelay $0x3  }
0x427: {  	v3 =	vld [tilespmem:$0x19AF0]  }
0x428: {  	[tilespmem:$0x1AD90] =	vst v2  }
0x429: {  	v2 =	vld.idx.msk [tilespmem:v4+s4+$0x0], $0xffff;
	_ =	sdelay $0x3  }
0x42a: {  	v23 =	vld [tilespmem:$0x19B00]  }
0x42b: {  	[tilespmem:$0x1ADA0] =	vst v2  }
0x42c: {  	v2 =	vld.idx.msk [tilespmem:v3+s4+$0x0], $0xffff;
	_ =	sdelay $0x3  }
0x42d: {  	v3 =	vld [tilespmem:$0x19B10]  }
0x42e: {  	[tilespmem:$0x1ADB0] =	vst v2  }
0x42f: {  	v2 =	vld.idx.msk [tilespmem:v23+s4+$0x0], $0xffff;
	_ =	sdelay $0x3  }
0x430: {  	v24 =	vld [tilespmem:$0x19B20]  }
0x431: {  	[tilespmem:$0x1ADC0] =	vst v2  }
0x432: {  	v2 =	vld.idx.msk [tilespmem:v3+s4+$0x0], $0xffff;
	_ =	sdelay $0x3  }
0x433: {  	v3 =	vld [tilespmem:$0x19B30]  }
0x434: {  	[tilespmem:$0x1ADD0] =	vst v2  }
0x435: {  	v2 =	vld.idx.msk [tilespmem:v24+s4+$0x0], $0xffff;
	_ =	sdelay $0x3  }
0x436: {  	v25 =	vld [tilespmem:$0x19B40]  }
0x437: {  	[tilespmem:$0x1ADE0] =	vst v2  }
0x438: {  	v2 =	vld.idx.msk [tilespmem:v3+s4+$0x0], $0xffff;
	_ =	sdelay $0x3  }
0x439: {  	v3 =	vld [tilespmem:$0x19B50]  }
0x43a: {  	[tilespmem:$0x1ADF0] =	vst v2  }
0x43b: {  	v2 =	vld.idx.msk [tilespmem:v25+s4+$0x0], $0xffff;
	_ =	sdelay $0x3  }
0x43c: {  	v26 =	vld [tilespmem:$0x19B60]  }
0x43d: {  	[tilespmem:$0x1AE00] =	vst v2  }
0x43e: {  	v2 =	vld.idx.msk [tilespmem:v3+s4+$0x0], $0xffff;
	_ =	sdelay $0x3  }
0x43f: {  	v3 =	vld [tilespmem:$0x19B70]  }
0x440: {  	[tilespmem:$0x1AE10] =	vst v2  }
0x441: {  	v2 =	vld.idx.msk [tilespmem:v26+s4+$0x0], $0xffff;
	_ =	sdelay $0x3  }
0x442: {  	v27 =	vld [tilespmem:$0x19B80]  }
0x443: {  	[tilespmem:$0x1AE20] =	vst v2  }
0x444: {  	v2 =	vld.idx.msk [tilespmem:v3+s4+$0x0], $0xffff;
	_ =	sdelay $0x3  }
0x445: {  	v3 =	vld [tilespmem:$0x19B90]  }
0x446: {  	[tilespmem:$0x1AE30] =	vst v2  }
0x447: {  	v2 =	vld.idx.msk [tilespmem:v27+s4+$0x0], $0xffff;
	_ =	sdelay $0x3  }
0x448: {  	v28 =	vld [tilespmem:$0x19BA0]  }
0x449: {  	[tilespmem:$0x1AE40] =	vst v2  }
0x44a: {  	v2 =	vld.idx.msk [tilespmem:v3+s4+$0x0], $0xffff;
	_ =	sdelay $0x3  }
0x44b: {  	v3 =	vld [tilespmem:$0x19BB0]  }
0x44c: {  	[tilespmem:$0x1AE50] =	vst v2  }
0x44d: {  	v2 =	vld.idx.msk [tilespmem:v28+s4+$0x0], $0xffff;
	_ =	sdelay $0x3  }
0x44e: {  	v29 =	vld [tilespmem:$0x19BC0]  }
0x44f: {  	[tilespmem:$0x1AE60] =	vst v2  }
0x450: {  	v2 =	vld.idx.msk [tilespmem:v3+s4+$0x0], $0xffff;
	_ =	sdelay $0x3  }
0x451: {  	v3 =	vld [tilespmem:$0x19BD0]  }
0x452: {  	[tilespmem:$0x1AE70] =	vst v2  }
0x453: {  	v2 =	vld.idx.msk [tilespmem:v29+s4+$0x0], $0xffff;
	_ =	sdelay $0x3  }
0x454: {  	v30 =	vld [tilespmem:$0x19BE0]  }
0x455: {  	[tilespmem:$0x1AE80] =	vst v2  }
0x456: {  	v2 =	vld.idx.msk [tilespmem:v3+s4+$0x0], $0xffff;
	_ =	sdelay $0x3  }
0x457: {  	v3 =	vld [tilespmem:$0x19BF0]  }
0x458: {  	[tilespmem:$0x1AE90] =	vst v2  }
0x459: {  	v2 =	vld.idx.msk [tilespmem:v30+s4+$0x0], $0xffff;
	_ =	sdelay $0x3  }
0x45a: {  	v31 =	vld [tilespmem:$0x19C00]  }
0x45b: {  	[tilespmem:$0x1AEA0] =	vst v2  }
0x45c: {  	v2 =	vld.idx.msk [tilespmem:v3+s4+$0x0], $0xffff;
	_ =	sdelay $0x3  }
0x45d: {  	v3 =	vld [tilespmem:$0x19C10]  }
0x45e: {  	[tilespmem:$0x1AEB0] =	vst v2  }
0x45f: {  	v2 =	vld.idx.msk [tilespmem:v31+s4+$0x0], $0xffff;
	_ =	sdelay $0x3  }
0x460: {  	v32 =	vld [tilespmem:$0x19C20]  }
0x461: {  	[tilespmem:$0x1AEC0] =	vst v2  }
0x462: {  	v2 =	vld.idx.msk [tilespmem:v3+s4+$0x0], $0xffff;
	_ =	sdelay $0x3  }
0x463: {  	v3 =	vld [tilespmem:$0x19C30]  }
0x464: {  	[tilespmem:$0x1AED0] =	vst v2  }
0x465: {  	v2 =	vld.idx.msk [tilespmem:v32+s4+$0x0], $0xffff;
	_ =	sdelay $0x3  }
0x466: {  	v33 =	vld [tilespmem:$0x19C40]  }
0x467: {  	[tilespmem:$0x1AEE0] =	vst v2  }
0x468: {  	v2 =	vld.idx.msk [tilespmem:v3+s4+$0x0], $0xffff;
	_ =	sdelay $0x3  }
0x469: {  	v3 =	vld [tilespmem:$0x19C50]  }
0x46a: {  	[tilespmem:$0x1AEF0] =	vst v2  }
0x46b: {  	v2 =	vld.idx.msk [tilespmem:v33+s4+$0x0], $0xffff;
	_ =	sdelay $0x3  }
0x46c: {  	v34 =	vld [tilespmem:$0x19C60]  }
0x46d: {  	[tilespmem:$0x1AF00] =	vst v2  }
0x46e: {  	v2 =	vld.idx.msk [tilespmem:v3+s4+$0x0], $0xffff;
	_ =	sdelay $0x3  }
0x46f: {  	v3 =	vld [tilespmem:$0x19C70]  }
0x470: {  	[tilespmem:$0x1AF10] =	vst v2  }
0x471: {  	v2 =	vld.idx.msk [tilespmem:v34+s4+$0x0], $0xffff;
	_ =	sdelay $0x3  }
0x472: {  	v35 =	vld [tilespmem:$0x19C80]  }
0x473: {  	[tilespmem:$0x1AF20] =	vst v2  }
0x474: {  	v2 =	vld.idx.msk [tilespmem:v3+s4+$0x0], $0xffff;
	_ =	sdelay $0x3  }
0x475: {  	v3 =	vld [tilespmem:$0x19C90]  }
0x476: {  	[tilespmem:$0x1AF30] =	vst v2  }
0x477: {  	v2 =	vld.idx.msk [tilespmem:v35+s4+$0x0], $0xffff;
	_ =	sdelay $0x3  }
0x478: {  	v36 =	vld [tilespmem:$0x19CA0]  }
0x479: {  	[tilespmem:$0x1AF40] =	vst v2  }
0x47a: {  	v2 =	vld.idx.msk [tilespmem:v3+s4+$0x0], $0xffff;
	_ =	sdelay $0x3  }
0x47b: {  	v3 =	vld [tilespmem:$0x19CB0]  }
0x47c: {  	[tilespmem:$0x1AF50] =	vst v2  }
0x47d: {  	v2 =	vld.idx.msk [tilespmem:v36+s4+$0x0], $0xffff;
	_ =	sdelay $0x3  }
0x47e: {  	v37 =	vld [tilespmem:$0x19CC0]  }
0x47f: {  	[tilespmem:$0x1AF60] =	vst v2  }
0x480: {  	v2 =	vld.idx.msk [tilespmem:v3+s4+$0x0], $0xffff;
	_ =	sdelay $0x3  }
0x481: {  	v3 =	vld [tilespmem:$0x19CD0]  }
0x482: {  	[tilespmem:$0x1AF70] =	vst v2  }
0x483: {  	v2 =	vld.idx.msk [tilespmem:v37+s4+$0x0], $0xffff;
	_ =	sdelay $0x3  }
0x484: {  	v38 =	vld [tilespmem:$0x19CE0]  }
0x485: {  	[tilespmem:$0x1AF80] =	vst v2  }
0x486: {  	v2 =	vld.idx.msk [tilespmem:v3+s4+$0x0], $0xffff;
	_ =	sdelay $0x3  }
0x487: {  	v3 =	vld [tilespmem:$0x19CF0]  }
0x488: {  	[tilespmem:$0x1AF90] =	vst v2  }
0x489: {  	v2 =	vld.idx.msk [tilespmem:v38+s4+$0x0], $0xffff;
	_ =	sdelay $0x3  }
0x48a: {  	v39 =	vld [tilespmem:$0x19D00]  }
0x48b: {  	[tilespmem:$0x1AFA0] =	vst v2  }
0x48c: {  	v2 =	vld.idx.msk [tilespmem:v3+s4+$0x0], $0xffff;
	_ =	sdelay $0x3  }
0x48d: {  	v3 =	vld [tilespmem:$0x19D10]  }
0x48e: {  	[tilespmem:$0x1AFB0] =	vst v2  }
0x48f: {  	v2 =	vld.idx.msk [tilespmem:v39+s4+$0x0], $0xffff;
	_ =	sdelay $0x3  }
0x490: {  	v40 =	vld [tilespmem:$0x19D20]  }
0x491: {  	[tilespmem:$0x1AFC0] =	vst v2  }
0x492: {  	v2 =	vld.idx.msk [tilespmem:v3+s4+$0x0], $0xffff;
	_ =	sdelay $0x3  }
0x493: {  	v3 =	vld [tilespmem:$0x19D30]  }
0x494: {  	[tilespmem:$0x1AFD0] =	vst v2  }
0x495: {  	v2 =	vld.idx.msk [tilespmem:v40+s4+$0x0], $0xffff;
	_ =	sdelay $0x3  }
0x496: {  	v41 =	vld [tilespmem:$0x19D40]  }
0x497: {  	[tilespmem:$0x1AFE0] =	vst v2  }
0x498: {  	v2 =	vld.idx.msk [tilespmem:v3+s4+$0x0], $0xffff;
	_ =	sdelay $0x3  }
0x499: {  	v3 =	vld [tilespmem:$0x19D50]  }
0x49a: {  	[tilespmem:$0x1AFF0] =	vst v2  }
0x49b: {  	v2 =	vld.idx.msk [tilespmem:v41+s4+$0x0], $0xffff;
	_ =	sdelay $0x4  }
0x49c: {  	[tilespmem:$0x1B000] =	vst v2  }
0x49d: {  	v2 =	vld.idx.msk [tilespmem:v3+s4+$0x0], $0xffff  }
0x49e: {  	v3 =	vld [tilespmem:$0x19D60];
	_ =	sdelay $0x5  }
0x49f: {  	v42 =	vld [tilespmem:$0x19D70]  }
0x4a0: {  	[tilespmem:$0x1B010] =	vst v2  }
0x4a1: {  	v2 =	vld.idx.msk [tilespmem:v3+s4+$0x0], $0xffff;
	_ =	sdelay $0x3  }
0x4a2: {  	v3 =	vld [tilespmem:$0x19D80]  }
0x4a3: {  	[tilespmem:$0x1B020] =	vst v2  }
0x4a4: {  	v2 =	vld.idx.msk [tilespmem:v42+s4+$0x0], $0xffff;
	_ =	sdelay $0x3  }
0x4a5: {  	v43 =	vld [tilespmem:$0x19D90]  }
0x4a6: {  	[tilespmem:$0x1B030] =	vst v2  }
0x4a7: {  	v2 =	vld.idx.msk [tilespmem:v3+s4+$0x0], $0xffff;
	_ =	sdelay $0x3  }
0x4a8: {  	v3 =	vld [tilespmem:$0x19DA0]  }
0x4a9: {  	[tilespmem:$0x1B040] =	vst v2  }
0x4aa: {  	v2 =	vld.idx.msk [tilespmem:v43+s4+$0x0], $0xffff;
	_ =	sdelay $0x3  }
0x4ab: {  	v44 =	vld [tilespmem:$0x19DB0]  }
0x4ac: {  	[tilespmem:$0x1B050] =	vst v2  }
0x4ad: {  	v2 =	vld.idx.msk [tilespmem:v3+s4+$0x0], $0xffff;
	_ =	sdelay $0x3  }
0x4ae: {  	v3 =	vld [tilespmem:$0x19DC0]  }
0x4af: {  	[tilespmem:$0x1B060] =	vst v2  }
0x4b0: {  	v2 =	vld.idx.msk [tilespmem:v44+s4+$0x0], $0xffff;
	_ =	sdelay $0x3  }
0x4b1: {  	v45 =	vld [tilespmem:$0x19DD0]  }
0x4b2: {  	[tilespmem:$0x1B070] =	vst v2  }
0x4b3: {  	v2 =	vld.idx.msk [tilespmem:v3+s4+$0x0], $0xffff;
	_ =	sdelay $0x3  }
0x4b4: {  	v3 =	vld [tilespmem:$0x19DE0]  }
0x4b5: {  	[tilespmem:$0x1B080] =	vst v2  }
0x4b6: {  	v2 =	vld.idx.msk [tilespmem:v45+s4+$0x0], $0xffff;
	_ =	sdelay $0x3  }
0x4b7: {  	v46 =	vld [tilespmem:$0x19DF0]  }
0x4b8: {  	[tilespmem:$0x1B090] =	vst v2  }
0x4b9: {  	v2 =	vld.idx.msk [tilespmem:v3+s4+$0x0], $0xffff;
	_ =	sdelay $0x3  }
0x4ba: {  	v3 =	vld [tilespmem:$0x19E00]  }
0x4bb: {  	[tilespmem:$0x1B0A0] =	vst v2  }
0x4bc: {  	v2 =	vld.idx.msk [tilespmem:v46+s4+$0x0], $0xffff;
	_ =	sdelay $0x3  }
0x4bd: {  	v47 =	vld [tilespmem:$0x19E10]  }
0x4be: {  	[tilespmem:$0x1B0B0] =	vst v2  }
0x4bf: {  	v2 =	vld.idx.msk [tilespmem:v3+s4+$0x0], $0xffff;
	_ =	sdelay $0x3  }
0x4c0: {  	v3 =	vld [tilespmem:$0x19E20]  }
0x4c1: {  	[tilespmem:$0x1B0C0] =	vst v2  }
0x4c2: {  	v2 =	vld.idx.msk [tilespmem:v47+s4+$0x0], $0xffff;
	_ =	sdelay $0x3  }
0x4c3: {  	v48 =	vld [tilespmem:$0x19E30]  }
0x4c4: {  	[tilespmem:$0x1B0D0] =	vst v2  }
0x4c5: {  	v2 =	vld.idx.msk [tilespmem:v3+s4+$0x0], $0xffff;
	_ =	sdelay $0x3  }
0x4c6: {  	v3 =	vld [tilespmem:$0x19E40]  }
0x4c7: {  	[tilespmem:$0x1B0E0] =	vst v2  }
0x4c8: {  	v2 =	vld.idx.msk [tilespmem:v48+s4+$0x0], $0xffff;
	_ =	sdelay $0x3  }
0x4c9: {  	v49 =	vld [tilespmem:$0x19E50]  }
0x4ca: {  	[tilespmem:$0x1B0F0] =	vst v2  }
0x4cb: {  	v2 =	vld.idx.msk [tilespmem:v3+s4+$0x0], $0xffff;
	_ =	sdelay $0x3  }
0x4cc: {  	v3 =	vld [tilespmem:$0x19E60]  }
0x4cd: {  	[tilespmem:$0x1B100] =	vst v2  }
0x4ce: {  	v2 =	vld.idx.msk [tilespmem:v49+s4+$0x0], $0xffff;
	_ =	sdelay $0x3  }
0x4cf: {  	v50 =	vld [tilespmem:$0x19E70]  }
0x4d0: {  	[tilespmem:$0x1B110] =	vst v2  }
0x4d1: {  	v2 =	vld.idx.msk [tilespmem:v3+s4+$0x0], $0xffff;
	_ =	sdelay $0x3  }
0x4d2: {  	v3 =	vld [tilespmem:$0x19E80]  }
0x4d3: {  	[tilespmem:$0x1B120] =	vst v2  }
0x4d4: {  	v2 =	vld.idx.msk [tilespmem:v50+s4+$0x0], $0xffff;
	_ =	sdelay $0x3  }
0x4d5: {  	v51 =	vld [tilespmem:$0x19E90]  }
0x4d6: {  	[tilespmem:$0x1B130] =	vst v2  }
0x4d7: {  	v2 =	vld.idx.msk [tilespmem:v3+s4+$0x0], $0xffff;
	_ =	sdelay $0x3  }
0x4d8: {  	v3 =	vld [tilespmem:$0x19EA0]  }
0x4d9: {  	[tilespmem:$0x1B140] =	vst v2  }
0x4da: {  	v2 =	vld.idx.msk [tilespmem:v51+s4+$0x0], $0xffff;
	_ =	sdelay $0x3  }
0x4db: {  	v52 =	vld [tilespmem:$0x19EB0]  }
0x4dc: {  	[tilespmem:$0x1B150] =	vst v2  }
0x4dd: {  	v2 =	vld.idx.msk [tilespmem:v3+s4+$0x0], $0xffff;
	_ =	sdelay $0x3  }
0x4de: {  	v3 =	vld [tilespmem:$0x19EC0]  }
0x4df: {  	[tilespmem:$0x1B160] =	vst v2  }
0x4e0: {  	v2 =	vld.idx.msk [tilespmem:v52+s4+$0x0], $0xffff;
	_ =	sdelay $0x3  }
0x4e1: {  	v53 =	vld [tilespmem:$0x19ED0]  }
0x4e2: {  	[tilespmem:$0x1B170] =	vst v2  }
0x4e3: {  	v2 =	vld.idx.msk [tilespmem:v3+s4+$0x0], $0xffff;
	_ =	sdelay $0x3  }
0x4e4: {  	v3 =	vld [tilespmem:$0x19EE0]  }
0x4e5: {  	[tilespmem:$0x1B180] =	vst v2  }
0x4e6: {  	v2 =	vld.idx.msk [tilespmem:v53+s4+$0x0], $0xffff;
	_ =	sdelay $0x3  }
0x4e7: {  	v54 =	vld [tilespmem:$0x19EF0]  }
0x4e8: {  	[tilespmem:$0x1B190] =	vst v2  }
0x4e9: {  	v2 =	vld.idx.msk [tilespmem:v3+s4+$0x0], $0xffff;
	_ =	sdelay $0x3  }
0x4ea: {  	v3 =	vld [tilespmem:$0x19F00]  }
0x4eb: {  	[tilespmem:$0x1B1A0] =	vst v2  }
0x4ec: {  	v2 =	vld.idx.msk [tilespmem:v54+s4+$0x0], $0xffff;
	_ =	sdelay $0x3  }
0x4ed: {  	v55 =	vld [tilespmem:$0x19F10]  }
0x4ee: {  	[tilespmem:$0x1B1B0] =	vst v2  }
0x4ef: {  	v2 =	vld.idx.msk [tilespmem:v3+s4+$0x0], $0xffff;
	_ =	sdelay $0x3  }
0x4f0: {  	v3 =	vld [tilespmem:$0x19F20]  }
0x4f1: {  	[tilespmem:$0x1B1C0] =	vst v2  }
0x4f2: {  	v2 =	vld.idx.msk [tilespmem:v55+s4+$0x0], $0xffff;
	_ =	sdelay $0x3  }
0x4f3: {  	v56 =	vld [tilespmem:$0x19F30]  }
0x4f4: {  	[tilespmem:$0x1B1D0] =	vst v2  }
0x4f5: {  	v2 =	vld.idx.msk [tilespmem:v3+s4+$0x0], $0xffff;
	_ =	sdelay $0x3  }
0x4f6: {  	v3 =	vld [tilespmem:$0x19F40]  }
0x4f7: {  	[tilespmem:$0x1B1E0] =	vst v2  }
0x4f8: {  	v2 =	vld.idx.msk [tilespmem:v56+s4+$0x0], $0xffff;
	_ =	sdelay $0x3  }
0x4f9: {  	v57 =	vld [tilespmem:$0x19F50]  }
0x4fa: {  	[tilespmem:$0x1B1F0] =	vst v2  }
0x4fb: {  	v2 =	vld.idx.msk [tilespmem:v3+s4+$0x0], $0xffff;
	_ =	sdelay $0x3  }
0x4fc: {  	v3 =	vld [tilespmem:$0x19F60]  }
0x4fd: {  	[tilespmem:$0x1B200] =	vst v2  }
0x4fe: {  	v2 =	vld.idx.msk [tilespmem:v57+s4+$0x0], $0xffff;
	_ =	sdelay $0x3  }
0x4ff: {  	v58 =	vld [tilespmem:$0x19F70]  }
0x500: {  	[tilespmem:$0x1B210] =	vst v2  }
0x501: {  	v2 =	vld.idx.msk [tilespmem:v3+s4+$0x0], $0xffff;
	_ =	sdelay $0x3  }
0x502: {  	v3 =	vld [tilespmem:$0x19F80]  }
0x503: {  	[tilespmem:$0x1B220] =	vst v2  }
0x504: {  	v2 =	vld.idx.msk [tilespmem:v58+s4+$0x0], $0xffff;
	_ =	sdelay $0x3  }
0x505: {  	v59 =	vld [tilespmem:$0x19F90]  }
0x506: {  	[tilespmem:$0x1B230] =	vst v2  }
0x507: {  	v2 =	vld.idx.msk [tilespmem:v3+s4+$0x0], $0xffff;
	_ =	sdelay $0x3  }
0x508: {  	v3 =	vld [tilespmem:$0x19FA0]  }
0x509: {  	[tilespmem:$0x1B240] =	vst v2  }
0x50a: {  	v2 =	vld.idx.msk [tilespmem:v59+s4+$0x0], $0xffff;
	_ =	sdelay $0x3  }
0x50b: {  	v60 =	vld [tilespmem:$0x19FB0]  }
0x50c: {  	[tilespmem:$0x1B250] =	vst v2  }
0x50d: {  	v2 =	vld.idx.msk [tilespmem:v3+s4+$0x0], $0xffff;
	_ =	sdelay $0x3  }
0x50e: {  	v3 =	vld [tilespmem:$0x19FC0]  }
0x50f: {  	[tilespmem:$0x1B260] =	vst v2  }
0x510: {  	v2 =	vld.idx.msk [tilespmem:v60+s4+$0x0], $0xffff;
	_ =	sdelay $0x3  }
0x511: {  	v61 =	vld [tilespmem:$0x19FD0]  }
0x512: {  	[tilespmem:$0x1B270] =	vst v2  }
0x513: {  	v2 =	vld.idx.msk [tilespmem:v3+s4+$0x0], $0xffff;
	_ =	sdelay $0x3  }
0x514: {  	v3 =	vld [tilespmem:$0x19FE0]  }
0x515: {  	[tilespmem:$0x1B280] =	vst v2  }
0x516: {  	v2 =	vld.idx.msk [tilespmem:v61+s4+$0x0], $0xffff;
	_ =	sdelay $0x3  }
0x517: {  	v62 =	vld [tilespmem:$0x19FF0]  }
0x518: {  	[tilespmem:$0x1B290] =	vst v2  }
0x519: {  	v2 =	vld.idx.msk [tilespmem:v3+s4+$0x0], $0xffff;
	_ =	sdelay $0x3  }
0x51a: {  	v3 =	vld [tilespmem:$0x1A000]  }
0x51b: {  	[tilespmem:$0x1B2A0] =	vst v2  }
0x51c: {  	v2 =	vld.idx.msk [tilespmem:v62+s4+$0x0], $0xffff;
	_ =	sdelay $0x3  }
0x51d: {  	v63 =	vld [tilespmem:$0x1A010]  }
0x51e: {  	[tilespmem:$0x1B2B0] =	vst v2  }
0x51f: {  	v2 =	vld.idx.msk [tilespmem:v3+s4+$0x0], $0xffff;
	_ =	sdelay $0x3  }
0x520: {  	v3 =	vld [tilespmem:$0x1A020]  }
0x521: {  	[tilespmem:$0x1B2C0] =	vst v2  }
0x522: {  	v2 =	vld.idx.msk [tilespmem:v63+s4+$0x0], $0xffff;
	_ =	sdelay $0x3  }
0x523: {  	v8 =	vld [tilespmem:$0x1A030]  }
0x524: {  	[tilespmem:$0x1B2D0] =	vst v2  }
0x525: {  	v2 =	vld.idx.msk [tilespmem:v3+s4+$0x0], $0xffff;
	_ =	sdelay $0x3  }
0x526: {  	v3 =	vld [tilespmem:$0x1A040]  }
0x527: {  	[tilespmem:$0x1B2E0] =	vst v2  }
0x528: {  	v2 =	vld.idx.msk [tilespmem:v8+s4+$0x0], $0xffff;
	_ =	sdelay $0x3  }
0x529: {  	v9 =	vld [tilespmem:$0x1A050]  }
0x52a: {  	[tilespmem:$0x1B2F0] =	vst v2  }
0x52b: {  	v2 =	vld.idx.msk [tilespmem:v3+s4+$0x0], $0xffff;
	_ =	sdelay $0x3  }
0x52c: {  	v3 =	vld [tilespmem:$0x1A060]  }
0x52d: {  	[tilespmem:$0x1B300] =	vst v2  }
0x52e: {  	v2 =	vld.idx.msk [tilespmem:v9+s4+$0x0], $0xffff;
	_ =	sdelay $0x3  }
0x52f: {  	v10 =	vld [tilespmem:$0x1A070]  }
0x530: {  	[tilespmem:$0x1B310] =	vst v2  }
0x531: {  	v2 =	vld.idx.msk [tilespmem:v3+s4+$0x0], $0xffff;
	_ =	sdelay $0x3  }
0x532: {  	v3 =	vld [tilespmem:$0x1A080]  }
0x533: {  	[tilespmem:$0x1B320] =	vst v2  }
0x534: {  	v2 =	vld.idx.msk [tilespmem:v10+s4+$0x0], $0xffff;
	_ =	sdelay $0x3  }
0x535: {  	v11 =	vld [tilespmem:$0x1A090]  }
0x536: {  	[tilespmem:$0x1B330] =	vst v2  }
0x537: {  	v2 =	vld.idx.msk [tilespmem:v3+s4+$0x0], $0xffff;
	_ =	sdelay $0x3  }
0x538: {  	v3 =	vld [tilespmem:$0x1A0A0]  }
0x539: {  	[tilespmem:$0x1B340] =	vst v2  }
0x53a: {  	v2 =	vld.idx.msk [tilespmem:v11+s4+$0x0], $0xffff;
	_ =	sdelay $0x3  }
0x53b: {  	v12 =	vld [tilespmem:$0x1A0B0]  }
0x53c: {  	[tilespmem:$0x1B350] =	vst v2  }
0x53d: {  	v2 =	vld.idx.msk [tilespmem:v3+s4+$0x0], $0xffff;
	_ =	sdelay $0x3  }
0x53e: {  	v3 =	vld [tilespmem:$0x1A0C0]  }
0x53f: {  	[tilespmem:$0x1B360] =	vst v2  }
0x540: {  	v2 =	vld.idx.msk [tilespmem:v12+s4+$0x0], $0xffff;
	_ =	sdelay $0x3  }
0x541: {  	v13 =	vld [tilespmem:$0x1A0D0]  }
0x542: {  	[tilespmem:$0x1B370] =	vst v2  }
0x543: {  	v2 =	vld.idx.msk [tilespmem:v3+s4+$0x0], $0xffff;
	_ =	sdelay $0x3  }
0x544: {  	v3 =	vld [tilespmem:$0x1A0E0]  }
0x545: {  	[tilespmem:$0x1B380] =	vst v2  }
0x546: {  	v2 =	vld.idx.msk [tilespmem:v13+s4+$0x0], $0xffff;
	_ =	sdelay $0x3  }
0x547: {  	v14 =	vld [tilespmem:$0x1A0F0]  }
0x548: {  	[tilespmem:$0x1B390] =	vst v2  }
0x549: {  	v2 =	vld.idx.msk [tilespmem:v3+s4+$0x0], $0xffff;
	_ =	sdelay $0x4  }
0x54a: {  	[tilespmem:$0x1B3A0] =	vst v2  }
0x54b: {  	v2 =	vld.idx.msk [tilespmem:v14+s4+$0x0], $0xffff;
	_ =	sdelay $0x4  }
0x54c: {  	s7 =	simm.s32 $0x9;
	[tilespmem:$0x1B3B0] =	vst v2  }
0x54d: {  	_ =	swait.ge [sflag:s7], $0x640  }
0x54e: {  	[sflag:s7] =	ssyncset.done $0x0  }
0x54f: {  	s22 =	simm.s32 $0xC;
	[sflag:s7] =	ssyncadd.s32 $0xFFFFF9C0  }
0x550: {  	_ =	swait.ge [sflag:s22], $0x640  }
0x551: {  	[sflag:s22] =	ssyncset.done $0x0  }
0x552: {  	[sflag:s22] =	ssyncadd.s32 $0xFFFFF9C0  }
0x553: {  	[spmem:s2] =	stream.indirect.scatter.add.f32 [tilespmem:s24], [sflag:$0x7], $0x1, s25, s1, $0xb8;
	[tilespmem:$0x1F780] =	vst v63  }
0x554: {  	_ = 	snop  }
0x555: {  	[spmem:s3] =	stream.indirect.scatter.add.f32 [tilespmem:s6], [sflag:$0xA], $0x1, s25, s1, $0xb8;
	[tilespmem:$0x1F780] =	vst v63  }
0x556: {  	_ =	swait.ge [sflag:s9], $0x640  }
0x557: {  	[sflag:s9] =	ssyncset.done $0x0  }
0x558: {  	[sflag:s9] =	ssyncadd.s32 $0xFFFFF9C0  }
0x559: {  	_ =	swait.ge [sflag:s10], $0x640  }
0x55a: {  	[sflag:s10] =	ssyncset.done $0x0  }
0x55b: {  	[sflag:s10] =	ssyncadd.s32 $0xFFFFF9C0  }
0x55c: {  	v2 =	vld [tilespmem:$0x1A100];
	_ =	sdelay $0x5  }
0x55d: {  	v3 =	vld [tilespmem:$0x1A110];
	_ =	sdelay $0x1  }
0x55e: {  	v2 =	vld.idx.msk [tilespmem:v2+s4+$0x0], $0xffff;
	_ =	sdelay $0x3  }
0x55f: {  	v15 =	vld [tilespmem:$0x1A120]  }
0x560: {  	[tilespmem:$0x1B3C0] =	vst v2  }
0x561: {  	v2 =	vld.idx.msk [tilespmem:v3+s4+$0x0], $0xffff;
	_ =	sdelay $0x3  }
0x562: {  	v3 =	vld [tilespmem:$0x1A130]  }
0x563: {  	[tilespmem:$0x1B3D0] =	vst v2  }
0x564: {  	v2 =	vld.idx.msk [tilespmem:v15+s4+$0x0], $0xffff;
	_ =	sdelay $0x3  }
0x565: {  	v16 =	vld [tilespmem:$0x1A140]  }
0x566: {  	[tilespmem:$0x1B3E0] =	vst v2  }
0x567: {  	v2 =	vld.idx.msk [tilespmem:v3+s4+$0x0], $0xffff;
	_ =	sdelay $0x3  }
0x568: {  	v3 =	vld [tilespmem:$0x1A150]  }
0x569: {  	[tilespmem:$0x1B3F0] =	vst v2  }
0x56a: {  	v2 =	vld.idx.msk [tilespmem:v16+s4+$0x0], $0xffff;
	_ =	sdelay $0x3  }
0x56b: {  	v17 =	vld [tilespmem:$0x1A160]  }
0x56c: {  	[tilespmem:$0x1B400] =	vst v2  }
0x56d: {  	v2 =	vld.idx.msk [tilespmem:v3+s4+$0x0], $0xffff;
	_ =	sdelay $0x3  }
0x56e: {  	v3 =	vld [tilespmem:$0x1A170]  }
0x56f: {  	[tilespmem:$0x1B410] =	vst v2  }
0x570: {  	v2 =	vld.idx.msk [tilespmem:v17+s4+$0x0], $0xffff;
	_ =	sdelay $0x3  }
0x571: {  	v18 =	vld [tilespmem:$0x1A180]  }
0x572: {  	[tilespmem:$0x1B420] =	vst v2  }
0x573: {  	v2 =	vld.idx.msk [tilespmem:v3+s4+$0x0], $0xffff;
	_ =	sdelay $0x3  }
0x574: {  	v3 =	vld [tilespmem:$0x1A190]  }
0x575: {  	[tilespmem:$0x1B430] =	vst v2  }
0x576: {  	v2 =	vld.idx.msk [tilespmem:v18+s4+$0x0], $0xffff;
	_ =	sdelay $0x3  }
0x577: {  	v19 =	vld [tilespmem:$0x1A1A0]  }
0x578: {  	[tilespmem:$0x1B440] =	vst v2  }
0x579: {  	v2 =	vld.idx.msk [tilespmem:v3+s4+$0x0], $0xffff;
	_ =	sdelay $0x3  }
0x57a: {  	v3 =	vld [tilespmem:$0x1A1B0]  }
0x57b: {  	[tilespmem:$0x1B450] =	vst v2  }
0x57c: {  	v2 =	vld.idx.msk [tilespmem:v19+s4+$0x0], $0xffff;
	_ =	sdelay $0x3  }
0x57d: {  	v20 =	vld [tilespmem:$0x1A1C0]  }
0x57e: {  	[tilespmem:$0x1B460] =	vst v2  }
0x57f: {  	v2 =	vld.idx.msk [tilespmem:v3+s4+$0x0], $0xffff;
	_ =	sdelay $0x3  }
0x580: {  	v3 =	vld [tilespmem:$0x1A1D0]  }
0x581: {  	[tilespmem:$0x1B470] =	vst v2  }
0x582: {  	v2 =	vld.idx.msk [tilespmem:v20+s4+$0x0], $0xffff;
	_ =	sdelay $0x3  }
0x583: {  	v21 =	vld [tilespmem:$0x1A1E0]  }
0x584: {  	[tilespmem:$0x1B480] =	vst v2  }
0x585: {  	v2 =	vld.idx.msk [tilespmem:v3+s4+$0x0], $0xffff;
	_ =	sdelay $0x3  }
0x586: {  	v3 =	vld [tilespmem:$0x1A1F0]  }
0x587: {  	[tilespmem:$0x1B490] =	vst v2  }
0x588: {  	v2 =	vld.idx.msk [tilespmem:v21+s4+$0x0], $0xffff;
	_ =	sdelay $0x3  }
0x589: {  	v22 =	vld [tilespmem:$0x1A200]  }
0x58a: {  	[tilespmem:$0x1B4A0] =	vst v2  }
0x58b: {  	v2 =	vld.idx.msk [tilespmem:v3+s4+$0x0], $0xffff;
	_ =	sdelay $0x3  }
0x58c: {  	v3 =	vld [tilespmem:$0x1A210]  }
0x58d: {  	[tilespmem:$0x1B4B0] =	vst v2  }
0x58e: {  	v2 =	vld.idx.msk [tilespmem:v22+s4+$0x0], $0xffff;
	_ =	sdelay $0x3  }
0x58f: {  	v23 =	vld [tilespmem:$0x1A220]  }
0x590: {  	[tilespmem:$0x1B4C0] =	vst v2  }
0x591: {  	v2 =	vld.idx.msk [tilespmem:v3+s4+$0x0], $0xffff;
	_ =	sdelay $0x3  }
0x592: {  	v3 =	vld [tilespmem:$0x1A230]  }
0x593: {  	[tilespmem:$0x1B4D0] =	vst v2  }
0x594: {  	v2 =	vld.idx.msk [tilespmem:v23+s4+$0x0], $0xffff;
	_ =	sdelay $0x3  }
0x595: {  	v24 =	vld [tilespmem:$0x1A240]  }
0x596: {  	[tilespmem:$0x1B4E0] =	vst v2  }
0x597: {  	v2 =	vld.idx.msk [tilespmem:v3+s4+$0x0], $0xffff;
	_ =	sdelay $0x3  }
0x598: {  	v3 =	vld [tilespmem:$0x1A250]  }
0x599: {  	[tilespmem:$0x1B4F0] =	vst v2  }
0x59a: {  	v2 =	vld.idx.msk [tilespmem:v24+s4+$0x0], $0xffff;
	_ =	sdelay $0x3  }
0x59b: {  	v25 =	vld [tilespmem:$0x1A260]  }
0x59c: {  	[tilespmem:$0x1B500] =	vst v2  }
0x59d: {  	v2 =	vld.idx.msk [tilespmem:v3+s4+$0x0], $0xffff;
	_ =	sdelay $0x3  }
0x59e: {  	v3 =	vld [tilespmem:$0x1A270]  }
0x59f: {  	[tilespmem:$0x1B510] =	vst v2  }
0x5a0: {  	v2 =	vld.idx.msk [tilespmem:v25+s4+$0x0], $0xffff;
	_ =	sdelay $0x3  }
0x5a1: {  	v26 =	vld [tilespmem:$0x1A280]  }
0x5a2: {  	[tilespmem:$0x1B520] =	vst v2  }
0x5a3: {  	v2 =	vld.idx.msk [tilespmem:v3+s4+$0x0], $0xffff;
	_ =	sdelay $0x3  }
0x5a4: {  	v3 =	vld [tilespmem:$0x1A290]  }
0x5a5: {  	[tilespmem:$0x1B530] =	vst v2  }
0x5a6: {  	v2 =	vld.idx.msk [tilespmem:v26+s4+$0x0], $0xffff;
	_ =	sdelay $0x3  }
0x5a7: {  	v27 =	vld [tilespmem:$0x1A2A0]  }
0x5a8: {  	[tilespmem:$0x1B540] =	vst v2  }
0x5a9: {  	v2 =	vld.idx.msk [tilespmem:v3+s4+$0x0], $0xffff;
	_ =	sdelay $0x3  }
0x5aa: {  	v3 =	vld [tilespmem:$0x1A2B0]  }
0x5ab: {  	[tilespmem:$0x1B550] =	vst v2  }
0x5ac: {  	v2 =	vld.idx.msk [tilespmem:v27+s4+$0x0], $0xffff;
	_ =	sdelay $0x3  }
0x5ad: {  	v28 =	vld [tilespmem:$0x1A2C0]  }
0x5ae: {  	[tilespmem:$0x1B560] =	vst v2  }
0x5af: {  	v2 =	vld.idx.msk [tilespmem:v3+s4+$0x0], $0xffff;
	_ =	sdelay $0x3  }
0x5b0: {  	v3 =	vld [tilespmem:$0x1A2D0]  }
0x5b1: {  	[tilespmem:$0x1B570] =	vst v2  }
0x5b2: {  	v2 =	vld.idx.msk [tilespmem:v28+s4+$0x0], $0xffff;
	_ =	sdelay $0x3  }
0x5b3: {  	v29 =	vld [tilespmem:$0x1A2E0]  }
0x5b4: {  	[tilespmem:$0x1B580] =	vst v2  }
0x5b5: {  	v2 =	vld.idx.msk [tilespmem:v3+s4+$0x0], $0xffff;
	_ =	sdelay $0x3  }
0x5b6: {  	v3 =	vld [tilespmem:$0x1A2F0]  }
0x5b7: {  	[tilespmem:$0x1B590] =	vst v2  }
0x5b8: {  	v2 =	vld.idx.msk [tilespmem:v29+s4+$0x0], $0xffff;
	_ =	sdelay $0x3  }
0x5b9: {  	v30 =	vld [tilespmem:$0x1A300]  }
0x5ba: {  	[tilespmem:$0x1B5A0] =	vst v2  }
0x5bb: {  	v2 =	vld.idx.msk [tilespmem:v3+s4+$0x0], $0xffff;
	_ =	sdelay $0x3  }
0x5bc: {  	v3 =	vld [tilespmem:$0x1A310]  }
0x5bd: {  	[tilespmem:$0x1B5B0] =	vst v2  }
0x5be: {  	v2 =	vld.idx.msk [tilespmem:v30+s4+$0x0], $0xffff;
	_ =	sdelay $0x3  }
0x5bf: {  	v31 =	vld [tilespmem:$0x1A320]  }
0x5c0: {  	[tilespmem:$0x1B5C0] =	vst v2  }
0x5c1: {  	v2 =	vld.idx.msk [tilespmem:v3+s4+$0x0], $0xffff;
	_ =	sdelay $0x3  }
0x5c2: {  	v3 =	vld [tilespmem:$0x1A330]  }
0x5c3: {  	[tilespmem:$0x1B5D0] =	vst v2  }
0x5c4: {  	v2 =	vld.idx.msk [tilespmem:v31+s4+$0x0], $0xffff;
	_ =	sdelay $0x3  }
0x5c5: {  	v32 =	vld [tilespmem:$0x1A340]  }
0x5c6: {  	[tilespmem:$0x1B5E0] =	vst v2  }
0x5c7: {  	v2 =	vld.idx.msk [tilespmem:v3+s4+$0x0], $0xffff;
	_ =	sdelay $0x3  }
0x5c8: {  	v3 =	vld [tilespmem:$0x1A350]  }
0x5c9: {  	[tilespmem:$0x1B5F0] =	vst v2  }
0x5ca: {  	v2 =	vld.idx.msk [tilespmem:v32+s4+$0x0], $0xffff;
	_ =	sdelay $0x3  }
0x5cb: {  	v33 =	vld [tilespmem:$0x1A360]  }
0x5cc: {  	[tilespmem:$0x1B600] =	vst v2  }
0x5cd: {  	v2 =	vld.idx.msk [tilespmem:v3+s4+$0x0], $0xffff;
	_ =	sdelay $0x3  }
0x5ce: {  	v3 =	vld [tilespmem:$0x1A370]  }
0x5cf: {  	[tilespmem:$0x1B610] =	vst v2  }
0x5d0: {  	v2 =	vld.idx.msk [tilespmem:v33+s4+$0x0], $0xffff;
	_ =	sdelay $0x3  }
0x5d1: {  	v34 =	vld [tilespmem:$0x1A380]  }
0x5d2: {  	[tilespmem:$0x1B620] =	vst v2  }
0x5d3: {  	v2 =	vld.idx.msk [tilespmem:v3+s4+$0x0], $0xffff;
	_ =	sdelay $0x3  }
0x5d4: {  	v3 =	vld [tilespmem:$0x1A390]  }
0x5d5: {  	[tilespmem:$0x1B630] =	vst v2  }
0x5d6: {  	v2 =	vld.idx.msk [tilespmem:v34+s4+$0x0], $0xffff;
	_ =	sdelay $0x3  }
0x5d7: {  	v35 =	vld [tilespmem:$0x1A3A0]  }
0x5d8: {  	[tilespmem:$0x1B640] =	vst v2  }
0x5d9: {  	v2 =	vld.idx.msk [tilespmem:v3+s4+$0x0], $0xffff;
	_ =	sdelay $0x3  }
0x5da: {  	v3 =	vld [tilespmem:$0x1A3B0]  }
0x5db: {  	[tilespmem:$0x1B650] =	vst v2  }
0x5dc: {  	v2 =	vld.idx.msk [tilespmem:v35+s4+$0x0], $0xffff;
	_ =	sdelay $0x3  }
0x5dd: {  	v36 =	vld [tilespmem:$0x1A3C0]  }
0x5de: {  	[tilespmem:$0x1B660] =	vst v2  }
0x5df: {  	v2 =	vld.idx.msk [tilespmem:v3+s4+$0x0], $0xffff;
	_ =	sdelay $0x3  }
0x5e0: {  	v3 =	vld [tilespmem:$0x1A3D0]  }
0x5e1: {  	[tilespmem:$0x1B670] =	vst v2  }
0x5e2: {  	v2 =	vld.idx.msk [tilespmem:v36+s4+$0x0], $0xffff;
	_ =	sdelay $0x3  }
0x5e3: {  	v37 =	vld [tilespmem:$0x1A3E0]  }
0x5e4: {  	[tilespmem:$0x1B680] =	vst v2  }
0x5e5: {  	v2 =	vld.idx.msk [tilespmem:v3+s4+$0x0], $0xffff;
	_ =	sdelay $0x3  }
0x5e6: {  	v3 =	vld [tilespmem:$0x1A3F0]  }
0x5e7: {  	[tilespmem:$0x1B690] =	vst v2  }
0x5e8: {  	v2 =	vld.idx.msk [tilespmem:v37+s4+$0x0], $0xffff;
	_ =	sdelay $0x3  }
0x5e9: {  	v38 =	vld [tilespmem:$0x1A400]  }
0x5ea: {  	[tilespmem:$0x1B6A0] =	vst v2  }
0x5eb: {  	v2 =	vld.idx.msk [tilespmem:v3+s4+$0x0], $0xffff;
	_ =	sdelay $0x3  }
0x5ec: {  	v3 =	vld [tilespmem:$0x1A410]  }
0x5ed: {  	[tilespmem:$0x1B6B0] =	vst v2  }
0x5ee: {  	v2 =	vld.idx.msk [tilespmem:v38+s4+$0x0], $0xffff;
	_ =	sdelay $0x3  }
0x5ef: {  	v39 =	vld [tilespmem:$0x1A420]  }
0x5f0: {  	[tilespmem:$0x1B6C0] =	vst v2  }
0x5f1: {  	v2 =	vld.idx.msk [tilespmem:v3+s4+$0x0], $0xffff;
	_ =	sdelay $0x3  }
0x5f2: {  	v3 =	vld [tilespmem:$0x1A430]  }
0x5f3: {  	[tilespmem:$0x1B6D0] =	vst v2  }
0x5f4: {  	v2 =	vld.idx.msk [tilespmem:v39+s4+$0x0], $0xffff;
	_ =	sdelay $0x3  }
0x5f5: {  	v40 =	vld [tilespmem:$0x1A440]  }
0x5f6: {  	[tilespmem:$0x1B6E0] =	vst v2  }
0x5f7: {  	v2 =	vld.idx.msk [tilespmem:v3+s4+$0x0], $0xffff;
	_ =	sdelay $0x3  }
0x5f8: {  	v3 =	vld [tilespmem:$0x1A450]  }
0x5f9: {  	[tilespmem:$0x1B6F0] =	vst v2  }
0x5fa: {  	v2 =	vld.idx.msk [tilespmem:v40+s4+$0x0], $0xffff;
	_ =	sdelay $0x3  }
0x5fb: {  	v41 =	vld [tilespmem:$0x1A460]  }
0x5fc: {  	[tilespmem:$0x1B700] =	vst v2  }
0x5fd: {  	v2 =	vld.idx.msk [tilespmem:v3+s4+$0x0], $0xffff;
	_ =	sdelay $0x3  }
0x5fe: {  	v3 =	vld [tilespmem:$0x1A470]  }
0x5ff: {  	[tilespmem:$0x1B710] =	vst v2  }
0x600: {  	v2 =	vld.idx.msk [tilespmem:v41+s4+$0x0], $0xffff;
	_ =	sdelay $0x3  }
0x601: {  	v42 =	vld [tilespmem:$0x1A480]  }
0x602: {  	[tilespmem:$0x1B720] =	vst v2  }
0x603: {  	v2 =	vld.idx.msk [tilespmem:v3+s4+$0x0], $0xffff;
	_ =	sdelay $0x3  }
0x604: {  	v3 =	vld [tilespmem:$0x1A490]  }
0x605: {  	[tilespmem:$0x1B730] =	vst v2  }
0x606: {  	v2 =	vld.idx.msk [tilespmem:v42+s4+$0x0], $0xffff;
	_ =	sdelay $0x3  }
0x607: {  	v43 =	vld [tilespmem:$0x1A4A0]  }
0x608: {  	[tilespmem:$0x1B740] =	vst v2  }
0x609: {  	v2 =	vld.idx.msk [tilespmem:v3+s4+$0x0], $0xffff;
	_ =	sdelay $0x3  }
0x60a: {  	v3 =	vld [tilespmem:$0x1A4B0]  }
0x60b: {  	[tilespmem:$0x1B750] =	vst v2  }
0x60c: {  	v2 =	vld.idx.msk [tilespmem:v43+s4+$0x0], $0xffff;
	_ =	sdelay $0x3  }
0x60d: {  	v44 =	vld [tilespmem:$0x1A4C0]  }
0x60e: {  	[tilespmem:$0x1B760] =	vst v2  }
0x60f: {  	v2 =	vld.idx.msk [tilespmem:v3+s4+$0x0], $0xffff;
	_ =	sdelay $0x3  }
0x610: {  	v3 =	vld [tilespmem:$0x1A4D0]  }
0x611: {  	[tilespmem:$0x1B770] =	vst v2  }
0x612: {  	v2 =	vld.idx.msk [tilespmem:v44+s4+$0x0], $0xffff;
	_ =	sdelay $0x3  }
0x613: {  	v45 =	vld [tilespmem:$0x1A4E0]  }
0x614: {  	[tilespmem:$0x1B780] =	vst v2  }
0x615: {  	v2 =	vld.idx.msk [tilespmem:v3+s4+$0x0], $0xffff;
	_ =	sdelay $0x3  }
0x616: {  	v3 =	vld [tilespmem:$0x1A4F0]  }
0x617: {  	[tilespmem:$0x1B790] =	vst v2  }
0x618: {  	v2 =	vld.idx.msk [tilespmem:v45+s4+$0x0], $0xffff;
	_ =	sdelay $0x3  }
0x619: {  	v46 =	vld [tilespmem:$0x1A500]  }
0x61a: {  	[tilespmem:$0x1B7A0] =	vst v2  }
0x61b: {  	v2 =	vld.idx.msk [tilespmem:v3+s4+$0x0], $0xffff;
	_ =	sdelay $0x3  }
0x61c: {  	v3 =	vld [tilespmem:$0x1A510]  }
0x61d: {  	[tilespmem:$0x1B7B0] =	vst v2  }
0x61e: {  	v2 =	vld.idx.msk [tilespmem:v46+s4+$0x0], $0xffff;
	_ =	sdelay $0x3  }
0x61f: {  	v47 =	vld [tilespmem:$0x1A520]  }
0x620: {  	[tilespmem:$0x1B7C0] =	vst v2  }
0x621: {  	v2 =	vld.idx.msk [tilespmem:v3+s4+$0x0], $0xffff;
	_ =	sdelay $0x3  }
0x622: {  	v3 =	vld [tilespmem:$0x1A530]  }
0x623: {  	[tilespmem:$0x1B7D0] =	vst v2  }
0x624: {  	v2 =	vld.idx.msk [tilespmem:v47+s4+$0x0], $0xffff;
	_ =	sdelay $0x3  }
0x625: {  	v48 =	vld [tilespmem:$0x1A540]  }
0x626: {  	[tilespmem:$0x1B7E0] =	vst v2  }
0x627: {  	v2 =	vld.idx.msk [tilespmem:v3+s4+$0x0], $0xffff;
	_ =	sdelay $0x3  }
0x628: {  	v3 =	vld [tilespmem:$0x1A550]  }
0x629: {  	[tilespmem:$0x1B7F0] =	vst v2  }
0x62a: {  	v2 =	vld.idx.msk [tilespmem:v48+s4+$0x0], $0xffff;
	_ =	sdelay $0x3  }
0x62b: {  	v49 =	vld [tilespmem:$0x1A560]  }
0x62c: {  	[tilespmem:$0x1B800] =	vst v2  }
0x62d: {  	v2 =	vld.idx.msk [tilespmem:v3+s4+$0x0], $0xffff;
	_ =	sdelay $0x3  }
0x62e: {  	v3 =	vld [tilespmem:$0x1A570]  }
0x62f: {  	[tilespmem:$0x1B810] =	vst v2  }
0x630: {  	v2 =	vld.idx.msk [tilespmem:v49+s4+$0x0], $0xffff;
	_ =	sdelay $0x3  }
0x631: {  	v50 =	vld [tilespmem:$0x1A580]  }
0x632: {  	[tilespmem:$0x1B820] =	vst v2  }
0x633: {  	v2 =	vld.idx.msk [tilespmem:v3+s4+$0x0], $0xffff;
	_ =	sdelay $0x3  }
0x634: {  	v3 =	vld [tilespmem:$0x1A590]  }
0x635: {  	[tilespmem:$0x1B830] =	vst v2  }
0x636: {  	v2 =	vld.idx.msk [tilespmem:v50+s4+$0x0], $0xffff;
	_ =	sdelay $0x3  }
0x637: {  	v51 =	vld [tilespmem:$0x1A5A0]  }
0x638: {  	[tilespmem:$0x1B840] =	vst v2  }
0x639: {  	v2 =	vld.idx.msk [tilespmem:v3+s4+$0x0], $0xffff;
	_ =	sdelay $0x3  }
0x63a: {  	v3 =	vld [tilespmem:$0x1A5B0]  }
0x63b: {  	[tilespmem:$0x1B850] =	vst v2  }
0x63c: {  	v2 =	vld.idx.msk [tilespmem:v51+s4+$0x0], $0xffff;
	_ =	sdelay $0x3  }
0x63d: {  	v52 =	vld [tilespmem:$0x1A5C0]  }
0x63e: {  	[tilespmem:$0x1B860] =	vst v2  }
0x63f: {  	v2 =	vld.idx.msk [tilespmem:v3+s4+$0x0], $0xffff;
	_ =	sdelay $0x3  }
0x640: {  	v3 =	vld [tilespmem:$0x1A5D0]  }
0x641: {  	[tilespmem:$0x1B870] =	vst v2  }
0x642: {  	v2 =	vld.idx.msk [tilespmem:v52+s4+$0x0], $0xffff;
	_ =	sdelay $0x3  }
0x643: {  	v53 =	vld [tilespmem:$0x1A5E0]  }
0x644: {  	[tilespmem:$0x1B880] =	vst v2  }
0x645: {  	v2 =	vld.idx.msk [tilespmem:v3+s4+$0x0], $0xffff;
	_ =	sdelay $0x3  }
0x646: {  	v3 =	vld [tilespmem:$0x1A5F0]  }
0x647: {  	[tilespmem:$0x1B890] =	vst v2  }
0x648: {  	v2 =	vld.idx.msk [tilespmem:v53+s4+$0x0], $0xffff;
	_ =	sdelay $0x3  }
0x649: {  	v54 =	vld [tilespmem:$0x1A600]  }
0x64a: {  	[tilespmem:$0x1B8A0] =	vst v2  }
0x64b: {  	v2 =	vld.idx.msk [tilespmem:v3+s4+$0x0], $0xffff;
	_ =	sdelay $0x3  }
0x64c: {  	v3 =	vld [tilespmem:$0x1A610]  }
0x64d: {  	[tilespmem:$0x1B8B0] =	vst v2  }
0x64e: {  	v2 =	vld.idx.msk [tilespmem:v54+s4+$0x0], $0xffff;
	_ =	sdelay $0x3  }
0x64f: {  	v55 =	vld [tilespmem:$0x1A620]  }
0x650: {  	[tilespmem:$0x1B8C0] =	vst v2  }
0x651: {  	v2 =	vld.idx.msk [tilespmem:v3+s4+$0x0], $0xffff;
	_ =	sdelay $0x3  }
0x652: {  	v3 =	vld [tilespmem:$0x1A630]  }
0x653: {  	[tilespmem:$0x1B8D0] =	vst v2  }
0x654: {  	v2 =	vld.idx.msk [tilespmem:v55+s4+$0x0], $0xffff;
	_ =	sdelay $0x3  }
0x655: {  	v56 =	vld [tilespmem:$0x1A640]  }
0x656: {  	[tilespmem:$0x1B8E0] =	vst v2  }
0x657: {  	v2 =	vld.idx.msk [tilespmem:v3+s4+$0x0], $0xffff;
	_ =	sdelay $0x3  }
0x658: {  	v3 =	vld [tilespmem:$0x1A650]  }
0x659: {  	[tilespmem:$0x1B8F0] =	vst v2  }
0x65a: {  	v2 =	vld.idx.msk [tilespmem:v56+s4+$0x0], $0xffff;
	_ =	sdelay $0x3  }
0x65b: {  	v57 =	vld [tilespmem:$0x1A660]  }
0x65c: {  	[tilespmem:$0x1B900] =	vst v2  }
0x65d: {  	v2 =	vld.idx.msk [tilespmem:v3+s4+$0x0], $0xffff;
	_ =	sdelay $0x3  }
0x65e: {  	v3 =	vld [tilespmem:$0x1A670]  }
0x65f: {  	[tilespmem:$0x1B910] =	vst v2  }
0x660: {  	v2 =	vld.idx.msk [tilespmem:v57+s4+$0x0], $0xffff;
	_ =	sdelay $0x3  }
0x661: {  	v58 =	vld [tilespmem:$0x1A680]  }
0x662: {  	[tilespmem:$0x1B920] =	vst v2  }
0x663: {  	v2 =	vld.idx.msk [tilespmem:v3+s4+$0x0], $0xffff;
	_ =	sdelay $0x3  }
0x664: {  	v3 =	vld [tilespmem:$0x1A690]  }
0x665: {  	[tilespmem:$0x1B930] =	vst v2  }
0x666: {  	v2 =	vld.idx.msk [tilespmem:v58+s4+$0x0], $0xffff;
	_ =	sdelay $0x3  }
0x667: {  	v59 =	vld [tilespmem:$0x1A6A0]  }
0x668: {  	[tilespmem:$0x1B940] =	vst v2  }
0x669: {  	v2 =	vld.idx.msk [tilespmem:v3+s4+$0x0], $0xffff;
	_ =	sdelay $0x3  }
0x66a: {  	v3 =	vld [tilespmem:$0x1A6B0]  }
0x66b: {  	[tilespmem:$0x1B950] =	vst v2  }
0x66c: {  	v2 =	vld.idx.msk [tilespmem:v59+s4+$0x0], $0xffff;
	_ =	sdelay $0x3  }
0x66d: {  	v60 =	vld [tilespmem:$0x1A6C0]  }
0x66e: {  	[tilespmem:$0x1B960] =	vst v2  }
0x66f: {  	v2 =	vld.idx.msk [tilespmem:v3+s4+$0x0], $0xffff;
	_ =	sdelay $0x3  }
0x670: {  	v3 =	vld [tilespmem:$0x1A6D0]  }
0x671: {  	[tilespmem:$0x1B970] =	vst v2  }
0x672: {  	v2 =	vld.idx.msk [tilespmem:v60+s4+$0x0], $0xffff;
	_ =	sdelay $0x3  }
0x673: {  	v61 =	vld [tilespmem:$0x1A6E0]  }
0x674: {  	[tilespmem:$0x1B980] =	vst v2  }
0x675: {  	v2 =	vld.idx.msk [tilespmem:v3+s4+$0x0], $0xffff;
	_ =	sdelay $0x3  }
0x676: {  	v3 =	vld [tilespmem:$0x1A6F0]  }
0x677: {  	[tilespmem:$0x1B990] =	vst v2  }
0x678: {  	v2 =	vld.idx.msk [tilespmem:v61+s4+$0x0], $0xffff;
	_ =	sdelay $0x3  }
0x679: {  	v62 =	vld [tilespmem:$0x1A700]  }
0x67a: {  	[tilespmem:$0x1B9A0] =	vst v2  }
0x67b: {  	v2 =	vld.idx.msk [tilespmem:v3+s4+$0x0], $0xffff;
	_ =	sdelay $0x3  }
0x67c: {  	v3 =	vld [tilespmem:$0x1A710]  }
0x67d: {  	[tilespmem:$0x1B9B0] =	vst v2  }
0x67e: {  	v2 =	vld.idx.msk [tilespmem:v62+s4+$0x0], $0xffff;
	_ =	sdelay $0x3  }
0x67f: {  	v63 =	vld [tilespmem:$0x1A720]  }
0x680: {  	[tilespmem:$0x1B9C0] =	vst v2  }
0x681: {  	v2 =	vld.idx.msk [tilespmem:v3+s4+$0x0], $0xffff;
	_ =	sdelay $0x3  }
0x682: {  	v3 =	vld [tilespmem:$0x1A730]  }
0x683: {  	[tilespmem:$0x1B9D0] =	vst v2  }
0x684: {  	v2 =	vld.idx.msk [tilespmem:v63+s4+$0x0], $0xffff;
	_ =	sdelay $0x4  }
0x685: {  	[tilespmem:$0x1B9E0] =	vst v2  }
0x686: {  	v2 =	vld.idx.msk [tilespmem:v3+s4+$0x0], $0xffff;
	_ =	sdelay $0x4  }
0x687: {  	[tilespmem:$0x1B9F0] =	vst v2  }
0x688: {  	_ =	swait.ge [sflag:s11], $0x640  }
0x689: {  	[sflag:s11] =	ssyncset.done $0x0  }
0x68a: {  	[sflag:s11] =	ssyncadd.s32 $0xFFFFF9C0  }
0x68b: {  	_ =	swait.ge [sflag:s12], $0x640  }
0x68c: {  	[sflag:s12] =	ssyncset.done $0x0  }
0x68d: {  	[sflag:s12] =	ssyncadd.s32 $0xFFFFF9C0  }
0x68e: {  	[spmem:s2] =	stream.indirect.scatter.add.f32 [tilespmem:s13], [sflag:$0x8], $0x1, s28, s1, $0xb8;
	[tilespmem:$0x1F780] =	vst v63  }
0x68f: {  	_ = 	snop  }
0x690: {  	[spmem:s3] =	stream.indirect.scatter.add.f32 [tilespmem:s6], [sflag:$0xB], $0x1, s28, s1, $0xb8;
	[tilespmem:$0x1F780] =	vst v63  }
0x691: {  	_ =	swait.ge [sflag:s17], $0x640  }
0x692: {  	[sflag:s17] =	ssyncset.done $0x0  }
0x693: {  	[sflag:s17] =	ssyncadd.s32 $0xFFFFF9C0  }
0x694: {  	_ =	swait.ge [sflag:s18], $0x640  }
0x695: {  	[sflag:s18] =	ssyncset.done $0x0  }
0x696: {  	s15 =	stileid.u32;
	[sflag:s18] =	ssyncadd.s32 $0xFFFFF9C0  }
0x697: {  	s7 =	sshll.u32 s15, $0x6;
	[bflag:$0x0] =	sbarrier.arrive $0xFFFF  }
0x698: {  	s15 =	sshrl.u32 s8, $0x3;
	s7 =	sor.u32 $0x1C0D, s7;
	s19 =	rddreg [dreg:$0x17]  }
0x699: {  	[hbm:s19], [sflag:s7] =	dma.local [spmem:s15], $0x310  }
0x69a: {  	_ =	swait.ge [sflag:s23], $0x310  }
0x69b: {  	s20 =	smov.u32 s8;
	[sflag:s23] =	ssyncset.done $0x0;
	s22 =	rddreg [dreg:$0xc]  }
0x69c: {  	s19 =	rddreg [dreg:$0x18];
	[sflag:s23] =	ssyncadd.s32 $0xFFFFFCF0;
	s8 =	sshrl.u32 s22, $0x3  }
0x69d: {  	[hbm:s19], [sflag:s7] =	dma.local [spmem:s8], $0x310  }
0x69e: {  	_ =	swait.ge [sflag:s23], $0x310  }
0x69f: {  	s21 =	sadd.s32 $0x1, s21;
	s22 =	rddreg [dreg:$0x19]  }
0x6a0: {  	p0 =	sne.s32 s21, s22  }
.Ltmp2:
0x6a1: {  	_ = 	snop;
	(pc) =	sbr.rel @p0 .LBB2_1-.Ltmp2, $3  }
0x6a2: {  	_ =	sdelay $0x1  }
0x6a3: {  	[sflag:s23] =	ssyncset.done $0x0  }
0x6a4: {  	[sflag:s23] =	ssyncadd.s32 $0xFFFFFCF0  }
0x6a5: {  	_ =	sfence.sel $0x180000  }
0x6a6: {  	[bflag:$0x0] =	sbarrier.arrive $0xFFFF  }
0x6a7: {  	_ =	strace $0x9000004A  }
0x6a8: {  	s0 =	stileid.u32;
	[bflag:$0x2] =	sbarrier.arrive $0xFFFF  }
0x6a9: {  	p0 =	sne.s32 s0, $0x0;
	s0 =	rddreg [dreg:$0x3]  }
0x6aa: {  	s0 =	sadd.s32 @!p0 $0x100000, s0  }
0x6ab: {  	[sflag:s0] =	ssyncadd.tile.s32 @!p0 $0x1;
	_ =	shalt  }
.Lfunc_end2:
_tile_overlayer_lowered:
.L_overlay_start_2:
0x6ac: {  	(tag) =	ssettag $0x2  }
0x6ad: {  	s0 =	rddreg [dreg:$0x0];
	s2 =	stileid.u32  }
0x6ae: {  	s1 =	rddreg [dreg:$0x1];
	p0 =	sne.s32 s2, $0x0  }
0x6af: {  	s3 =	rddreg [dreg:$0x2];
	[bflag:$0x3] =	sbarrier.arrive $0xFFFF;
	s2 =	simm.s32 @!p0 $0x1C0D  }
0x6b0: {  	[timem:s3], [sflag:s2] =	dma.local @!p0 [hbm:s0], s1  }
0x6b1: {  	s0 =	simm.s32 @!p0 $0xD  }
0x6b2: {  	_ =	swait.ge @!p0 [sflag:s0], s1  }
0x6b3: {  	s1 =	ssub.s32 @!p0 $0x0, s1;
	[sflag:s0] =	ssyncset.done @!p0 $0x0  }
0x6b4: {  	[sflag:s0] =	ssyncadd.s32 @!p0 s1  }
0x6b5: {  	[bflag:$0x3] =	sbarrier.arrive $0xFFFF  }
0x6b6: {  	_ =	shalt  }

// kernel: sparse-core-data-format-call.cloned.1.call-start
scs
called_computation_lowered:
.L_overlay_start_0:
0x0: {  	s2 =	sld [smem:$0x3FD9]  }
0x1: {  	s3 =	sld [smem:$0x3FFE];
	_ =	sdelay $0x1  }
0x2: {  	s1 =	srdreg.scid  }
0x3: {  	s0 =	sand.u32 $0x1, s1  }
0x4: {  	s18 =	sshll.u32 s0, $0xA;
	s2 =	sadd.s32 s3, s2  }
0x5: {  	s2 =	sadd.s32 s2, s18  }
0x6: {  	[smem:$0x3FC6] =	sst s2  }
0x7: {  	_ = 	snop  }
0x8: {  	s2 =	sld [smem:$0x3FC8];
	(tm) =	ssettm $0x1  }
0x9: {  	s19 =	sld [smem:$0x3FFB];
	_ =	sdelay $0x3  }
0xa: {  	_ =	strace s19  }
0xb: {  	s3 =	sld [smem:$0x3FFC];
	_ =	sdelay $0x3  }
0xc: {  	_ =	strace s3  }
0xd: {  	s3 =	sld [smem:$0x3FFD];
	_ =	sdelay $0x3  }
0xe: {  	_ =	strace s3  }
0xf: {  	_ =	strace $0x8FFFFFFF  }
0x10: {  	s20 =	sld [smem:$0x3FDB];
	_ =	sdelay $0x1  }
0x11: {  	s4 =	simm.s32 $_scs_section_size  }
0x12: {  	s5 =	simm.s32 $_size__tile_overlayer_lowered;
	s6 =	simm.s32 $_tile_overlayer_lowered  }
0x13: {  	s23 =	simm.s32 $0x1BFF;
	s22 =	sshll.u32 s6, $0x1;
	s3 =	sadd.s32 s4, s20  }
0x14: {  	s7 =	simm.s32 $0x0;
	s21 =	sshll.u32 s5, $0x1;
	s5 =	sadd.s32 s22, s3  }
0x15: {  	[timem:s7], [sflag:s23] =	dma.local [hbm:s5], s21  }
0x16: {  	_ =	swait.ge [sflag:s23], s21  }
0x17: {  	s4 =	ssub.s32 $0x0, s21;
	[sflag:s23] =	ssyncset.done $0x0  }
0x18: {  	[sflag:s23] =	ssyncadd.s32 s4;
	_ =	sdelay $0x1  }
0x19: {  	s24 =	simm.s32 $0x1B8B  }
0x1a: {  	_ =	swait.ge [sflag:s24], $0x1  }
0x1b: {  	[sflag:s24] =	ssyncset.done $0x0  }
0x1c: {  	s26 =	simm.s32 $0x1B8E;
	s25 =	sld [smem:$0x3FFE];
	[sflag:s24] =	ssyncadd.s32 $0xFFFFFFFF  }
0x1d: {  	s27 =	simm.s32 $execute0_lowered;
	[smem:$0x3FD2] =	sst s26  }
0x1e: {  	s5 =	sshll.u32 s27, $0x1;
	_ =	strace $0x80000046;
	[dreg:$0x1] =	wrdreg $0xFFFFFFFF  }
0x1f: {  	s28 =	simm.s32 $_size_execute0_lowered;
	s3 =	sadd.s32 s3, s5;
	[dreg:$0x0] =	wrdreg $0x0  }
0x20: {  	s5 =	sshll.u32 s28, $0x1;
	[dreg:$0x2] =	wrdreg s3  }
0x21: {  	[dreg:$0x3] =	wrdreg s5  }
0x22: {  	[dreg:$0x4] =	wrdreg $0xC0  }
0x23: {  	_ =	task [dreg:s7], $0x5FFFF  }
0x24: {  	[dreg:$0x1] =	wrdreg $0xFFFFFFFF  }
0x25: {  	[dreg:$0x0] =	wrdreg $0x60  }
0x26: {  	[dreg:$0x2] =	wrdreg s2  }
0x27: {  	[dreg:$0x3] =	wrdreg s25  }
0x28: {  	[dreg:$0x4] =	wrdreg $0x9  }
0x29: {  	_ =	task.clear_ibuf [dreg:s7], $0x5FFFF;
	_ =	strace $0x90000046  }
0x2a: {  	s29 =	simm.s32 $0x9;
	_ =	strace $0x80000048  }
0x2b: {  	_ =	swait.ge [sflag:s29], $0x1  }
0x2c: {  	[sflag:s29] =	ssyncadd.s32 $0xFFFFFFFF  }
0x2d: {  	_ =	strace $0x90000048  }
0x2e: {  	_ =	sfence  }
0x2f: {  	s30 =	sld [smem:$0x0];
	_ =	sdelay $0x2  }
0x30: {  	s31 =	sshll.u32 s1, $0xD;
	s1 =	sshrl.u32 s1, $0x2  }
0x31: {  	s3 =	sand.u32 $0x4000, s31;
	s1 =	sadd.s32 s1, s30  }
0x32: {  	s0 =	sor.u32 s3, s0;
	s1 =	sshll.u32 s1, $0x11  }
0x33: {  	s0 =	sor.u32 s1, s0  }
0x34: {  	s0 =	sadd.s32 $0x8F2B, s0  }
0x35: {  	[sflag:s0] =	ssyncadd.remote.s32 $0x1  }
0x36: {  	_ =	sfence.sel $0xFFFF  }
0x37: {  	[dreg:$0x0] =	wrdreg $0xFFFFFFFF;
	(pc) =	sbr.abs _section_cstart, $3  }
0x38: {  	[dreg:$0x1] =	wrdreg $0xFFFFFFFF  }
0x39: {  	_ =	task.clear_ibuf [dreg:s7], $0x2FFFF;
	_ =	strace $0x9FFFFFFF  }
0x3a: {  	(tm) =	ssettm $0x7FFFFFFF  }
0x3b: {  	_ =	shalt  }
tec
execute0_lowered:
.L_overlay_start_1:
0x0: {  	(tag) =	ssettag $0x1  }
0x1: {  	s0 =	stileid.u32;
	s7 =	rddreg [dreg:$0x0]  }
0x2: {  	s1 =	srdreg.scid;
	s4 =	rddreg [dreg:$0x1]  }
0x3: {  	s30 =	simm.s32 $0x2;
	s10 =	simm.s32 $0x0;
	s14 =	simm.s32 $0x0  }
0x4: {  	s15 =	simm.s32 $0x0;
	s11 =	simm.s32 $0x0;
	s13 =	simm.s32 $0x0  }
0x5: {  	s2 =	sand.u32 $0x1, s1;
	s3 =	sshll.u32 s0, $0x7;
	s1 =	rddreg [dreg:$0x2]  }
0x6: {  	_ =	strace $0x80000047;
	s5 =	ssub.s32 $0xC300, s3;
	s6 =	ssub.s32 $0x2, s2  }
.Ltmp0:
0x7: {  	s5 =	sshrl.u32 s5, $0xB;
	s8 =	sshrl.u32 s6, $0x1;
	(pc) =	sbr.rel .LBB1_1-.Ltmp0, $4  }
0x8: {  	s4 =	sadd.s32 $0x1000, s4;
	s9 =	sadd.s32 $0x1, s5;
	s6 =	ssub.s32 s6, s8  }
0x9: {  	s31 =	sshll.u32 s2, $0x4;
	s5 =	simm.s32 $0x1;
	s6 =	smul.u32 s9, s6  }
0xa: {  	s12 =	smov.u32 s3;
	s7 =	sadd.s32 s7, s31;
	[sflag:s5] =	ssyncpa.u1 $0x0  }
0xb: {  	s9 =	simm.s32 $0x0;
	[sflag:s30] =	ssyncpa.u1 $0x0;
	s8 =	sadd.s32 $0x1, s6  }
.LBB1_4:
0xc: {  	s21 =	simm.s32 $0x0  }
.LBB1_8:
0xd: {  	_ =	sdelay $0x3  }
0xe: {  	v6 =	vld [tilespmem:s18+$0xFFFFFFC0];
	[tilespmem:v0+s20+$0x30 ss:$0x1] =	vst.idx.msk @p0 $0xffff, v2  }
0xf: {  	v58 =	vld [tilespmem:s18+$0xFFFFFFD0];
	[tilespmem:v0+s20+$0x40 ss:$0x1] =	vst.idx.msk @p0 $0xffff, v3;
	s21 =	sadd.s32 @p0 $0x80, s21  }
0x10: {  	v59 =	vld [tilespmem:s18+$0xFFFFFFE0];
	[tilespmem:v0+s20+$0x50 ss:$0x1] =	vst.idx.msk @p0 $0xffff, v5;
	s19 =	smov.u32 @p0 s21  }
0x11: {  	v60 =	vld [tilespmem:s18+$0xFFFFFFF0];
	[tilespmem:v0+s20+$0x60 ss:$0x1] =	vst.idx.msk @p0 $0xffff, v4;
	s19 =	sand.u32 $0x3F80, s19  }
0x12: {  	v61 =	vld [tilespmem:s18+$0x0];
	[tilespmem:v0+s19+$0x70 ss:$0x1] =	vst.idx.msk $0xffff, v1  }
0x13: {  	v62 =	vld [tilespmem:s18+$0x10];
	[tilespmem:v0+s19+$0x0 ss:$0x1] =	vst.idx.msk $0xffff, v6  }
0x14: {  	v63 =	vld [tilespmem:s18+$0x20];
	[tilespmem:v0+s19+$0x10 ss:$0x1] =	vst.idx.msk $0xffff, v58  }
0x15: {  	[tilespmem:v0+s19+$0x20 ss:$0x1] =	vst.idx.msk $0xffff, v59  }
0x16: {  	[tilespmem:v0+s19+$0x30 ss:$0x1] =	vst.idx.msk $0xffff, v60  }
0x17: {  	[tilespmem:v0+s19+$0x40 ss:$0x1] =	vst.idx.msk $0xffff, v61  }
0x18: {  	[tilespmem:v0+s19+$0x50 ss:$0x1] =	vst.idx.msk $0xffff, v62  }
0x19: {  	[tilespmem:v0+s19+$0x60 ss:$0x1] =	vst.idx.msk $0xffff, v63  }
.LBB1_9:
0x1a: {  	s18 =	sand.u32 $0x1FFFFFF, s11  }
0x1b: {  	s19 =	smulhi.u32 $0x14F8B59, s18;
	_ =	sdelay $0x1  }
0x1c: {  	s19 =	sshrl.u32 s19, $0x8  }
0x1d: {  	s19 =	smul.u32 $0xC350, s19  }
0x1e: {  	s15 =	smul.u32 $0xC3500, s15  }
0x1f: {  	s18 =	ssub.s32 s18, s19  }
0x20: {  	s15 =	sadd.s32 s4, s15;
	s18 =	sshll.u32 s18, $0x4  }
0x21: {  	s15 =	sadd.s32 s18, s15  }
0x22: {  	[hbm4b:s15+s9] =	stream.linear.scatter [tilespmem:s17], [sflag:$0x2], s16, $0x38;
	[tilespmem:$0x10000] =	vst v63  }
.LBB1_10:
0x23: {  	p0 =	slt.u32 s13, $0x2  }
0x24: {  	p1 =	sgt.s32 @!p0 s14, $0xC2D0  }
0x25: {  	s15 =	smov.u32 s14;
	s16 =	sshra.s32 @!p0 s14, $0x1F;
	p1 =	por !p1, p0  }
0x26: {  	s14 =	sand.u32 @!p0 s16, s14;
	s15 =	simm.s32 @p1 $0xC2D0  }
0x27: {  	s14 =	ssub.s32 @!p0 s15, s14  }
0x28: {  	s14 =	sadd.s32 @!p0 $0xFFFF3D30, s14  }
0x29: {  	s15 =	sshll.u32 @!p0 s14, $0x7  }
0x2a: {  	p1 =	sgt.s32 @!p0 s14, $0x7F;
	s14 =	ssub.s32 @!p0 $0x4000, s15  }
0x2b: {  	s16 =	sadd.s32 $0x800, s12;
	p1 =	por !p1, p0;
	s14 =	sand.u32 @!p0 $0x3FFFFF80, s14  }
0x2c: {  	s14 =	simm.s32 @!p1 $0x0;
	p1 =	sgt.s32 s16, $0xC34F  }
0x2d: {  	s16 =	smov.u32 @p1 s3;
	p1 =	sne.s32 s13, s8  }
.Ltmp1:
0x2e: {  	_ = 	snop;
	(pc) =	sbr.rel @!p1 .LBB1_11-.Ltmp1, $4  }
0x2f: {  	s10 =	sadd.s32 $0x4000, s10;
	s15 =	simm.s32 @!p0 $0x2  }
0x30: {  	_ =	swait.ge @!p0 [sflag:s15], s14;
	s17 =	ssub.s32 @!p0 $0x0, s14;
	s14 =	smov.u32 s11  }
0x31: {  	s13 =	sadd.s32 $0x1, s13;
	s11 =	smov.u32 s12;
	[sflag:s15] =	ssyncset.done @!p0 $0x0  }
0x32: {  	s12 =	smov.u32 s16;
	[sflag:s15] =	ssyncadd.s32 @!p0 s17;
	s15 =	smov.u32 s2  }
.LBB1_1:
0x33: {  	p0 =	sge.u32 s13, s6  }
0x34: {  	p1 =	sgt.s32 @!p0 s12, $0xC2D0  }
0x35: {  	s16 =	smov.u32 s12;
	s17 =	sshra.s32 @!p0 s12, $0x1F;
	p1 =	por !p1, p0  }
0x36: {  	s17 =	sand.u32 @!p0 s17, s12;
	s16 =	simm.s32 @p1 $0xC2D0  }
0x37: {  	s16 =	ssub.s32 @!p0 s16, s17  }
0x38: {  	s31 =	sadd.s32 $0xFFFFFFFF, s13;
	s18 =	sxor.u32 @!p0 $0xFFFFFFFF, s13;
	s16 =	sadd.s32 @!p0 $0xFFFF3D30, s16  }
0x39: {  	s19 =	simm.s32 @!p0 $0x80;
	s20 =	simm.s32 @!p0 $0x100;
	s17 =	sshll.u32 @!p0 s16, $0x7  }
0x3a: {  	p1 =	sgt.s32 @!p0 s16, $0x7F;
	s16 =	ssub.s32 @!p0 $0x4000, s17;
	s17 =	sshll.u32 @!p0 s18, $0xE  }
0x3b: {  	p1 =	por !p1, p0;
	s18 =	sshll.u32 @!p0 s12, $0x5;
	s16 =	sand.u32 @!p0 $0x3FFFFF80, s16  }
0x3c: {  	s17 =	sand.u32 @!p0 $0x4000, s17;
	s18 =	sadd.s32 @!p0 s18, s7;
	s16 =	simm.s32 @!p1 $0x0  }
0x3d: {  	[tilespmem:s17], [sflag:$0x1] =	stream.strided.gather @!p0 [hbm4b:s18+s19], s16, s20, s19, $0x38;
	[tilespmem:$0x10000] =	vst v63  }
0x3e: {  	p0 =	sge.u32 s31, s6  }
.Ltmp2:
0x3f: {  	_ = 	snop;
	(pc) =	sbr.rel @p0 .LBB1_10-.Ltmp2, $1  }
0x40: {  	_ =	sdelay $0x3  }
0x41: {  	p0 =	sgt.s32 s11, $0xC2D0;
	s16 =	smov.u32 s11;
	s17 =	sshra.s32 s11, $0x1F  }
0x42: {  	s16 =	simm.s32 @!p0 $0xC2D0;
	s17 =	sand.u32 s17, s11  }
0x43: {  	s16 =	ssub.s32 s16, s17  }
0x44: {  	s16 =	sadd.s32 $0xFFFF3D30, s16  }
0x45: {  	s30 =	sshll.u32 s16, $0x7  }
0x46: {  	s17 =	ssub.s32 $0x4000, s30  }
0x47: {  	p0 =	sgt.s32 s16, $0x7F;
	s16 =	sand.u32 $0x3FFFFF80, s17;
	s17 =	sadd.s32 $0x80, s11  }
0x48: {  	s16 =	simm.s32 @p0 $0x0;
	p0 =	slt.s32 s17, $0xC350  }
0x49: {  	s17 =	simm.s32 @!p0 $0xC350  }
0x4a: {  	s20 =	ssub.s32 s17, s11  }
0x4b: {  	p0 =	slt.s32 s20, $0x1  }
.Ltmp3:
0x4c: {  	_ = 	snop;
	(pc) =	sbr.rel @p0 .LBB1_9-.Ltmp3, $4  }
0x4d: {  	_ = 	snop  }
0x4e: {  	s19 =	sshll.u32 s13, $0xE;
	_ =	swait.ge [sflag:s5], s16  }
0x4f: {  	s31 =	sand.u32 $0x4000, s19;
	s18 =	ssub.s32 $0x0, s16;
	[sflag:s5] =	ssyncset.done $0x0  }
0x50: {  	s17 =	sor.u32 $0x8000, s31;
	[sflag:s5] =	ssyncadd.s32 s18  }
0x51: {  	p1 =	sne.s32 s20, $0x1  }
.Ltmp4:
0x52: {  	v0 =	vmov s17;
	(pc) =	sbr.rel @!p1 .LBB1_4-.Ltmp4, $4  }
0x53: {  	_ = 	snop  }
0x54: {  	s18 =	sand.u32 $0x4000, s10  }
0x55: {  	s18 =	sor.u32 $0x40, s18  }
0x56: {  	s19 =	simm.s32 $0x0;
	s21 =	sadd.s32 $0xFFFFFFFF, s20;
	p0 =	por $0x0, $0x0;
	v1 =	vld [tilespmem:s18+$0x30]  }
0x57: {  	v4 =	vld [tilespmem:s18+$0xFFFFFFC0]  }
0x58: {  	v6 =	vld [tilespmem:s18+$0xFFFFFFD0]  }
0x59: {  	v7 =	vld [tilespmem:s18+$0xFFFFFFE0];
	p1 =	sne.s32 s21, $0x1  }
.Ltmp5:
0x5a: {  	v2 =	vld [tilespmem:s18+$0xFFFFFFF0];
	s20 =	sand.u32 $0x3F80, s19;
	(pc) =	sbr.rel @!p1 .LBB1_6-.Ltmp5, $4  }
0x5b: {  	v3 =	vld [tilespmem:s18+$0x0];
	[tilespmem:v0+s20+$0x70 ss:$0x1] =	vst.idx.msk $0xffff, v1  }
0x5c: {  	v5 =	vld [tilespmem:s18+$0x10];
	[tilespmem:v0+s20+$0x0 ss:$0x1] =	vst.idx.msk $0xffff, v4  }
0x5d: {  	v4 =	vld [tilespmem:s18+$0x20];
	[tilespmem:v0+s20+$0x10 ss:$0x1] =	vst.idx.msk $0xffff, v6;
	s18 =	sadd.s32 $0x80, s18  }
0x5e: {  	s22 =	sadd.s32 $0xFFFFFFFF, s21;
	p0 =	por $0x1, $0x1;
	s21 =	simm.s32 $0x0;
	[tilespmem:v0+s20+$0x20 ss:$0x1] =	vst.idx.msk $0xffff, v7;
	v1 =	vld [tilespmem:s18+$0x30]  }
.LBB1_7:
0x5f: {  	p1 =	sne.s32 s22, $0x1;
	v6 =	vld [tilespmem:s18+$0xFFFFFFC0];
	[tilespmem:v0+s20+$0x30 ss:$0x1] =	vst.idx.msk $0xffff, v2  }
0x60: {  	v7 =	vld [tilespmem:s18+$0xFFFFFFD0];
	[tilespmem:v0+s20+$0x40 ss:$0x1] =	vst.idx.msk $0xffff, v3  }
0x61: {  	s21 =	sadd.s32 $0x80, s21;
	v8 =	vld [tilespmem:s18+$0xFFFFFFE0];
	[tilespmem:v0+s20+$0x50 ss:$0x1] =	vst.idx.msk $0xffff, v5  }
.Ltmp6:
0x62: {  	v2 =	vld [tilespmem:s18+$0xFFFFFFF0];
	[tilespmem:v0+s20+$0x60 ss:$0x1] =	vst.idx.msk $0xffff, v4;
	s20 =	sand.u32 $0x3F80, s21;
	(pc) =	sbr.rel @p1 .LBB1_7-.Ltmp6, $4  }
0x63: {  	v3 =	vld [tilespmem:s18+$0x0];
	[tilespmem:v0+s20+$0x70 ss:$0x1] =	vst.idx.msk $0xffff, v1  }
0x64: {  	[tilespmem:v0+s20+$0x0 ss:$0x1] =	vst.idx.msk $0xffff, v6;
	v5 =	vld [tilespmem:s18+$0x10]  }
0x65: {  	[tilespmem:v0+s20+$0x10 ss:$0x1] =	vst.idx.msk $0xffff, v7;
	v4 =	vld [tilespmem:s18+$0x20];
	s18 =	sadd.s32 $0x80, s18  }
0x66: {  	s22 =	sadd.s32 $0xFFFFFFFF, s22;
	v1 =	vld [tilespmem:s18+$0x30];
	[tilespmem:v0+s20+$0x20 ss:$0x1] =	vst.idx.msk $0xffff, v8  }
.Ltmp7:
0x67: {  	_ = 	snop;
	(pc) =	sbr.rel .LBB1_8-.Ltmp7, $1  }
0x68: {  	_ =	sdelay $0x3  }
.LBB1_6:
.Ltmp8:
0x69: {  	(pc) =	sbr.rel .LBB1_8-.Ltmp8, $2  }
0x6a: {  	_ =	sdelay $0x2  }
0x6b: {  	s21 =	simm.s32 $0x0  }
.LBB1_11:
0x6c: {  	_ =	sfence.sel $0x180000  }
0x6d: {  	s2 =	simm.s32 $0x1;
	[bflag:$0x0] =	sbarrier.arrive $0xFFFF  }
0x6e: {  	s31 =	simm.s32 $0x2;
	[sflag:s2] =	ssyncpa.u1 $0x1  }
0x6f: {  	[sflag:s31] =	ssyncpa.u1 $0x1  }
0x70: {  	p0 =	sne.s32 s0, $0x0;
	_ =	strace $0x90000047  }
0x71: {  	s0 =	sadd.s32 @!p0 $0x100000, s1;
	[bflag:$0x2] =	sbarrier.arrive $0xFFFF  }
0x72: {  	[sflag:s0] =	ssyncadd.tile.s32 @!p0 $0x1;
	_ =	shalt  }
.Lfunc_end1:
_tile_overlayer_lowered:
.L_overlay_start_2:
0x73: {  	(tag) =	ssettag $0x2  }
0x74: {  	s0 =	rddreg [dreg:$0x0];
	s2 =	stileid.u32  }
0x75: {  	s1 =	rddreg [dreg:$0x1];
	p0 =	sne.s32 s2, $0x0  }
0x76: {  	s3 =	rddreg [dreg:$0x2];
	[bflag:$0x3] =	sbarrier.arrive $0xFFFF;
	s2 =	simm.s32 @!p0 $0x1C01  }
0x77: {  	[timem:s3], [sflag:s2] =	dma.local @!p0 [hbm:s0], s1  }
0x78: {  	s0 =	simm.s32 @!p0 $0x1  }
0x79: {  	_ =	swait.ge @!p0 [sflag:s0], s1  }
0x7a: {  	s1 =	ssub.s32 @!p0 $0x0, s1;
	[sflag:s0] =	ssyncset.done @!p0 $0x0  }
0x7b: {  	[sflag:s0] =	ssyncadd.s32 @!p0 s1  }
0x7c: {  	[bflag:$0x3] =	sbarrier.arrive $0xFFFF  }
0x7d: {  	_ =	shalt  }

</sc_bundles>
